<compile_context>
chip_gen: v7x
topology: tpu7x:2x2x1
jax: 0.10.2.dev20260603
libtpu: 0.0.44.dev20260713+nightly
codegen_flags: <defaults>
</compile_context>

<pallas_src>
import functools

import jax
import jax.numpy as jnp
from jax import lax
from jax.experimental import pallas as pl
from jax.experimental.pallas import tpu as pltpu
from jax.experimental.pallas import tpu_sc as plsc

_NC = 2
_NS = 16
_NW = _NC * _NS
_L = 16
_LANE = 128
_NR = 8


def _extract(slabs_v, p, rlo, rows_v, jrow, D):
    rlo16 = jnp.full((_L,), rlo, jnp.int32)
    for k in range(D // _L):
        c16 = lax.iota(jnp.int32, _L) + k * _L
        v = plsc.load_gather(slabs_v.at[p], [c16, rlo16])
        plsc.store_scatter(
            rows_v, [jnp.full((_L,), jrow, jnp.int32), c16], v
        )


def _body(b_per_w, D, tableT_hbm, idx_hbm, out_hbm, idx_v, rows_v, slabs_v,
          *sems):
    wid = lax.axis_index("s") * _NC + lax.axis_index("c")
    base = wid * b_per_w
    ngrp = b_per_w // _L
    pltpu.sync_copy(idx_hbm.at[pl.ds(base, b_per_w)], idx_v)

    def fetch(p, i):
        off = pl.multiple_of((i // _LANE) * _LANE, _LANE)
        pltpu.make_async_copy(
            tableT_hbm.at[:, pl.ds(off, _LANE)], slabs_v.at[p], sems[p]
        ).start()

    def slab_wait(p):
        pltpu.make_async_copy(
            tableT_hbm.at[:, pl.ds(0, _LANE)], slabs_v.at[p], sems[p]
        ).wait()

    v0 = idx_v[pl.ds(0, _L)]
    for p in range(_NR):
        fetch(p, v0[p])

    nflush = rows_v.shape[0]

    def g_step(g, carry):
        v16 = idx_v[pl.ds(g * _L, _L)]
        gn = lax.rem(g + 1, jnp.int32(ngrp))
        v16n = idx_v[pl.ds(gn * _L, _L)]
        jrow = lax.rem(g, jnp.int32(nflush // _L)) * _L
        for l in range(_L):
            p = l % _NR
            slab_wait(p)
            _extract(slabs_v, p, v16[l] % _LANE, rows_v, jrow + l, D)
            nxt = v16[l + _NR] if l + _NR < _L else v16n[l + _NR - _L]
            fetch(p, nxt)

        @pl.when(lax.rem(g, jnp.int32(nflush // _L)) == nflush // _L - 1)
        def _flush():
            pltpu.sync_copy(
                rows_v,
                out_hbm.at[pl.ds(base + (g - (nflush // _L - 1)) * _L, nflush)],
            )

        return carry

    lax.fori_loop(0, ngrp, g_step, None)
    for p in range(_NR):
        slab_wait(p)


@functools.cache
def _build(B, N, D):
    assert B % (8 * _NW) == 0 and D % _L == 0
    b_per_w = B // _NW
    mesh = plsc.VectorSubcoreMesh(core_axis_name="c", subcore_axis_name="s")
    return pl.kernel(
        functools.partial(_body, b_per_w, D),
        mesh=mesh,
        out_type=jax.ShapeDtypeStruct((B, D), jnp.float32),
        scratch_types=[
            pltpu.VMEM((b_per_w,), jnp.int32),
            pltpu.VMEM((128, D), jnp.float32),
            pltpu.VMEM((_NR, D, _LANE), jnp.float32),
        ] + [pltpu.SemaphoreType.DMA] * _NR,
        compiler_params=pltpu.CompilerParams(needs_layout_passes=False),
    )


def kernel(idx, emb_weight):
    B = idx.shape[0]
    N, D = emb_weight.shape
    return _build(B, N, D)(emb_weight.T, idx.astype(jnp.int32))

# --- scband reference (transcript-rebuilt; emitter-appended) ---
"""Pipeline reference for scband-latent-codes-dict-64209761075944 (READ-ONLY COPY).

The authoritative reference and input builder live on the scoring server;
editing this copy changes nothing except your own understanding.
"""

import jax, jax.numpy as jnp
import numpy as np

N = 1000000
NZ = 64
B = 16384

def setup_inputs(seed: int = 0) -> dict:
    key = jax.random.key(seed)
    k_idx, k_w = jax.random.split(key)
    idx = jax.random.randint(k_idx, (B,), 0, N, dtype=jnp.int64 if jax.config.jax_enable_x64 else jnp.int32)
    emb_weight = jax.random.normal(k_w, (N, NZ), dtype=jnp.float32) * 0.01
    return {"idx": idx, "emb_weight": emb_weight}

def reference(idx, emb_weight):
    # z = self.emb(idx).squeeze()
    z = jnp.take(emb_weight, idx, axis=0)
    z = jnp.squeeze(z)
    return z

if __name__ == "__main__":
    import jax
    _d = setup_inputs()
    print(jax.jit(kernel)(*tuple(_d.values())))

</pallas_src>

<mosaic_0001>
#map = affine_map<(d0, d1) -> (0, 0)>
#map1 = affine_map<(d0, d1) -> (0)>
module attributes {stable_mosaic.version = 14 : i64} {
  func.func @_body(%arg0: i32, %arg1: i32, %arg2: memref<64x1000000xf32, #tpu.memory_space<hbm>>, %arg3: memref<16384xi32, #tpu.memory_space<hbm>>, %arg4: memref<16384x64xf32, #tpu.memory_space<hbm>>, %arg5: memref<512xi32, #tpu.memory_space<vmem>>, %arg6: memref<128x64xf32, #tpu.memory_space<vmem>>, %arg7: memref<8x64x128xf32, #tpu.memory_space<vmem>>, %arg8: memref<!tpu.dma_semaphore, #tpu.memory_space<semaphore_mem>>, %arg9: memref<!tpu.dma_semaphore, #tpu.memory_space<semaphore_mem>>, %arg10: memref<!tpu.dma_semaphore, #tpu.memory_space<semaphore_mem>>, %arg11: memref<!tpu.dma_semaphore, #tpu.memory_space<semaphore_mem>>, %arg12: memref<!tpu.dma_semaphore, #tpu.memory_space<semaphore_mem>>, %arg13: memref<!tpu.dma_semaphore, #tpu.memory_space<semaphore_mem>>, %arg14: memref<!tpu.dma_semaphore, #tpu.memory_space<semaphore_mem>>, %arg15: memref<!tpu.dma_semaphore, #tpu.memory_space<semaphore_mem>>) attributes {dimension_semantics = [#tpu.dimension_semantics<core_parallel>, #tpu.dimension_semantics<subcore_parallel>], iteration_bounds = array<i64: 2, 16>, scalar_prefetch = 0 : i64, scratch_operands = 11 : i64, tpu.core_type = #tpu.core_type<sc_vector_subcore>, window_params = [{transform_indices = #map}, {transform_indices = #map1}, {transform_indices = #map}]} {
    %mul3A = arith.constant 2 : i32
    %mul3A_0 = arith.muli %arg1, %mul3A : i32
    %add3A = arith.addi %mul3A_0, %arg0 : i32
    %mul3A_1 = arith.constant 512 : i32
    %mul3A_2 = arith.muli %add3A, %mul3A_1 : i32
    "tpu.region"() ({
      %run_scoped3A = tpu.sem_alloc : memref<!tpu.dma_semaphore, #tpu.memory_space<semaphore_mem>>
      %dma_start3A_451 = tpu.memref_slice %arg3[%mul3A_2] : memref<16384xi32, #tpu.memory_space<hbm>> -> memref<512xi32, #tpu.memory_space<hbm>>
      %dma_start3A_452 = tpu.memref_slice %arg3[%mul3A_2] : memref<16384xi32, #tpu.memory_space<hbm>> -> memref<512xi32, #tpu.memory_space<hbm>>
      tpu.enqueue_dma source(%dma_start3A_452 : memref<512xi32, #tpu.memory_space<hbm>>) target(%arg5 : memref<512xi32, #tpu.memory_space<vmem>>) target_semaphore(%run_scoped3A : memref<!tpu.dma_semaphore, #tpu.memory_space<semaphore_mem>>)
      %dma_wait3A_453 = tpu.memref_slice %arg3[%mul3A_2] : memref<16384xi32, #tpu.memory_space<hbm>> -> memref<512xi32, #tpu.memory_space<hbm>>
      %dma_wait3A_454 = tpu.memref_slice %arg3[%mul3A_2] : memref<16384xi32, #tpu.memory_space<hbm>> -> memref<512xi32, #tpu.memory_space<hbm>>
      tpu.wait_dma2 semaphore(%run_scoped3A : memref<!tpu.dma_semaphore, #tpu.memory_space<semaphore_mem>>) src(%dma_wait3A_454 : memref<512xi32, #tpu.memory_space<hbm>>) dst(%arg5 : memref<512xi32, #tpu.memory_space<vmem>>)
      tpu.yield
    }) : () -> ()
    %get3A = arith.constant 0 : index
    %get3A_3 = tpu.vector_load %arg5[%get3A] {strides = array<i32>} : memref<512xi32, #tpu.memory_space<vmem>>, vector<16xi32>,
    %slice3A = vector.extract_strided_slice %get3A_3 {offsets = [0], sizes = [1], strides = [1]} : vector<16xi32> to vector<1xi32>
    %squeeze3A = vector.extract %slice3A[0] : i32 from vector<1xi32>
    %jit3A = arith.constant 128 : i32
    %div3A = arith.divsi %squeeze3A, %jit3A : i32
    %sign3A = arith.constant 0 : i32
    %sign3A_4 = arith.cmpi sgt, %squeeze3A, %sign3A : i32
    %sign3A_5 = arith.extui %sign3A_4 : i1 to i32
    %sign3A_6 = arith.constant 0 : i32
    %sign3A_7 = arith.cmpi slt, %squeeze3A, %sign3A_6 : i32
    %sign3A_8 = arith.extui %sign3A_7 : i1 to i32
    %sign3A_9 = arith.subi %sign3A_5, %sign3A_8 : i32
    %sign3A_10 = arith.constant 0 : i32
    %sign3A_11 = arith.cmpi sgt, %jit3A, %sign3A_10 : i32
    %sign3A_12 = arith.extui %sign3A_11 : i1 to i32
    %sign3A_13 = arith.constant 0 : i32
    %sign3A_14 = arith.cmpi slt, %jit3A, %sign3A_13 : i32
    %sign3A_15 = arith.extui %sign3A_14 : i1 to i32
    %sign3A_16 = arith.subi %sign3A_12, %sign3A_15 : i32
    %ne3A = arith.cmpi ne, %sign3A_9, %sign3A_16 : i32
    %rem3A = arith.remsi %squeeze3A, %jit3A : i32
    %ne3A_17 = arith.constant 0 : i32
    %ne3A_18 = arith.cmpi ne, %rem3A, %ne3A_17 : i32
    %and3A = arith.andi %ne3A, %ne3A_18 : i1
    %sub3A = arith.constant 1 : i32
    %sub3A_19 = arith.subi %div3A, %sub3A : i32
    %select_n3A = arith.select %and3A, %sub3A_19, %div3A : i32
    %mul3A_20 = arith.constant 128 : i32
    %mul3A_21 = arith.muli %select_n3A, %mul3A_20 : i32
    %multiple_of3A = tpu.assume_multiple %mul3A_21, 128 : i32
    %dma_start3A = arith.constant 0 : i32
    %dma_start3A_22 = arith.constant 0 : i32
    %dma_start3A_23 = arith.constant 0 : i32
    %dma_start3A_24 = tpu.memref_slice %arg7[%dma_start3A, %dma_start3A_22, %dma_start3A_23] : memref<8x64x128xf32, #tpu.memory_space<vmem>> -> memref<1x64x128xf32, #tpu.memory_space<vmem>>
    %dma_start3A_25 = tpu.memref_squeeze %dma_start3A_24 : memref<1x64x128xf32, #tpu.memory_space<vmem>> -> memref<64x128xf32, #tpu.memory_space<vmem>>
    %dma_start3A_26 = arith.constant 0 : i32
    %dma_start3A_27 = tpu.memref_slice %arg2[%dma_start3A_26, %multiple_of3A] : memref<64x1000000xf32, #tpu.memory_space<hbm>> -> memref<64x128xf32, #tpu.memory_space<hbm>>
    %dma_start3A_28 = arith.constant 0 : i32
    %dma_start3A_29 = arith.constant 0 : i32
    %dma_start3A_30 = tpu.memref_slice %arg7[%dma_start3A, %dma_start3A_28, %dma_start3A_29] : memref<8x64x128xf32, #tpu.memory_space<vmem>> -> memref<1x64x128xf32, #tpu.memory_space<vmem>>
    %dma_start3A_31 = tpu.memref_squeeze %dma_start3A_30 : memref<1x64x128xf32, #tpu.memory_space<vmem>> -> memref<64x128xf32, #tpu.memory_space<vmem>>
    %dma_start3A_32 = arith.constant 0 : i32
    %dma_start3A_33 = tpu.memref_slice %arg2[%dma_start3A_32, %multiple_of3A] : memref<64x1000000xf32, #tpu.memory_space<hbm>> -> memref<64x128xf32, #tpu.memory_space<hbm>>
    tpu.enqueue_dma source(%dma_start3A_33 : memref<64x128xf32, #tpu.memory_space<hbm>>) target(%dma_start3A_31 : memref<64x128xf32, #tpu.memory_space<vmem>>) target_semaphore(%arg8 : memref<!tpu.dma_semaphore, #tpu.memory_space<semaphore_mem>>)
    %slice3A_34 = vector.extract_strided_slice %get3A_3 {offsets = [1], sizes = [1], strides = [1]} : vector<16xi32> to vector<1xi32>
    %squeeze3A_35 = vector.extract %slice3A_34[0] : i32 from vector<1xi32>
    %jit3A_36 = arith.constant 128 : i32
    %div3A_37 = arith.divsi %squeeze3A_35, %jit3A_36 : i32
    %sign3A_38 = arith.constant 0 : i32
    %sign3A_39 = arith.cmpi sgt, %squeeze3A_35, %sign3A_38 : i32
    %sign3A_40 = arith.extui %sign3A_39 : i1 to i32
    %sign3A_41 = arith.constant 0 : i32
    %sign3A_42 = arith.cmpi slt, %squeeze3A_35, %sign3A_41 : i32
    %sign3A_43 = arith.extui %sign3A_42 : i1 to i32
    %sign3A_44 = arith.subi %sign3A_40, %sign3A_43 : i32
    %sign3A_45 = arith.constant 0 : i32
    %sign3A_46 = arith.cmpi sgt, %jit3A_36, %sign3A_45 : i32
    %sign3A_47 = arith.extui %sign3A_46 : i1 to i32
    %sign3A_48 = arith.constant 0 : i32
    %sign3A_49 = arith.cmpi slt, %jit3A_36, %sign3A_48 : i32
    %sign3A_50 = arith.extui %sign3A_49 : i1 to i32
    %sign3A_51 = arith.subi %sign3A_47, %sign3A_50 : i32
    %ne3A_52 = arith.cmpi ne, %sign3A_44, %sign3A_51 : i32
    %rem3A_53 = arith.remsi %squeeze3A_35, %jit3A_36 : i32
    %ne3A_54 = arith.constant 0 : i32
    %ne3A_55 = arith.cmpi ne, %rem3A_53, %ne3A_54 : i32
    %and3A_56 = arith.andi %ne3A_52, %ne3A_55 : i1
    %sub3A_57 = arith.constant 1 : i32
    %sub3A_58 = arith.subi %div3A_37, %sub3A_57 : i32
    %select_n3A_59 = arith.select %and3A_56, %sub3A_58, %div3A_37 : i32
    %mul3A_60 = arith.constant 128 : i32
    %mul3A_61 = arith.muli %select_n3A_59, %mul3A_60 : i32
    %multiple_of3A_62 = tpu.assume_multiple %mul3A_61, 128 : i32
    %dma_start3A_63 = arith.constant 1 : i32
    %dma_start3A_64 = arith.constant 0 : i32
    %dma_start3A_65 = arith.constant 0 : i32
    %dma_start3A_66 = tpu.memref_slice %arg7[%dma_start3A_63, %dma_start3A_64, %dma_start3A_65] : memref<8x64x128xf32, #tpu.memory_space<vmem>> -> memref<1x64x128xf32, #tpu.memory_space<vmem>>
    %dma_start3A_67 = tpu.memref_squeeze %dma_start3A_66 : memref<1x64x128xf32, #tpu.memory_space<vmem>> -> memref<64x128xf32, #tpu.memory_space<vmem>>
    %dma_start3A_68 = arith.constant 0 : i32
    %dma_start3A_69 = tpu.memref_slice %arg2[%dma_start3A_68, %multiple_of3A_62] : memref<64x1000000xf32, #tpu.memory_space<hbm>> -> memref<64x128xf32, #tpu.memory_space<hbm>>
    %dma_start3A_70 = arith.constant 0 : i32
    %dma_start3A_71 = arith.constant 0 : i32
    %dma_start3A_72 = tpu.memref_slice %arg7[%dma_start3A_63, %dma_start3A_70, %dma_start3A_71] : memref<8x64x128xf32, #tpu.memory_space<vmem>> -> memref<1x64x128xf32, #tpu.memory_space<vmem>>
    %dma_start3A_73 = tpu.memref_squeeze %dma_start3A_72 : memref<1x64x128xf32, #tpu.memory_space<vmem>> -> memref<64x128xf32, #tpu.memory_space<vmem>>
    %dma_start3A_74 = arith.constant 0 : i32
    %dma_start3A_75 = tpu.memref_slice %arg2[%dma_start3A_74, %multiple_of3A_62] : memref<64x1000000xf32, #tpu.memory_space<hbm>> -> memref<64x128xf32, #tpu.memory_space<hbm>>
    tpu.enqueue_dma source(%dma_start3A_75 : memref<64x128xf32, #tpu.memory_space<hbm>>) target(%dma_start3A_73 : memref<64x128xf32, #tpu.memory_space<vmem>>) target_semaphore(%arg9 : memref<!tpu.dma_semaphore, #tpu.memory_space<semaphore_mem>>)
    %slice3A_76 = vector.extract_strided_slice %get3A_3 {offsets = [2], sizes = [1], strides = [1]} : vector<16xi32> to vector<1xi32>
    %squeeze3A_77 = vector.extract %slice3A_76[0] : i32 from vector<1xi32>
    %jit3A_78 = arith.constant 128 : i32
    %div3A_79 = arith.divsi %squeeze3A_77, %jit3A_78 : i32
    %sign3A_80 = arith.constant 0 : i32
    %sign3A_81 = arith.cmpi sgt, %squeeze3A_77, %sign3A_80 : i32
    %sign3A_82 = arith.extui %sign3A_81 : i1 to i32
    %sign3A_83 = arith.constant 0 : i32
    %sign3A_84 = arith.cmpi slt, %squeeze3A_77, %sign3A_83 : i32
    %sign3A_85 = arith.extui %sign3A_84 : i1 to i32
    %sign3A_86 = arith.subi %sign3A_82, %sign3A_85 : i32
    %sign3A_87 = arith.constant 0 : i32
    %sign3A_88 = arith.cmpi sgt, %jit3A_78, %sign3A_87 : i32
    %sign3A_89 = arith.extui %sign3A_88 : i1 to i32
    %sign3A_90 = arith.constant 0 : i32
    %sign3A_91 = arith.cmpi slt, %jit3A_78, %sign3A_90 : i32
    %sign3A_92 = arith.extui %sign3A_91 : i1 to i32
    %sign3A_93 = arith.subi %sign3A_89, %sign3A_92 : i32
    %ne3A_94 = arith.cmpi ne, %sign3A_86, %sign3A_93 : i32
    %rem3A_95 = arith.remsi %squeeze3A_77, %jit3A_78 : i32
    %ne3A_96 = arith.constant 0 : i32
    %ne3A_97 = arith.cmpi ne, %rem3A_95, %ne3A_96 : i32
    %and3A_98 = arith.andi %ne3A_94, %ne3A_97 : i1
    %sub3A_99 = arith.constant 1 : i32
    %sub3A_100 = arith.subi %div3A_79, %sub3A_99 : i32
    %select_n3A_101 = arith.select %and3A_98, %sub3A_100, %div3A_79 : i32
    %mul3A_102 = arith.constant 128 : i32
    %mul3A_103 = arith.muli %select_n3A_101, %mul3A_102 : i32
    %multiple_of3A_104 = tpu.assume_multiple %mul3A_103, 128 : i32
    %dma_start3A_105 = arith.constant 2 : i32
    %dma_start3A_106 = arith.constant 0 : i32
    %dma_start3A_107 = arith.constant 0 : i32
    %dma_start3A_108 = tpu.memref_slice %arg7[%dma_start3A_105, %dma_start3A_106, %dma_start3A_107] : memref<8x64x128xf32, #tpu.memory_space<vmem>> -> memref<1x64x128xf32, #tpu.memory_space<vmem>>
    %dma_start3A_109 = tpu.memref_squeeze %dma_start3A_108 : memref<1x64x128xf32, #tpu.memory_space<vmem>> -> memref<64x128xf32, #tpu.memory_space<vmem>>
    %dma_start3A_110 = arith.constant 0 : i32
    %dma_start3A_111 = tpu.memref_slice %arg2[%dma_start3A_110, %multiple_of3A_104] : memref<64x1000000xf32, #tpu.memory_space<hbm>> -> memref<64x128xf32, #tpu.memory_space<hbm>>
    %dma_start3A_112 = arith.constant 0 : i32
    %dma_start3A_113 = arith.constant 0 : i32
    %dma_start3A_114 = tpu.memref_slice %arg7[%dma_start3A_105, %dma_start3A_112, %dma_start3A_113] : memref<8x64x128xf32, #tpu.memory_space<vmem>> -> memref<1x64x128xf32, #tpu.memory_space<vmem>>
    %dma_start3A_115 = tpu.memref_squeeze %dma_start3A_114 : memref<1x64x128xf32, #tpu.memory_space<vmem>> -> memref<64x128xf32, #tpu.memory_space<vmem>>
    %dma_start3A_116 = arith.constant 0 : i32
    %dma_start3A_117 = tpu.memref_slice %arg2[%dma_start3A_116, %multiple_of3A_104] : memref<64x1000000xf32, #tpu.memory_space<hbm>> -> memref<64x128xf32, #tpu.memory_space<hbm>>
    tpu.enqueue_dma source(%dma_start3A_117 : memref<64x128xf32, #tpu.memory_space<hbm>>) target(%dma_start3A_115 : memref<64x128xf32, #tpu.memory_space<vmem>>) target_semaphore(%arg10 : memref<!tpu.dma_semaphore, #tpu.memory_space<semaphore_mem>>)
    %slice3A_118 = vector.extract_strided_slice %get3A_3 {offsets = [3], sizes = [1], strides = [1]} : vector<16xi32> to vector<1xi32>
    %squeeze3A_119 = vector.extract %slice3A_118[0] : i32 from vector<1xi32>
    %jit3A_120 = arith.constant 128 : i32
    %div3A_121 = arith.divsi %squeeze3A_119, %jit3A_120 : i32
    %sign3A_122 = arith.constant 0 : i32
    %sign3A_123 = arith.cmpi sgt, %squeeze3A_119, %sign3A_122 : i32
    %sign3A_124 = arith.extui %sign3A_123 : i1 to i32
    %sign3A_125 = arith.constant 0 : i32
    %sign3A_126 = arith.cmpi slt, %squeeze3A_119, %sign3A_125 : i32
    %sign3A_127 = arith.extui %sign3A_126 : i1 to i32
    %sign3A_128 = arith.subi %sign3A_124, %sign3A_127 : i32
    %sign3A_129 = arith.constant 0 : i32
    %sign3A_130 = arith.cmpi sgt, %jit3A_120, %sign3A_129 : i32
    %sign3A_131 = arith.extui %sign3A_130 : i1 to i32
    %sign3A_132 = arith.constant 0 : i32
    %sign3A_133 = arith.cmpi slt, %jit3A_120, %sign3A_132 : i32
    %sign3A_134 = arith.extui %sign3A_133 : i1 to i32
    %sign3A_135 = arith.subi %sign3A_131, %sign3A_134 : i32
    %ne3A_136 = arith.cmpi ne, %sign3A_128, %sign3A_135 : i32
    %rem3A_137 = arith.remsi %squeeze3A_119, %jit3A_120 : i32
    %ne3A_138 = arith.constant 0 : i32
    %ne3A_139 = arith.cmpi ne, %rem3A_137, %ne3A_138 : i32
    %and3A_140 = arith.andi %ne3A_136, %ne3A_139 : i1
    %sub3A_141 = arith.constant 1 : i32
    %sub3A_142 = arith.subi %div3A_121, %sub3A_141 : i32
    %select_n3A_143 = arith.select %and3A_140, %sub3A_142, %div3A_121 : i32
    %mul3A_144 = arith.constant 128 : i32
    %mul3A_145 = arith.muli %select_n3A_143, %mul3A_144 : i32
    %multiple_of3A_146 = tpu.assume_multiple %mul3A_145, 128 : i32
    %dma_start3A_147 = arith.constant 3 : i32
    %dma_start3A_148 = arith.constant 0 : i32
    %dma_start3A_149 = arith.constant 0 : i32
    %dma_start3A_150 = tpu.memref_slice %arg7[%dma_start3A_147, %dma_start3A_148, %dma_start3A_149] : memref<8x64x128xf32, #tpu.memory_space<vmem>> -> memref<1x64x128xf32, #tpu.memory_space<vmem>>
    %dma_start3A_151 = tpu.memref_squeeze %dma_start3A_150 : memref<1x64x128xf32, #tpu.memory_space<vmem>> -> memref<64x128xf32, #tpu.memory_space<vmem>>
    %dma_start3A_152 = arith.constant 0 : i32
    %dma_start3A_153 = tpu.memref_slice %arg2[%dma_start3A_152, %multiple_of3A_146] : memref<64x1000000xf32, #tpu.memory_space<hbm>> -> memref<64x128xf32, #tpu.memory_space<hbm>>
    %dma_start3A_154 = arith.constant 0 : i32
    %dma_start3A_155 = arith.constant 0 : i32
    %dma_start3A_156 = tpu.memref_slice %arg7[%dma_start3A_147, %dma_start3A_154, %dma_start3A_155] : memref<8x64x128xf32, #tpu.memory_space<vmem>> -> memref<1x64x128xf32, #tpu.memory_space<vmem>>
    %dma_start3A_157 = tpu.memref_squeeze %dma_start3A_156 : memref<1x64x128xf32, #tpu.memory_space<vmem>> -> memref<64x128xf32, #tpu.memory_space<vmem>>
    %dma_start3A_158 = arith.constant 0 : i32
    %dma_start3A_159 = tpu.memref_slice %arg2[%dma_start3A_158, %multiple_of3A_146] : memref<64x1000000xf32, #tpu.memory_space<hbm>> -> memref<64x128xf32, #tpu.memory_space<hbm>>
    tpu.enqueue_dma source(%dma_start3A_159 : memref<64x128xf32, #tpu.memory_space<hbm>>) target(%dma_start3A_157 : memref<64x128xf32, #tpu.memory_space<vmem>>) target_semaphore(%arg11 : memref<!tpu.dma_semaphore, #tpu.memory_space<semaphore_mem>>)
    %slice3A_160 = vector.extract_strided_slice %get3A_3 {offsets = [4], sizes = [1], strides = [1]} : vector<16xi32> to vector<1xi32>
    %squeeze3A_161 = vector.extract %slice3A_160[0] : i32 from vector<1xi32>
    %jit3A_162 = arith.constant 128 : i32
    %div3A_163 = arith.divsi %squeeze3A_161, %jit3A_162 : i32
    %sign3A_164 = arith.constant 0 : i32
    %sign3A_165 = arith.cmpi sgt, %squeeze3A_161, %sign3A_164 : i32
    %sign3A_166 = arith.extui %sign3A_165 : i1 to i32
    %sign3A_167 = arith.constant 0 : i32
    %sign3A_168 = arith.cmpi slt, %squeeze3A_161, %sign3A_167 : i32
    %sign3A_169 = arith.extui %sign3A_168 : i1 to i32
    %sign3A_170 = arith.subi %sign3A_166, %sign3A_169 : i32
    %sign3A_171 = arith.constant 0 : i32
    %sign3A_172 = arith.cmpi sgt, %jit3A_162, %sign3A_171 : i32
    %sign3A_173 = arith.extui %sign3A_172 : i1 to i32
    %sign3A_174 = arith.constant 0 : i32
    %sign3A_175 = arith.cmpi slt, %jit3A_162, %sign3A_174 : i32
    %sign3A_176 = arith.extui %sign3A_175 : i1 to i32
    %sign3A_177 = arith.subi %sign3A_173, %sign3A_176 : i32
    %ne3A_178 = arith.cmpi ne, %sign3A_170, %sign3A_177 : i32
    %rem3A_179 = arith.remsi %squeeze3A_161, %jit3A_162 : i32
    %ne3A_180 = arith.constant 0 : i32
    %ne3A_181 = arith.cmpi ne, %rem3A_179, %ne3A_180 : i32
    %and3A_182 = arith.andi %ne3A_178, %ne3A_181 : i1
    %sub3A_183 = arith.constant 1 : i32
    %sub3A_184 = arith.subi %div3A_163, %sub3A_183 : i32
    %select_n3A_185 = arith.select %and3A_182, %sub3A_184, %div3A_163 : i32
    %mul3A_186 = arith.constant 128 : i32
    %mul3A_187 = arith.muli %select_n3A_185, %mul3A_186 : i32
    %multiple_of3A_188 = tpu.assume_multiple %mul3A_187, 128 : i32
    %dma_start3A_189 = arith.constant 4 : i32
    %dma_start3A_190 = arith.constant 0 : i32
    %dma_start3A_191 = arith.constant 0 : i32
    %dma_start3A_192 = tpu.memref_slice %arg7[%dma_start3A_189, %dma_start3A_190, %dma_start3A_191] : memref<8x64x128xf32, #tpu.memory_space<vmem>> -> memref<1x64x128xf32, #tpu.memory_space<vmem>>
    %dma_start3A_193 = tpu.memref_squeeze %dma_start3A_192 : memref<1x64x128xf32, #tpu.memory_space<vmem>> -> memref<64x128xf32, #tpu.memory_space<vmem>>
    %dma_start3A_194 = arith.constant 0 : i32
    %dma_start3A_195 = tpu.memref_slice %arg2[%dma_start3A_194, %multiple_of3A_188] : memref<64x1000000xf32, #tpu.memory_space<hbm>> -> memref<64x128xf32, #tpu.memory_space<hbm>>
    %dma_start3A_196 = arith.constant 0 : i32
    %dma_start3A_197 = arith.constant 0 : i32
    %dma_start3A_198 = tpu.memref_slice %arg7[%dma_start3A_189, %dma_start3A_196, %dma_start3A_197] : memref<8x64x128xf32, #tpu.memory_space<vmem>> -> memref<1x64x128xf32, #tpu.memory_space<vmem>>
    %dma_start3A_199 = tpu.memref_squeeze %dma_start3A_198 : memref<1x64x128xf32, #tpu.memory_space<vmem>> -> memref<64x128xf32, #tpu.memory_space<vmem>>
    %dma_start3A_200 = arith.constant 0 : i32
    %dma_start3A_201 = tpu.memref_slice %arg2[%dma_start3A_200, %multiple_of3A_188] : memref<64x1000000xf32, #tpu.memory_space<hbm>> -> memref<64x128xf32, #tpu.memory_space<hbm>>
    tpu.enqueue_dma source(%dma_start3A_201 : memref<64x128xf32, #tpu.memory_space<hbm>>) target(%dma_start3A_199 : memref<64x128xf32, #tpu.memory_space<vmem>>) target_semaphore(%arg12 : memref<!tpu.dma_semaphore, #tpu.memory_space<semaphore_mem>>)
    %slice3A_202 = vector.extract_strided_slice %get3A_3 {offsets = [5], sizes = [1], strides = [1]} : vector<16xi32> to vector<1xi32>
    %squeeze3A_203 = vector.extract %slice3A_202[0] : i32 from vector<1xi32>
    %jit3A_204 = arith.constant 128 : i32
    %div3A_205 = arith.divsi %squeeze3A_203, %jit3A_204 : i32
    %sign3A_206 = arith.constant 0 : i32
    %sign3A_207 = arith.cmpi sgt, %squeeze3A_203, %sign3A_206 : i32
    %sign3A_208 = arith.extui %sign3A_207 : i1 to i32
    %sign3A_209 = arith.constant 0 : i32
    %sign3A_210 = arith.cmpi slt, %squeeze3A_203, %sign3A_209 : i32
    %sign3A_211 = arith.extui %sign3A_210 : i1 to i32
    %sign3A_212 = arith.subi %sign3A_208, %sign3A_211 : i32
    %sign3A_213 = arith.constant 0 : i32
    %sign3A_214 = arith.cmpi sgt, %jit3A_204, %sign3A_213 : i32
    %sign3A_215 = arith.extui %sign3A_214 : i1 to i32
    %sign3A_216 = arith.constant 0 : i32
    %sign3A_217 = arith.cmpi slt, %jit3A_204, %sign3A_216 : i32
    %sign3A_218 = arith.extui %sign3A_217 : i1 to i32
    %sign3A_219 = arith.subi %sign3A_215, %sign3A_218 : i32
    %ne3A_220 = arith.cmpi ne, %sign3A_212, %sign3A_219 : i32
    %rem3A_221 = arith.remsi %squeeze3A_203, %jit3A_204 : i32
    %ne3A_222 = arith.constant 0 : i32
    %ne3A_223 = arith.cmpi ne, %rem3A_221, %ne3A_222 : i32
    %and3A_224 = arith.andi %ne3A_220, %ne3A_223 : i1
    %sub3A_225 = arith.constant 1 : i32
    %sub3A_226 = arith.subi %div3A_205, %sub3A_225 : i32
    %select_n3A_227 = arith.select %and3A_224, %sub3A_226, %div3A_205 : i32
    %mul3A_228 = arith.constant 128 : i32
    %mul3A_229 = arith.muli %select_n3A_227, %mul3A_228 : i32
    %multiple_of3A_230 = tpu.assume_multiple %mul3A_229, 128 : i32
    %dma_start3A_231 = arith.constant 5 : i32
    %dma_start3A_232 = arith.constant 0 : i32
    %dma_start3A_233 = arith.constant 0 : i32
    %dma_start3A_234 = tpu.memref_slice %arg7[%dma_start3A_231, %dma_start3A_232, %dma_start3A_233] : memref<8x64x128xf32, #tpu.memory_space<vmem>> -> memref<1x64x128xf32, #tpu.memory_space<vmem>>
    %dma_start3A_235 = tpu.memref_squeeze %dma_start3A_234 : memref<1x64x128xf32, #tpu.memory_space<vmem>> -> memref<64x128xf32, #tpu.memory_space<vmem>>
    %dma_start3A_236 = arith.constant 0 : i32
    %dma_start3A_237 = tpu.memref_slice %arg2[%dma_start3A_236, %multiple_of3A_230] : memref<64x1000000xf32, #tpu.memory_space<hbm>> -> memref<64x128xf32, #tpu.memory_space<hbm>>
    %dma_start3A_238 = arith.constant 0 : i32
    %dma_start3A_239 = arith.constant 0 : i32
    %dma_start3A_240 = tpu.memref_slice %arg7[%dma_start3A_231, %dma_start3A_238, %dma_start3A_239] : memref<8x64x128xf32, #tpu.memory_space<vmem>> -> memref<1x64x128xf32, #tpu.memory_space<vmem>>
    %dma_start3A_241 = tpu.memref_squeeze %dma_start3A_240 : memref<1x64x128xf32, #tpu.memory_space<vmem>> -> memref<64x128xf32, #tpu.memory_space<vmem>>
    %dma_start3A_242 = arith.constant 0 : i32
    %dma_start3A_243 = tpu.memref_slice %arg2[%dma_start3A_242, %multiple_of3A_230] : memref<64x1000000xf32, #tpu.memory_space<hbm>> -> memref<64x128xf32, #tpu.memory_space<hbm>>
    tpu.enqueue_dma source(%dma_start3A_243 : memref<64x128xf32, #tpu.memory_space<hbm>>) target(%dma_start3A_241 : memref<64x128xf32, #tpu.memory_space<vmem>>) target_semaphore(%arg13 : memref<!tpu.dma_semaphore, #tpu.memory_space<semaphore_mem>>)
    %slice3A_244 = vector.extract_strided_slice %get3A_3 {offsets = [6], sizes = [1], strides = [1]} : vector<16xi32> to vector<1xi32>
    %squeeze3A_245 = vector.extract %slice3A_244[0] : i32 from vector<1xi32>
    %jit3A_246 = arith.constant 128 : i32
    %div3A_247 = arith.divsi %squeeze3A_245, %jit3A_246 : i32
    %sign3A_248 = arith.constant 0 : i32
    %sign3A_249 = arith.cmpi sgt, %squeeze3A_245, %sign3A_248 : i32
    %sign3A_250 = arith.extui %sign3A_249 : i1 to i32
    %sign3A_251 = arith.constant 0 : i32
    %sign3A_252 = arith.cmpi slt, %squeeze3A_245, %sign3A_251 : i32
    %sign3A_253 = arith.extui %sign3A_252 : i1 to i32
    %sign3A_254 = arith.subi %sign3A_250, %sign3A_253 : i32
    %sign3A_255 = arith.constant 0 : i32
    %sign3A_256 = arith.cmpi sgt, %jit3A_246, %sign3A_255 : i32
    %sign3A_257 = arith.extui %sign3A_256 : i1 to i32
    %sign3A_258 = arith.constant 0 : i32
    %sign3A_259 = arith.cmpi slt, %jit3A_246, %sign3A_258 : i32
    %sign3A_260 = arith.extui %sign3A_259 : i1 to i32
    %sign3A_261 = arith.subi %sign3A_257, %sign3A_260 : i32
    %ne3A_262 = arith.cmpi ne, %sign3A_254, %sign3A_261 : i32
    %rem3A_263 = arith.remsi %squeeze3A_245, %jit3A_246 : i32
    %ne3A_264 = arith.constant 0 : i32
    %ne3A_265 = arith.cmpi ne, %rem3A_263, %ne3A_264 : i32
    %and3A_266 = arith.andi %ne3A_262, %ne3A_265 : i1
    %sub3A_267 = arith.constant 1 : i32
    %sub3A_268 = arith.subi %div3A_247, %sub3A_267 : i32
    %select_n3A_269 = arith.select %and3A_266, %sub3A_268, %div3A_247 : i32
    %mul3A_270 = arith.constant 128 : i32
    %mul3A_271 = arith.muli %select_n3A_269, %mul3A_270 : i32
    %multiple_of3A_272 = tpu.assume_multiple %mul3A_271, 128 : i32
    %dma_start3A_273 = arith.constant 6 : i32
    %dma_start3A_274 = arith.constant 0 : i32
    %dma_start3A_275 = arith.constant 0 : i32
    %dma_start3A_276 = tpu.memref_slice %arg7[%dma_start3A_273, %dma_start3A_274, %dma_start3A_275] : memref<8x64x128xf32, #tpu.memory_space<vmem>> -> memref<1x64x128xf32, #tpu.memory_space<vmem>>
    %dma_start3A_277 = tpu.memref_squeeze %dma_start3A_276 : memref<1x64x128xf32, #tpu.memory_space<vmem>> -> memref<64x128xf32, #tpu.memory_space<vmem>>
    %dma_start3A_278 = arith.constant 0 : i32
    %dma_start3A_279 = tpu.memref_slice %arg2[%dma_start3A_278, %multiple_of3A_272] : memref<64x1000000xf32, #tpu.memory_space<hbm>> -> memref<64x128xf32, #tpu.memory_space<hbm>>
    %dma_start3A_280 = arith.constant 0 : i32
    %dma_start3A_281 = arith.constant 0 : i32
    %dma_start3A_282 = tpu.memref_slice %arg7[%dma_start3A_273, %dma_start3A_280, %dma_start3A_281] : memref<8x64x128xf32, #tpu.memory_space<vmem>> -> memref<1x64x128xf32, #tpu.memory_space<vmem>>
    %dma_start3A_283 = tpu.memref_squeeze %dma_start3A_282 : memref<1x64x128xf32, #tpu.memory_space<vmem>> -> memref<64x128xf32, #tpu.memory_space<vmem>>
    %dma_start3A_284 = arith.constant 0 : i32
    %dma_start3A_285 = tpu.memref_slice %arg2[%dma_start3A_284, %multiple_of3A_272] : memref<64x1000000xf32, #tpu.memory_space<hbm>> -> memref<64x128xf32, #tpu.memory_space<hbm>>
    tpu.enqueue_dma source(%dma_start3A_285 : memref<64x128xf32, #tpu.memory_space<hbm>>) target(%dma_start3A_283 : memref<64x128xf32, #tpu.memory_space<vmem>>) target_semaphore(%arg14 : memref<!tpu.dma_semaphore, #tpu.memory_space<semaphore_mem>>)
    %slice3A_286 = vector.extract_strided_slice %get3A_3 {offsets = [7], sizes = [1], strides = [1]} : vector<16xi32> to vector<1xi32>
    %squeeze3A_287 = vector.extract %slice3A_286[0] : i32 from vector<1xi32>
    %jit3A_288 = arith.constant 128 : i32
    %div3A_289 = arith.divsi %squeeze3A_287, %jit3A_288 : i32
    %sign3A_290 = arith.constant 0 : i32
    %sign3A_291 = arith.cmpi sgt, %squeeze3A_287, %sign3A_290 : i32
    %sign3A_292 = arith.extui %sign3A_291 : i1 to i32
    %sign3A_293 = arith.constant 0 : i32
    %sign3A_294 = arith.cmpi slt, %squeeze3A_287, %sign3A_293 : i32
    %sign3A_295 = arith.extui %sign3A_294 : i1 to i32
    %sign3A_296 = arith.subi %sign3A_292, %sign3A_295 : i32
    %sign3A_297 = arith.constant 0 : i32
    %sign3A_298 = arith.cmpi sgt, %jit3A_288, %sign3A_297 : i32
    %sign3A_299 = arith.extui %sign3A_298 : i1 to i32
    %sign3A_300 = arith.constant 0 : i32
    %sign3A_301 = arith.cmpi slt, %jit3A_288, %sign3A_300 : i32
    %sign3A_302 = arith.extui %sign3A_301 : i1 to i32
    %sign3A_303 = arith.subi %sign3A_299, %sign3A_302 : i32
    %ne3A_304 = arith.cmpi ne, %sign3A_296, %sign3A_303 : i32
    %rem3A_305 = arith.remsi %squeeze3A_287, %jit3A_288 : i32
    %ne3A_306 = arith.constant 0 : i32
    %ne3A_307 = arith.cmpi ne, %rem3A_305, %ne3A_306 : i32
    %and3A_308 = arith.andi %ne3A_304, %ne3A_307 : i1
    %sub3A_309 = arith.constant 1 : i32
    %sub3A_310 = arith.subi %div3A_289, %sub3A_309 : i32
    %select_n3A_311 = arith.select %and3A_308, %sub3A_310, %div3A_289 : i32
    %mul3A_312 = arith.constant 128 : i32
    %mul3A_313 = arith.muli %select_n3A_311, %mul3A_312 : i32
    %multiple_of3A_314 = tpu.assume_multiple %mul3A_313, 128 : i32
    %dma_start3A_315 = arith.constant 7 : i32
    %dma_start3A_316 = arith.constant 0 : i32
    %dma_start3A_317 = arith.constant 0 : i32
    %dma_start3A_318 = tpu.memref_slice %arg7[%dma_start3A_315, %dma_start3A_316, %dma_start3A_317] : memref<8x64x128xf32, #tpu.memory_space<vmem>> -> memref<1x64x128xf32, #tpu.memory_space<vmem>>
    %dma_start3A_319 = tpu.memref_squeeze %dma_start3A_318 : memref<1x64x128xf32, #tpu.memory_space<vmem>> -> memref<64x128xf32, #tpu.memory_space<vmem>>
    %dma_start3A_320 = arith.constant 0 : i32
    %dma_start3A_321 = tpu.memref_slice %arg2[%dma_start3A_320, %multiple_of3A_314] : memref<64x1000000xf32, #tpu.memory_space<hbm>> -> memref<64x128xf32, #tpu.memory_space<hbm>>
    %dma_start3A_322 = arith.constant 0 : i32
    %dma_start3A_323 = arith.constant 0 : i32
    %dma_start3A_324 = tpu.memref_slice %arg7[%dma_start3A_315, %dma_start3A_322, %dma_start3A_323] : memref<8x64x128xf32, #tpu.memory_space<vmem>> -> memref<1x64x128xf32, #tpu.memory_space<vmem>>
    %dma_start3A_325 = tpu.memref_squeeze %dma_start3A_324 : memref<1x64x128xf32, #tpu.memory_space<vmem>> -> memref<64x128xf32, #tpu.memory_space<vmem>>
    %dma_start3A_326 = arith.constant 0 : i32
    %dma_start3A_327 = tpu.memref_slice %arg2[%dma_start3A_326, %multiple_of3A_314] : memref<64x1000000xf32, #tpu.memory_space<hbm>> -> memref<64x128xf32, #tpu.memory_space<hbm>>
    tpu.enqueue_dma source(%dma_start3A_327 : memref<64x128xf32, #tpu.memory_space<hbm>>) target(%dma_start3A_325 : memref<64x128xf32, #tpu.memory_space<vmem>>) target_semaphore(%arg15 : memref<!tpu.dma_semaphore, #tpu.memory_space<semaphore_mem>>)
    %scan3A = arith.constant 0 : i32
    %scan3A_328 = arith.constant 32 : i32
    %scan3A_329 = arith.addi %scan3A, %scan3A_328 : i32
    %scan3A_330 = arith.constant 1 : i32
    scf.for %scan3A_451 = %scan3A to %scan3A_329 step %scan3A_330  : i32 {
      %mul3A_452 = arith.constant 16 : i32
      %mul3A_453 = arith.muli %scan3A_451, %mul3A_452 : i32
      %get3A_454 = arith.index_cast %mul3A_453 : i32 to index
      %get3A_455 = tpu.vector_load %arg5[%get3A_454] {strides = array<i32>} : memref<512xi32, #tpu.memory_space<vmem>>, vector<16xi32>,
      %add3A_456 = arith.constant 1 : i32
      %add3A_457 = arith.addi %scan3A_451, %add3A_456 : i32
      %rem3A_458 = arith.constant 32 : i32
      %rem3A_459 = arith.remsi %add3A_457, %rem3A_458 : i32
      %mul3A_460 = arith.constant 16 : i32
      %mul3A_461 = arith.muli %rem3A_459, %mul3A_460 : i32
      %get3A_462 = arith.index_cast %mul3A_461 : i32 to index
      %get3A_463 = tpu.vector_load %arg5[%get3A_462] {strides = array<i32>} : memref<512xi32, #tpu.memory_space<vmem>>, vector<16xi32>,
      %rem3A_464 = arith.constant 8 : i32
      %rem3A_465 = arith.remsi %scan3A_451, %rem3A_464 : i32
      %mul3A_466 = arith.constant 16 : i32
      %mul3A_467 = arith.muli %rem3A_465, %mul3A_466 : i32
      %dma_wait3A_468 = arith.constant 0 : i32
      %dma_wait3A_469 = arith.constant 0 : i32
      %dma_wait3A_470 = arith.constant 0 : i32
      %dma_wait3A_471 = tpu.memref_slice %arg7[%dma_wait3A_468, %dma_wait3A_469, %dma_wait3A_470] : memref<8x64x128xf32, #tpu.memory_space<vmem>> -> memref<1x64x128xf32, #tpu.memory_space<vmem>>
      %dma_wait3A_472 = tpu.memref_squeeze %dma_wait3A_471 : memref<1x64x128xf32, #tpu.memory_space<vmem>> -> memref<64x128xf32, #tpu.memory_space<vmem>>
      %dma_wait3A_473 = arith.constant 0 : i32
      %dma_wait3A_474 = arith.constant 0 : i32
      %dma_wait3A_475 = tpu.memref_slice %arg2[%dma_wait3A_473, %dma_wait3A_474] : memref<64x1000000xf32, #tpu.memory_space<hbm>> -> memref<64x128xf32, #tpu.memory_space<hbm>>
      %dma_wait3A_476 = arith.constant 0 : i32
      %dma_wait3A_477 = arith.constant 0 : i32
      %dma_wait3A_478 = tpu.memref_slice %arg7[%dma_wait3A_468, %dma_wait3A_476, %dma_wait3A_477] : memref<8x64x128xf32, #tpu.memory_space<vmem>> -> memref<1x64x128xf32, #tpu.memory_space<vmem>>
      %dma_wait3A_479 = tpu.memref_squeeze %dma_wait3A_478 : memref<1x64x128xf32, #tpu.memory_space<vmem>> -> memref<64x128xf32, #tpu.memory_space<vmem>>
      %dma_wait3A_480 = arith.constant 0 : i32
      %dma_wait3A_481 = arith.constant 0 : i32
      %dma_wait3A_482 = tpu.memref_slice %arg2[%dma_wait3A_480, %dma_wait3A_481] : memref<64x1000000xf32, #tpu.memory_space<hbm>> -> memref<64x128xf32, #tpu.memory_space<hbm>>
      tpu.wait_dma2 semaphore(%arg8 : memref<!tpu.dma_semaphore, #tpu.memory_space<semaphore_mem>>) src(%dma_wait3A_482 : memref<64x128xf32, #tpu.memory_space<hbm>>) dst(%dma_wait3A_479 : memref<64x128xf32, #tpu.memory_space<vmem>>)
      %slice3A_483 = vector.extract_strided_slice %get3A_455 {offsets = [0], sizes = [1], strides = [1]} : vector<16xi32> to vector<1xi32>
      %squeeze3A_484 = vector.extract %slice3A_483[0] : i32 from vector<1xi32>
      %jit3A_485 = arith.constant 128 : i32
      %eq3A = arith.constant 0 : i32
      %eq3A_486 = arith.cmpi eq, %jit3A_485, %eq3A : i32
      %jit3A_487 = arith.constant 1 : i32
      %select_n3A_488 = arith.select %eq3A_486, %jit3A_487, %jit3A_485 : i32
      %rem3A_489 = arith.remsi %squeeze3A_484, %select_n3A_488 : i32
      %ne3A_490 = arith.constant 0 : i32
      %ne3A_491 = arith.cmpi ne, %rem3A_489, %ne3A_490 : i32
      %lt3A = arith.constant 0 : i32
      %lt3A_492 = arith.cmpi slt, %rem3A_489, %lt3A : i32
      %lt3A_493 = arith.constant 0 : i32
      %lt3A_494 = arith.cmpi slt, %select_n3A_488, %lt3A_493 : i32
      %ne3A_495 = arith.xori %lt3A_492, %lt3A_494 : i1
      %and3A_496 = arith.andi %ne3A_495, %ne3A_491 : i1
      %add3A_497 = arith.addi %rem3A_489, %select_n3A_488 : i32
      %select_n3A_498 = arith.select %and3A_496, %add3A_497, %rem3A_489 : i32
      %add3A_499 = arith.constant 0 : i32
      %add3A_500 = arith.addi %mul3A_467, %add3A_499 : i32
      %broadcast_in_dim3A = vector.broadcast %select_n3A_498 : i32 to vector<16xi32>
      %iota3A = tpu.iota {dimensions = array<i32: 0>} : vector<16xi32>
      %add3A_501 = arith.constant 0 : i32
      %add3A_502 = vector.broadcast %add3A_501 : i32 to vector<16xi32>
      %add3A_503 = arith.addi %iota3A, %add3A_502 : vector<16xi32>
      %gather3A = arith.constant 0 : i32
      %gather3A_504 = arith.constant 0 : i32
      %gather3A_505 = arith.constant 0 : i32
      %gather3A_506 = tpu.memref_slice %arg7[%gather3A, %gather3A_504, %gather3A_505] : memref<8x64x128xf32, #tpu.memory_space<vmem>> -> memref<1x64x128xf32, #tpu.memory_space<vmem>>
      %gather3A_507 = tpu.memref_squeeze %gather3A_506 : memref<1x64x128xf32, #tpu.memory_space<vmem>> -> memref<64x128xf32, #tpu.memory_space<vmem>>
      %gather3A_508 = tpu.vector_load_idx %gather3A_507[%add3A_503, %broadcast_in_dim3A] : memref<64x128xf32, #tpu.memory_space<vmem>>[vector<16xi32>, vector<16xi32>], vector<16xf32>,
      %broadcast_in_dim3A_509 = vector.broadcast %add3A_500 : i32 to vector<16xi32>
      tpu.vector_store_idx %arg6[%broadcast_in_dim3A_509, %add3A_503], %gather3A_508 : memref<128x64xf32, #tpu.memory_space<vmem>>[vector<16xi32>, vector<16xi32>], vector<16xf32>,
      %iota3A_510 = tpu.iota {dimensions = array<i32: 0>} : vector<16xi32>
      %add3A_511 = arith.constant 16 : i32
      %add3A_512 = vector.broadcast %add3A_511 : i32 to vector<16xi32>
      %add3A_513 = arith.addi %iota3A_510, %add3A_512 : vector<16xi32>
      %gather3A_514 = arith.constant 0 : i32
      %gather3A_515 = arith.constant 0 : i32
      %gather3A_516 = arith.constant 0 : i32
      %gather3A_517 = tpu.memref_slice %arg7[%gather3A_514, %gather3A_515, %gather3A_516] : memref<8x64x128xf32, #tpu.memory_space<vmem>> -> memref<1x64x128xf32, #tpu.memory_space<vmem>>
      %gather3A_518 = tpu.memref_squeeze %gather3A_517 : memref<1x64x128xf32, #tpu.memory_space<vmem>> -> memref<64x128xf32, #tpu.memory_space<vmem>>
      %gather3A_519 = tpu.vector_load_idx %gather3A_518[%add3A_513, %broadcast_in_dim3A] : memref<64x128xf32, #tpu.memory_space<vmem>>[vector<16xi32>, vector<16xi32>], vector<16xf32>,
      %broadcast_in_dim3A_520 = vector.broadcast %add3A_500 : i32 to vector<16xi32>
      tpu.vector_store_idx %arg6[%broadcast_in_dim3A_520, %add3A_513], %gather3A_519 : memref<128x64xf32, #tpu.memory_space<vmem>>[vector<16xi32>, vector<16xi32>], vector<16xf32>,
      %iota3A_521 = tpu.iota {dimensions = array<i32: 0>} : vector<16xi32>
      %add3A_522 = arith.constant 32 : i32
      %add3A_523 = vector.broadcast %add3A_522 : i32 to vector<16xi32>
      %add3A_524 = arith.addi %iota3A_521, %add3A_523 : vector<16xi32>
      %gather3A_525 = arith.constant 0 : i32
      %gather3A_526 = arith.constant 0 : i32
      %gather3A_527 = arith.constant 0 : i32
      %gather3A_528 = tpu.memref_slice %arg7[%gather3A_525, %gather3A_526, %gather3A_527] : memref<8x64x128xf32, #tpu.memory_space<vmem>> -> memref<1x64x128xf32, #tpu.memory_space<vmem>>
      %gather3A_529 = tpu.memref_squeeze %gather3A_528 : memref<1x64x128xf32, #tpu.memory_space<vmem>> -> memref<64x128xf32, #tpu.memory_space<vmem>>
      %gather3A_530 = tpu.vector_load_idx %gather3A_529[%add3A_524, %broadcast_in_dim3A] : memref<64x128xf32, #tpu.memory_space<vmem>>[vector<16xi32>, vector<16xi32>], vector<16xf32>,
      %broadcast_in_dim3A_531 = vector.broadcast %add3A_500 : i32 to vector<16xi32>
      tpu.vector_store_idx %arg6[%broadcast_in_dim3A_531, %add3A_524], %gather3A_530 : memref<128x64xf32, #tpu.memory_space<vmem>>[vector<16xi32>, vector<16xi32>], vector<16xf32>,
      %iota3A_532 = tpu.iota {dimensions = array<i32: 0>} : vector<16xi32>
      %add3A_533 = arith.constant 48 : i32
      %add3A_534 = vector.broadcast %add3A_533 : i32 to vector<16xi32>
      %add3A_535 = arith.addi %iota3A_532, %add3A_534 : vector<16xi32>
      %gather3A_536 = arith.constant 0 : i32
      %gather3A_537 = arith.constant 0 : i32
      %gather3A_538 = arith.constant 0 : i32
      %gather3A_539 = tpu.memref_slice %arg7[%gather3A_536, %gather3A_537, %gather3A_538] : memref<8x64x128xf32, #tpu.memory_space<vmem>> -> memref<1x64x128xf32, #tpu.memory_space<vmem>>
      %gather3A_540 = tpu.memref_squeeze %gather3A_539 : memref<1x64x128xf32, #tpu.memory_space<vmem>> -> memref<64x128xf32, #tpu.memory_space<vmem>>
      %gather3A_541 = tpu.vector_load_idx %gather3A_540[%add3A_535, %broadcast_in_dim3A] : memref<64x128xf32, #tpu.memory_space<vmem>>[vector<16xi32>, vector<16xi32>], vector<16xf32>,
      %broadcast_in_dim3A_542 = vector.broadcast %add3A_500 : i32 to vector<16xi32>
      tpu.vector_store_idx %arg6[%broadcast_in_dim3A_542, %add3A_535], %gather3A_541 : memref<128x64xf32, #tpu.memory_space<vmem>>[vector<16xi32>, vector<16xi32>], vector<16xf32>,
      %slice3A_543 = vector.extract_strided_slice %get3A_455 {offsets = [8], sizes = [1], strides = [1]} : vector<16xi32> to vector<1xi32>
      %squeeze3A_544 = vector.extract %slice3A_543[0] : i32 from vector<1xi32>
      %jit3A_545 = arith.constant 128 : i32
      %div3A_546 = arith.divsi %squeeze3A_544, %jit3A_545 : i32
      %sign3A_547 = arith.constant 0 : i32
      %sign3A_548 = arith.cmpi sgt, %squeeze3A_544, %sign3A_547 : i32
      %sign3A_549 = arith.extui %sign3A_548 : i1 to i32
      %sign3A_550 = arith.constant 0 : i32
      %sign3A_551 = arith.cmpi slt, %squeeze3A_544, %sign3A_550 : i32
      %sign3A_552 = arith.extui %sign3A_551 : i1 to i32
      %sign3A_553 = arith.subi %sign3A_549, %sign3A_552 : i32
      %sign3A_554 = arith.constant 0 : i32
      %sign3A_555 = arith.cmpi sgt, %jit3A_545, %sign3A_554 : i32
      %sign3A_556 = arith.extui %sign3A_555 : i1 to i32
      %sign3A_557 = arith.constant 0 : i32
      %sign3A_558 = arith.cmpi slt, %jit3A_545, %sign3A_557 : i32
      %sign3A_559 = arith.extui %sign3A_558 : i1 to i32
      %sign3A_560 = arith.subi %sign3A_556, %sign3A_559 : i32
      %ne3A_561 = arith.cmpi ne, %sign3A_553, %sign3A_560 : i32
      %rem3A_562 = arith.remsi %squeeze3A_544, %jit3A_545 : i32
      %ne3A_563 = arith.constant 0 : i32
      %ne3A_564 = arith.cmpi ne, %rem3A_562, %ne3A_563 : i32
      %and3A_565 = arith.andi %ne3A_561, %ne3A_564 : i1
      %sub3A_566 = arith.constant 1 : i32
      %sub3A_567 = arith.subi %div3A_546, %sub3A_566 : i32
      %select_n3A_568 = arith.select %and3A_565, %sub3A_567, %div3A_546 : i32
      %mul3A_569 = arith.constant 128 : i32
      %mul3A_570 = arith.muli %select_n3A_568, %mul3A_569 : i32
      %multiple_of3A_571 = tpu.assume_multiple %mul3A_570, 128 : i32
      %dma_start3A_572 = arith.constant 0 : i32
      %dma_start3A_573 = arith.constant 0 : i32
      %dma_start3A_574 = arith.constant 0 : i32
      %dma_start3A_575 = tpu.memref_slice %arg7[%dma_start3A_572, %dma_start3A_573, %dma_start3A_574] : memref<8x64x128xf32, #tpu.memory_space<vmem>> -> memref<1x64x128xf32, #tpu.memory_space<vmem>>
      %dma_start3A_576 = tpu.memref_squeeze %dma_start3A_575 : memref<1x64x128xf32, #tpu.memory_space<vmem>> -> memref<64x128xf32, #tpu.memory_space<vmem>>
      %dma_start3A_577 = arith.constant 0 : i32
      %dma_start3A_578 = tpu.memref_slice %arg2[%dma_start3A_577, %multiple_of3A_571] : memref<64x1000000xf32, #tpu.memory_space<hbm>> -> memref<64x128xf32, #tpu.memory_space<hbm>>
      %dma_start3A_579 = arith.constant 0 : i32
      %dma_start3A_580 = arith.constant 0 : i32
      %dma_start3A_581 = tpu.memref_slice %arg7[%dma_start3A_572, %dma_start3A_579, %dma_start3A_580] : memref<8x64x128xf32, #tpu.memory_space<vmem>> -> memref<1x64x128xf32, #tpu.memory_space<vmem>>
      %dma_start3A_582 = tpu.memref_squeeze %dma_start3A_581 : memref<1x64x128xf32, #tpu.memory_space<vmem>> -> memref<64x128xf32, #tpu.memory_space<vmem>>
      %dma_start3A_583 = arith.constant 0 : i32
      %dma_start3A_584 = tpu.memref_slice %arg2[%dma_start3A_583, %multiple_of3A_571] : memref<64x1000000xf32, #tpu.memory_space<hbm>> -> memref<64x128xf32, #tpu.memory_space<hbm>>
      tpu.enqueue_dma source(%dma_start3A_584 : memref<64x128xf32, #tpu.memory_space<hbm>>) target(%dma_start3A_582 : memref<64x128xf32, #tpu.memory_space<vmem>>) target_semaphore(%arg8 : memref<!tpu.dma_semaphore, #tpu.memory_space<semaphore_mem>>)
      %dma_wait3A_585 = arith.constant 1 : i32
      %dma_wait3A_586 = arith.constant 0 : i32
      %dma_wait3A_587 = arith.constant 0 : i32
      %dma_wait3A_588 = tpu.memref_slice %arg7[%dma_wait3A_585, %dma_wait3A_586, %dma_wait3A_587] : memref<8x64x128xf32, #tpu.memory_space<vmem>> -> memref<1x64x128xf32, #tpu.memory_space<vmem>>
      %dma_wait3A_589 = tpu.memref_squeeze %dma_wait3A_588 : memref<1x64x128xf32, #tpu.memory_space<vmem>> -> memref<64x128xf32, #tpu.memory_space<vmem>>
      %dma_wait3A_590 = arith.constant 0 : i32
      %dma_wait3A_591 = arith.constant 0 : i32
      %dma_wait3A_592 = tpu.memref_slice %arg2[%dma_wait3A_590, %dma_wait3A_591] : memref<64x1000000xf32, #tpu.memory_space<hbm>> -> memref<64x128xf32, #tpu.memory_space<hbm>>
      %dma_wait3A_593 = arith.constant 0 : i32
      %dma_wait3A_594 = arith.constant 0 : i32
      %dma_wait3A_595 = tpu.memref_slice %arg7[%dma_wait3A_585, %dma_wait3A_593, %dma_wait3A_594] : memref<8x64x128xf32, #tpu.memory_space<vmem>> -> memref<1x64x128xf32, #tpu.memory_space<vmem>>
      %dma_wait3A_596 = tpu.memref_squeeze %dma_wait3A_595 : memref<1x64x128xf32, #tpu.memory_space<vmem>> -> memref<64x128xf32, #tpu.memory_space<vmem>>
      %dma_wait3A_597 = arith.constant 0 : i32
      %dma_wait3A_598 = arith.constant 0 : i32
      %dma_wait3A_599 = tpu.memref_slice %arg2[%dma_wait3A_597, %dma_wait3A_598] : memref<64x1000000xf32, #tpu.memory_space<hbm>> -> memref<64x128xf32, #tpu.memory_space<hbm>>
      tpu.wait_dma2 semaphore(%arg9 : memref<!tpu.dma_semaphore, #tpu.memory_space<semaphore_mem>>) src(%dma_wait3A_599 : memref<64x128xf32, #tpu.memory_space<hbm>>) dst(%dma_wait3A_596 : memref<64x128xf32, #tpu.memory_space<vmem>>)
      %slice3A_600 = vector.extract_strided_slice %get3A_455 {offsets = [1], sizes = [1], strides = [1]} : vector<16xi32> to vector<1xi32>
      %squeeze3A_601 = vector.extract %slice3A_600[0] : i32 from vector<1xi32>
      %jit3A_602 = arith.constant 128 : i32
      %eq3A_603 = arith.constant 0 : i32
      %eq3A_604 = arith.cmpi eq, %jit3A_602, %eq3A_603 : i32
      %jit3A_605 = arith.constant 1 : i32
      %select_n3A_606 = arith.select %eq3A_604, %jit3A_605, %jit3A_602 : i32
      %rem3A_607 = arith.remsi %squeeze3A_601, %select_n3A_606 : i32
      %ne3A_608 = arith.constant 0 : i32
      %ne3A_609 = arith.cmpi ne, %rem3A_607, %ne3A_608 : i32
      %lt3A_610 = arith.constant 0 : i32
      %lt3A_611 = arith.cmpi slt, %rem3A_607, %lt3A_610 : i32
      %lt3A_612 = arith.constant 0 : i32
      %lt3A_613 = arith.cmpi slt, %select_n3A_606, %lt3A_612 : i32
      %ne3A_614 = arith.xori %lt3A_611, %lt3A_613 : i1
      %and3A_615 = arith.andi %ne3A_614, %ne3A_609 : i1
      %add3A_616 = arith.addi %rem3A_607, %select_n3A_606 : i32
      %select_n3A_617 = arith.select %and3A_615, %add3A_616, %rem3A_607 : i32
      %add3A_618 = arith.constant 1 : i32
      %add3A_619 = arith.addi %mul3A_467, %add3A_618 : i32
      %broadcast_in_dim3A_620 = vector.broadcast %select_n3A_617 : i32 to vector<16xi32>
      %iota3A_621 = tpu.iota {dimensions = array<i32: 0>} : vector<16xi32>
      %add3A_622 = arith.constant 0 : i32
      %add3A_623 = vector.broadcast %add3A_622 : i32 to vector<16xi32>
      %add3A_624 = arith.addi %iota3A_621, %add3A_623 : vector<16xi32>
      %gather3A_625 = arith.constant 1 : i32
      %gather3A_626 = arith.constant 0 : i32
      %gather3A_627 = arith.constant 0 : i32
      %gather3A_628 = tpu.memref_slice %arg7[%gather3A_625, %gather3A_626, %gather3A_627] : memref<8x64x128xf32, #tpu.memory_space<vmem>> -> memref<1x64x128xf32, #tpu.memory_space<vmem>>
      %gather3A_629 = tpu.memref_squeeze %gather3A_628 : memref<1x64x128xf32, #tpu.memory_space<vmem>> -> memref<64x128xf32, #tpu.memory_space<vmem>>
      %gather3A_630 = tpu.vector_load_idx %gather3A_629[%add3A_624, %broadcast_in_dim3A_620] : memref<64x128xf32, #tpu.memory_space<vmem>>[vector<16xi32>, vector<16xi32>], vector<16xf32>,
      %broadcast_in_dim3A_631 = vector.broadcast %add3A_619 : i32 to vector<16xi32>
      tpu.vector_store_idx %arg6[%broadcast_in_dim3A_631, %add3A_624], %gather3A_630 : memref<128x64xf32, #tpu.memory_space<vmem>>[vector<16xi32>, vector<16xi32>], vector<16xf32>,
      %iota3A_632 = tpu.iota {dimensions = array<i32: 0>} : vector<16xi32>
      %add3A_633 = arith.constant 16 : i32
      %add3A_634 = vector.broadcast %add3A_633 : i32 to vector<16xi32>
      %add3A_635 = arith.addi %iota3A_632, %add3A_634 : vector<16xi32>
      %gather3A_636 = arith.constant 1 : i32
      %gather3A_637 = arith.constant 0 : i32
      %gather3A_638 = arith.constant 0 : i32
      %gather3A_639 = tpu.memref_slice %arg7[%gather3A_636, %gather3A_637, %gather3A_638] : memref<8x64x128xf32, #tpu.memory_space<vmem>> -> memref<1x64x128xf32, #tpu.memory_space<vmem>>
      %gather3A_640 = tpu.memref_squeeze %gather3A_639 : memref<1x64x128xf32, #tpu.memory_space<vmem>> -> memref<64x128xf32, #tpu.memory_space<vmem>>
      %gather3A_641 = tpu.vector_load_idx %gather3A_640[%add3A_635, %broadcast_in_dim3A_620] : memref<64x128xf32, #tpu.memory_space<vmem>>[vector<16xi32>, vector<16xi32>], vector<16xf32>,
      %broadcast_in_dim3A_642 = vector.broadcast %add3A_619 : i32 to vector<16xi32>
      tpu.vector_store_idx %arg6[%broadcast_in_dim3A_642, %add3A_635], %gather3A_641 : memref<128x64xf32, #tpu.memory_space<vmem>>[vector<16xi32>, vector<16xi32>], vector<16xf32>,
      %iota3A_643 = tpu.iota {dimensions = array<i32: 0>} : vector<16xi32>
      %add3A_644 = arith.constant 32 : i32
      %add3A_645 = vector.broadcast %add3A_644 : i32 to vector<16xi32>
      %add3A_646 = arith.addi %iota3A_643, %add3A_645 : vector<16xi32>
      %gather3A_647 = arith.constant 1 : i32
      %gather3A_648 = arith.constant 0 : i32
      %gather3A_649 = arith.constant 0 : i32
      %gather3A_650 = tpu.memref_slice %arg7[%gather3A_647, %gather3A_648, %gather3A_649] : memref<8x64x128xf32, #tpu.memory_space<vmem>> -> memref<1x64x128xf32, #tpu.memory_space<vmem>>
      %gather3A_651 = tpu.memref_squeeze %gather3A_650 : memref<1x64x128xf32, #tpu.memory_space<vmem>> -> memref<64x128xf32, #tpu.memory_space<vmem>>
      %gather3A_652 = tpu.vector_load_idx %gather3A_651[%add3A_646, %broadcast_in_dim3A_620] : memref<64x128xf32, #tpu.memory_space<vmem>>[vector<16xi32>, vector<16xi32>], vector<16xf32>,
      %broadcast_in_dim3A_653 = vector.broadcast %add3A_619 : i32 to vector<16xi32>
      tpu.vector_store_idx %arg6[%broadcast_in_dim3A_653, %add3A_646], %gather3A_652 : memref<128x64xf32, #tpu.memory_space<vmem>>[vector<16xi32>, vector<16xi32>], vector<16xf32>,
      %iota3A_654 = tpu.iota {dimensions = array<i32: 0>} : vector<16xi32>
      %add3A_655 = arith.constant 48 : i32
      %add3A_656 = vector.broadcast %add3A_655 : i32 to vector<16xi32>
      %add3A_657 = arith.addi %iota3A_654, %add3A_656 : vector<16xi32>
      %gather3A_658 = arith.constant 1 : i32
      %gather3A_659 = arith.constant 0 : i32
      %gather3A_660 = arith.constant 0 : i32
      %gather3A_661 = tpu.memref_slice %arg7[%gather3A_658, %gather3A_659, %gather3A_660] : memref<8x64x128xf32, #tpu.memory_space<vmem>> -> memref<1x64x128xf32, #tpu.memory_space<vmem>>
      %gather3A_662 = tpu.memref_squeeze %gather3A_661 : memref<1x64x128xf32, #tpu.memory_space<vmem>> -> memref<64x128xf32, #tpu.memory_space<vmem>>
      %gather3A_663 = tpu.vector_load_idx %gather3A_662[%add3A_657, %broadcast_in_dim3A_620] : memref<64x128xf32, #tpu.memory_space<vmem>>[vector<16xi32>, vector<16xi32>], vector<16xf32>,
      %broadcast_in_dim3A_664 = vector.broadcast %add3A_619 : i32 to vector<16xi32>
      tpu.vector_store_idx %arg6[%broadcast_in_dim3A_664, %add3A_657], %gather3A_663 : memref<128x64xf32, #tpu.memory_space<vmem>>[vector<16xi32>, vector<16xi32>], vector<16xf32>,
      %slice3A_665 = vector.extract_strided_slice %get3A_455 {offsets = [9], sizes = [1], strides = [1]} : vector<16xi32> to vector<1xi32>
      %squeeze3A_666 = vector.extract %slice3A_665[0] : i32 from vector<1xi32>
      %jit3A_667 = arith.constant 128 : i32
      %div3A_668 = arith.divsi %squeeze3A_666, %jit3A_667 : i32
      %sign3A_669 = arith.constant 0 : i32
      %sign3A_670 = arith.cmpi sgt, %squeeze3A_666, %sign3A_669 : i32
      %sign3A_671 = arith.extui %sign3A_670 : i1 to i32
      %sign3A_672 = arith.constant 0 : i32
      %sign3A_673 = arith.cmpi slt, %squeeze3A_666, %sign3A_672 : i32
      %sign3A_674 = arith.extui %sign3A_673 : i1 to i32
      %sign3A_675 = arith.subi %sign3A_671, %sign3A_674 : i32
      %sign3A_676 = arith.constant 0 : i32
      %sign3A_677 = arith.cmpi sgt, %jit3A_667, %sign3A_676 : i32
      %sign3A_678 = arith.extui %sign3A_677 : i1 to i32
      %sign3A_679 = arith.constant 0 : i32
      %sign3A_680 = arith.cmpi slt, %jit3A_667, %sign3A_679 : i32
      %sign3A_681 = arith.extui %sign3A_680 : i1 to i32
      %sign3A_682 = arith.subi %sign3A_678, %sign3A_681 : i32
      %ne3A_683 = arith.cmpi ne, %sign3A_675, %sign3A_682 : i32
      %rem3A_684 = arith.remsi %squeeze3A_666, %jit3A_667 : i32
      %ne3A_685 = arith.constant 0 : i32
      %ne3A_686 = arith.cmpi ne, %rem3A_684, %ne3A_685 : i32
      %and3A_687 = arith.andi %ne3A_683, %ne3A_686 : i1
      %sub3A_688 = arith.constant 1 : i32
      %sub3A_689 = arith.subi %div3A_668, %sub3A_688 : i32
      %select_n3A_690 = arith.select %and3A_687, %sub3A_689, %div3A_668 : i32
      %mul3A_691 = arith.constant 128 : i32
      %mul3A_692 = arith.muli %select_n3A_690, %mul3A_691 : i32
      %multiple_of3A_693 = tpu.assume_multiple %mul3A_692, 128 : i32
      %dma_start3A_694 = arith.constant 1 : i32
      %dma_start3A_695 = arith.constant 0 : i32
      %dma_start3A_696 = arith.constant 0 : i32
      %dma_start3A_697 = tpu.memref_slice %arg7[%dma_start3A_694, %dma_start3A_695, %dma_start3A_696] : memref<8x64x128xf32, #tpu.memory_space<vmem>> -> memref<1x64x128xf32, #tpu.memory_space<vmem>>
      %dma_start3A_698 = tpu.memref_squeeze %dma_start3A_697 : memref<1x64x128xf32, #tpu.memory_space<vmem>> -> memref<64x128xf32, #tpu.memory_space<vmem>>
      %dma_start3A_699 = arith.constant 0 : i32
      %dma_start3A_700 = tpu.memref_slice %arg2[%dma_start3A_699, %multiple_of3A_693] : memref<64x1000000xf32, #tpu.memory_space<hbm>> -> memref<64x128xf32, #tpu.memory_space<hbm>>
      %dma_start3A_701 = arith.constant 0 : i32
      %dma_start3A_702 = arith.constant 0 : i32
      %dma_start3A_703 = tpu.memref_slice %arg7[%dma_start3A_694, %dma_start3A_701, %dma_start3A_702] : memref<8x64x128xf32, #tpu.memory_space<vmem>> -> memref<1x64x128xf32, #tpu.memory_space<vmem>>
      %dma_start3A_704 = tpu.memref_squeeze %dma_start3A_703 : memref<1x64x128xf32, #tpu.memory_space<vmem>> -> memref<64x128xf32, #tpu.memory_space<vmem>>
      %dma_start3A_705 = arith.constant 0 : i32
      %dma_start3A_706 = tpu.memref_slice %arg2[%dma_start3A_705, %multiple_of3A_693] : memref<64x1000000xf32, #tpu.memory_space<hbm>> -> memref<64x128xf32, #tpu.memory_space<hbm>>
      tpu.enqueue_dma source(%dma_start3A_706 : memref<64x128xf32, #tpu.memory_space<hbm>>) target(%dma_start3A_704 : memref<64x128xf32, #tpu.memory_space<vmem>>) target_semaphore(%arg9 : memref<!tpu.dma_semaphore, #tpu.memory_space<semaphore_mem>>)
      %dma_wait3A_707 = arith.constant 2 : i32
      %dma_wait3A_708 = arith.constant 0 : i32
      %dma_wait3A_709 = arith.constant 0 : i32
      %dma_wait3A_710 = tpu.memref_slice %arg7[%dma_wait3A_707, %dma_wait3A_708, %dma_wait3A_709] : memref<8x64x128xf32, #tpu.memory_space<vmem>> -> memref<1x64x128xf32, #tpu.memory_space<vmem>>
      %dma_wait3A_711 = tpu.memref_squeeze %dma_wait3A_710 : memref<1x64x128xf32, #tpu.memory_space<vmem>> -> memref<64x128xf32, #tpu.memory_space<vmem>>
      %dma_wait3A_712 = arith.constant 0 : i32
      %dma_wait3A_713 = arith.constant 0 : i32
      %dma_wait3A_714 = tpu.memref_slice %arg2[%dma_wait3A_712, %dma_wait3A_713] : memref<64x1000000xf32, #tpu.memory_space<hbm>> -> memref<64x128xf32, #tpu.memory_space<hbm>>
      %dma_wait3A_715 = arith.constant 0 : i32
      %dma_wait3A_716 = arith.constant 0 : i32
      %dma_wait3A_717 = tpu.memref_slice %arg7[%dma_wait3A_707, %dma_wait3A_715, %dma_wait3A_716] : memref<8x64x128xf32, #tpu.memory_space<vmem>> -> memref<1x64x128xf32, #tpu.memory_space<vmem>>
      %dma_wait3A_718 = tpu.memref_squeeze %dma_wait3A_717 : memref<1x64x128xf32, #tpu.memory_space<vmem>> -> memref<64x128xf32, #tpu.memory_space<vmem>>
      %dma_wait3A_719 = arith.constant 0 : i32
      %dma_wait3A_720 = arith.constant 0 : i32
      %dma_wait3A_721 = tpu.memref_slice %arg2[%dma_wait3A_719, %dma_wait3A_720] : memref<64x1000000xf32, #tpu.memory_space<hbm>> -> memref<64x128xf32, #tpu.memory_space<hbm>>
      tpu.wait_dma2 semaphore(%arg10 : memref<!tpu.dma_semaphore, #tpu.memory_space<semaphore_mem>>) src(%dma_wait3A_721 : memref<64x128xf32, #tpu.memory_space<hbm>>) dst(%dma_wait3A_718 : memref<64x128xf32, #tpu.memory_space<vmem>>)
      %slice3A_722 = vector.extract_strided_slice %get3A_455 {offsets = [2], sizes = [1], strides = [1]} : vector<16xi32> to vector<1xi32>
      %squeeze3A_723 = vector.extract %slice3A_722[0] : i32 from vector<1xi32>
      %jit3A_724 = arith.constant 128 : i32
      %eq3A_725 = arith.constant 0 : i32
      %eq3A_726 = arith.cmpi eq, %jit3A_724, %eq3A_725 : i32
      %jit3A_727 = arith.constant 1 : i32
      %select_n3A_728 = arith.select %eq3A_726, %jit3A_727, %jit3A_724 : i32
      %rem3A_729 = arith.remsi %squeeze3A_723, %select_n3A_728 : i32
      %ne3A_730 = arith.constant 0 : i32
      %ne3A_731 = arith.cmpi ne, %rem3A_729, %ne3A_730 : i32
      %lt3A_732 = arith.constant 0 : i32
      %lt3A_733 = arith.cmpi slt, %rem3A_729, %lt3A_732 : i32
      %lt3A_734 = arith.constant 0 : i32
      %lt3A_735 = arith.cmpi slt, %select_n3A_728, %lt3A_734 : i32
      %ne3A_736 = arith.xori %lt3A_733, %lt3A_735 : i1
      %and3A_737 = arith.andi %ne3A_736, %ne3A_731 : i1
      %add3A_738 = arith.addi %rem3A_729, %select_n3A_728 : i32
      %select_n3A_739 = arith.select %and3A_737, %add3A_738, %rem3A_729 : i32
      %add3A_740 = arith.constant 2 : i32
      %add3A_741 = arith.addi %mul3A_467, %add3A_740 : i32
      %broadcast_in_dim3A_742 = vector.broadcast %select_n3A_739 : i32 to vector<16xi32>
      %iota3A_743 = tpu.iota {dimensions = array<i32: 0>} : vector<16xi32>
      %add3A_744 = arith.constant 0 : i32
      %add3A_745 = vector.broadcast %add3A_744 : i32 to vector<16xi32>
      %add3A_746 = arith.addi %iota3A_743, %add3A_745 : vector<16xi32>
      %gather3A_747 = arith.constant 2 : i32
      %gather3A_748 = arith.constant 0 : i32
      %gather3A_749 = arith.constant 0 : i32
      %gather3A_750 = tpu.memref_slice %arg7[%gather3A_747, %gather3A_748, %gather3A_749] : memref<8x64x128xf32, #tpu.memory_space<vmem>> -> memref<1x64x128xf32, #tpu.memory_space<vmem>>
      %gather3A_751 = tpu.memref_squeeze %gather3A_750 : memref<1x64x128xf32, #tpu.memory_space<vmem>> -> memref<64x128xf32, #tpu.memory_space<vmem>>
      %gather3A_752 = tpu.vector_load_idx %gather3A_751[%add3A_746, %broadcast_in_dim3A_742] : memref<64x128xf32, #tpu.memory_space<vmem>>[vector<16xi32>, vector<16xi32>], vector<16xf32>,
      %broadcast_in_dim3A_753 = vector.broadcast %add3A_741 : i32 to vector<16xi32>
      tpu.vector_store_idx %arg6[%broadcast_in_dim3A_753, %add3A_746], %gather3A_752 : memref<128x64xf32, #tpu.memory_space<vmem>>[vector<16xi32>, vector<16xi32>], vector<16xf32>,
      %iota3A_754 = tpu.iota {dimensions = array<i32: 0>} : vector<16xi32>
      %add3A_755 = arith.constant 16 : i32
      %add3A_756 = vector.broadcast %add3A_755 : i32 to vector<16xi32>
      %add3A_757 = arith.addi %iota3A_754, %add3A_756 : vector<16xi32>
      %gather3A_758 = arith.constant 2 : i32
      %gather3A_759 = arith.constant 0 : i32
      %gather3A_760 = arith.constant 0 : i32
      %gather3A_761 = tpu.memref_slice %arg7[%gather3A_758, %gather3A_759, %gather3A_760] : memref<8x64x128xf32, #tpu.memory_space<vmem>> -> memref<1x64x128xf32, #tpu.memory_space<vmem>>
      %gather3A_762 = tpu.memref_squeeze %gather3A_761 : memref<1x64x128xf32, #tpu.memory_space<vmem>> -> memref<64x128xf32, #tpu.memory_space<vmem>>
      %gather3A_763 = tpu.vector_load_idx %gather3A_762[%add3A_757, %broadcast_in_dim3A_742] : memref<64x128xf32, #tpu.memory_space<vmem>>[vector<16xi32>, vector<16xi32>], vector<16xf32>,
      %broadcast_in_dim3A_764 = vector.broadcast %add3A_741 : i32 to vector<16xi32>
      tpu.vector_store_idx %arg6[%broadcast_in_dim3A_764, %add3A_757], %gather3A_763 : memref<128x64xf32, #tpu.memory_space<vmem>>[vector<16xi32>, vector<16xi32>], vector<16xf32>,
      %iota3A_765 = tpu.iota {dimensions = array<i32: 0>} : vector<16xi32>
      %add3A_766 = arith.constant 32 : i32
      %add3A_767 = vector.broadcast %add3A_766 : i32 to vector<16xi32>
      %add3A_768 = arith.addi %iota3A_765, %add3A_767 : vector<16xi32>
      %gather3A_769 = arith.constant 2 : i32
      %gather3A_770 = arith.constant 0 : i32
      %gather3A_771 = arith.constant 0 : i32
      %gather3A_772 = tpu.memref_slice %arg7[%gather3A_769, %gather3A_770, %gather3A_771] : memref<8x64x128xf32, #tpu.memory_space<vmem>> -> memref<1x64x128xf32, #tpu.memory_space<vmem>>
      %gather3A_773 = tpu.memref_squeeze %gather3A_772 : memref<1x64x128xf32, #tpu.memory_space<vmem>> -> memref<64x128xf32, #tpu.memory_space<vmem>>
      %gather3A_774 = tpu.vector_load_idx %gather3A_773[%add3A_768, %broadcast_in_dim3A_742] : memref<64x128xf32, #tpu.memory_space<vmem>>[vector<16xi32>, vector<16xi32>], vector<16xf32>,
      %broadcast_in_dim3A_775 = vector.broadcast %add3A_741 : i32 to vector<16xi32>
      tpu.vector_store_idx %arg6[%broadcast_in_dim3A_775, %add3A_768], %gather3A_774 : memref<128x64xf32, #tpu.memory_space<vmem>>[vector<16xi32>, vector<16xi32>], vector<16xf32>,
      %iota3A_776 = tpu.iota {dimensions = array<i32: 0>} : vector<16xi32>
      %add3A_777 = arith.constant 48 : i32
      %add3A_778 = vector.broadcast %add3A_777 : i32 to vector<16xi32>
      %add3A_779 = arith.addi %iota3A_776, %add3A_778 : vector<16xi32>
      %gather3A_780 = arith.constant 2 : i32
      %gather3A_781 = arith.constant 0 : i32
      %gather3A_782 = arith.constant 0 : i32
      %gather3A_783 = tpu.memref_slice %arg7[%gather3A_780, %gather3A_781, %gather3A_782] : memref<8x64x128xf32, #tpu.memory_space<vmem>> -> memref<1x64x128xf32, #tpu.memory_space<vmem>>
      %gather3A_784 = tpu.memref_squeeze %gather3A_783 : memref<1x64x128xf32, #tpu.memory_space<vmem>> -> memref<64x128xf32, #tpu.memory_space<vmem>>
      %gather3A_785 = tpu.vector_load_idx %gather3A_784[%add3A_779, %broadcast_in_dim3A_742] : memref<64x128xf32, #tpu.memory_space<vmem>>[vector<16xi32>, vector<16xi32>], vector<16xf32>,
      %broadcast_in_dim3A_786 = vector.broadcast %add3A_741 : i32 to vector<16xi32>
      tpu.vector_store_idx %arg6[%broadcast_in_dim3A_786, %add3A_779], %gather3A_785 : memref<128x64xf32, #tpu.memory_space<vmem>>[vector<16xi32>, vector<16xi32>], vector<16xf32>,
      %slice3A_787 = vector.extract_strided_slice %get3A_455 {offsets = [10], sizes = [1], strides = [1]} : vector<16xi32> to vector<1xi32>
      %squeeze3A_788 = vector.extract %slice3A_787[0] : i32 from vector<1xi32>
      %jit3A_789 = arith.constant 128 : i32
      %div3A_790 = arith.divsi %squeeze3A_788, %jit3A_789 : i32
      %sign3A_791 = arith.constant 0 : i32
      %sign3A_792 = arith.cmpi sgt, %squeeze3A_788, %sign3A_791 : i32
      %sign3A_793 = arith.extui %sign3A_792 : i1 to i32
      %sign3A_794 = arith.constant 0 : i32
      %sign3A_795 = arith.cmpi slt, %squeeze3A_788, %sign3A_794 : i32
      %sign3A_796 = arith.extui %sign3A_795 : i1 to i32
      %sign3A_797 = arith.subi %sign3A_793, %sign3A_796 : i32
      %sign3A_798 = arith.constant 0 : i32
      %sign3A_799 = arith.cmpi sgt, %jit3A_789, %sign3A_798 : i32
      %sign3A_800 = arith.extui %sign3A_799 : i1 to i32
      %sign3A_801 = arith.constant 0 : i32
      %sign3A_802 = arith.cmpi slt, %jit3A_789, %sign3A_801 : i32
      %sign3A_803 = arith.extui %sign3A_802 : i1 to i32
      %sign3A_804 = arith.subi %sign3A_800, %sign3A_803 : i32
      %ne3A_805 = arith.cmpi ne, %sign3A_797, %sign3A_804 : i32
      %rem3A_806 = arith.remsi %squeeze3A_788, %jit3A_789 : i32
      %ne3A_807 = arith.constant 0 : i32
      %ne3A_808 = arith.cmpi ne, %rem3A_806, %ne3A_807 : i32
      %and3A_809 = arith.andi %ne3A_805, %ne3A_808 : i1
      %sub3A_810 = arith.constant 1 : i32
      %sub3A_811 = arith.subi %div3A_790, %sub3A_810 : i32
      %select_n3A_812 = arith.select %and3A_809, %sub3A_811, %div3A_790 : i32
      %mul3A_813 = arith.constant 128 : i32
      %mul3A_814 = arith.muli %select_n3A_812, %mul3A_813 : i32
      %multiple_of3A_815 = tpu.assume_multiple %mul3A_814, 128 : i32
      %dma_start3A_816 = arith.constant 2 : i32
      %dma_start3A_817 = arith.constant 0 : i32
      %dma_start3A_818 = arith.constant 0 : i32
      %dma_start3A_819 = tpu.memref_slice %arg7[%dma_start3A_816, %dma_start3A_817, %dma_start3A_818] : memref<8x64x128xf32, #tpu.memory_space<vmem>> -> memref<1x64x128xf32, #tpu.memory_space<vmem>>
      %dma_start3A_820 = tpu.memref_squeeze %dma_start3A_819 : memref<1x64x128xf32, #tpu.memory_space<vmem>> -> memref<64x128xf32, #tpu.memory_space<vmem>>
      %dma_start3A_821 = arith.constant 0 : i32
      %dma_start3A_822 = tpu.memref_slice %arg2[%dma_start3A_821, %multiple_of3A_815] : memref<64x1000000xf32, #tpu.memory_space<hbm>> -> memref<64x128xf32, #tpu.memory_space<hbm>>
      %dma_start3A_823 = arith.constant 0 : i32
      %dma_start3A_824 = arith.constant 0 : i32
      %dma_start3A_825 = tpu.memref_slice %arg7[%dma_start3A_816, %dma_start3A_823, %dma_start3A_824] : memref<8x64x128xf32, #tpu.memory_space<vmem>> -> memref<1x64x128xf32, #tpu.memory_space<vmem>>
      %dma_start3A_826 = tpu.memref_squeeze %dma_start3A_825 : memref<1x64x128xf32, #tpu.memory_space<vmem>> -> memref<64x128xf32, #tpu.memory_space<vmem>>
      %dma_start3A_827 = arith.constant 0 : i32
      %dma_start3A_828 = tpu.memref_slice %arg2[%dma_start3A_827, %multiple_of3A_815] : memref<64x1000000xf32, #tpu.memory_space<hbm>> -> memref<64x128xf32, #tpu.memory_space<hbm>>
      tpu.enqueue_dma source(%dma_start3A_828 : memref<64x128xf32, #tpu.memory_space<hbm>>) target(%dma_start3A_826 : memref<64x128xf32, #tpu.memory_space<vmem>>) target_semaphore(%arg10 : memref<!tpu.dma_semaphore, #tpu.memory_space<semaphore_mem>>)
      %dma_wait3A_829 = arith.constant 3 : i32
      %dma_wait3A_830 = arith.constant 0 : i32
      %dma_wait3A_831 = arith.constant 0 : i32
      %dma_wait3A_832 = tpu.memref_slice %arg7[%dma_wait3A_829, %dma_wait3A_830, %dma_wait3A_831] : memref<8x64x128xf32, #tpu.memory_space<vmem>> -> memref<1x64x128xf32, #tpu.memory_space<vmem>>
      %dma_wait3A_833 = tpu.memref_squeeze %dma_wait3A_832 : memref<1x64x128xf32, #tpu.memory_space<vmem>> -> memref<64x128xf32, #tpu.memory_space<vmem>>
      %dma_wait3A_834 = arith.constant 0 : i32
      %dma_wait3A_835 = arith.constant 0 : i32
      %dma_wait3A_836 = tpu.memref_slice %arg2[%dma_wait3A_834, %dma_wait3A_835] : memref<64x1000000xf32, #tpu.memory_space<hbm>> -> memref<64x128xf32, #tpu.memory_space<hbm>>
      %dma_wait3A_837 = arith.constant 0 : i32
      %dma_wait3A_838 = arith.constant 0 : i32
      %dma_wait3A_839 = tpu.memref_slice %arg7[%dma_wait3A_829, %dma_wait3A_837, %dma_wait3A_838] : memref<8x64x128xf32, #tpu.memory_space<vmem>> -> memref<1x64x128xf32, #tpu.memory_space<vmem>>
      %dma_wait3A_840 = tpu.memref_squeeze %dma_wait3A_839 : memref<1x64x128xf32, #tpu.memory_space<vmem>> -> memref<64x128xf32, #tpu.memory_space<vmem>>
      %dma_wait3A_841 = arith.constant 0 : i32
      %dma_wait3A_842 = arith.constant 0 : i32
      %dma_wait3A_843 = tpu.memref_slice %arg2[%dma_wait3A_841, %dma_wait3A_842] : memref<64x1000000xf32, #tpu.memory_space<hbm>> -> memref<64x128xf32, #tpu.memory_space<hbm>>
      tpu.wait_dma2 semaphore(%arg11 : memref<!tpu.dma_semaphore, #tpu.memory_space<semaphore_mem>>) src(%dma_wait3A_843 : memref<64x128xf32, #tpu.memory_space<hbm>>) dst(%dma_wait3A_840 : memref<64x128xf32, #tpu.memory_space<vmem>>)
      %slice3A_844 = vector.extract_strided_slice %get3A_455 {offsets = [3], sizes = [1], strides = [1]} : vector<16xi32> to vector<1xi32>
      %squeeze3A_845 = vector.extract %slice3A_844[0] : i32 from vector<1xi32>
      %jit3A_846 = arith.constant 128 : i32
      %eq3A_847 = arith.constant 0 : i32
      %eq3A_848 = arith.cmpi eq, %jit3A_846, %eq3A_847 : i32
      %jit3A_849 = arith.constant 1 : i32
      %select_n3A_850 = arith.select %eq3A_848, %jit3A_849, %jit3A_846 : i32
      %rem3A_851 = arith.remsi %squeeze3A_845, %select_n3A_850 : i32
      %ne3A_852 = arith.constant 0 : i32
      %ne3A_853 = arith.cmpi ne, %rem3A_851, %ne3A_852 : i32
      %lt3A_854 = arith.constant 0 : i32
      %lt3A_855 = arith.cmpi slt, %rem3A_851, %lt3A_854 : i32
      %lt3A_856 = arith.constant 0 : i32
      %lt3A_857 = arith.cmpi slt, %select_n3A_850, %lt3A_856 : i32
      %ne3A_858 = arith.xori %lt3A_855, %lt3A_857 : i1
      %and3A_859 = arith.andi %ne3A_858, %ne3A_853 : i1
      %add3A_860 = arith.addi %rem3A_851, %select_n3A_850 : i32
      %select_n3A_861 = arith.select %and3A_859, %add3A_860, %rem3A_851 : i32
      %add3A_862 = arith.constant 3 : i32
      %add3A_863 = arith.addi %mul3A_467, %add3A_862 : i32
      %broadcast_in_dim3A_864 = vector.broadcast %select_n3A_861 : i32 to vector<16xi32>
      %iota3A_865 = tpu.iota {dimensions = array<i32: 0>} : vector<16xi32>
      %add3A_866 = arith.constant 0 : i32
      %add3A_867 = vector.broadcast %add3A_866 : i32 to vector<16xi32>
      %add3A_868 = arith.addi %iota3A_865, %add3A_867 : vector<16xi32>
      %gather3A_869 = arith.constant 3 : i32
      %gather3A_870 = arith.constant 0 : i32
      %gather3A_871 = arith.constant 0 : i32
      %gather3A_872 = tpu.memref_slice %arg7[%gather3A_869, %gather3A_870, %gather3A_871] : memref<8x64x128xf32, #tpu.memory_space<vmem>> -> memref<1x64x128xf32, #tpu.memory_space<vmem>>
      %gather3A_873 = tpu.memref_squeeze %gather3A_872 : memref<1x64x128xf32, #tpu.memory_space<vmem>> -> memref<64x128xf32, #tpu.memory_space<vmem>>
      %gather3A_874 = tpu.vector_load_idx %gather3A_873[%add3A_868, %broadcast_in_dim3A_864] : memref<64x128xf32, #tpu.memory_space<vmem>>[vector<16xi32>, vector<16xi32>], vector<16xf32>,
      %broadcast_in_dim3A_875 = vector.broadcast %add3A_863 : i32 to vector<16xi32>
      tpu.vector_store_idx %arg6[%broadcast_in_dim3A_875, %add3A_868], %gather3A_874 : memref<128x64xf32, #tpu.memory_space<vmem>>[vector<16xi32>, vector<16xi32>], vector<16xf32>,
      %iota3A_876 = tpu.iota {dimensions = array<i32: 0>} : vector<16xi32>
      %add3A_877 = arith.constant 16 : i32
      %add3A_878 = vector.broadcast %add3A_877 : i32 to vector<16xi32>
      %add3A_879 = arith.addi %iota3A_876, %add3A_878 : vector<16xi32>
      %gather3A_880 = arith.constant 3 : i32
      %gather3A_881 = arith.constant 0 : i32
      %gather3A_882 = arith.constant 0 : i32
      %gather3A_883 = tpu.memref_slice %arg7[%gather3A_880, %gather3A_881, %gather3A_882] : memref<8x64x128xf32, #tpu.memory_space<vmem>> -> memref<1x64x128xf32, #tpu.memory_space<vmem>>
      %gather3A_884 = tpu.memref_squeeze %gather3A_883 : memref<1x64x128xf32, #tpu.memory_space<vmem>> -> memref<64x128xf32, #tpu.memory_space<vmem>>
      %gather3A_885 = tpu.vector_load_idx %gather3A_884[%add3A_879, %broadcast_in_dim3A_864] : memref<64x128xf32, #tpu.memory_space<vmem>>[vector<16xi32>, vector<16xi32>], vector<16xf32>,
      %broadcast_in_dim3A_886 = vector.broadcast %add3A_863 : i32 to vector<16xi32>
      tpu.vector_store_idx %arg6[%broadcast_in_dim3A_886, %add3A_879], %gather3A_885 : memref<128x64xf32, #tpu.memory_space<vmem>>[vector<16xi32>, vector<16xi32>], vector<16xf32>,
      %iota3A_887 = tpu.iota {dimensions = array<i32: 0>} : vector<16xi32>
      %add3A_888 = arith.constant 32 : i32
      %add3A_889 = vector.broadcast %add3A_888 : i32 to vector<16xi32>
      %add3A_890 = arith.addi %iota3A_887, %add3A_889 : vector<16xi32>
      %gather3A_891 = arith.constant 3 : i32
      %gather3A_892 = arith.constant 0 : i32
      %gather3A_893 = arith.constant 0 : i32
      %gather3A_894 = tpu.memref_slice %arg7[%gather3A_891, %gather3A_892, %gather3A_893] : memref<8x64x128xf32, #tpu.memory_space<vmem>> -> memref<1x64x128xf32, #tpu.memory_space<vmem>>
      %gather3A_895 = tpu.memref_squeeze %gather3A_894 : memref<1x64x128xf32, #tpu.memory_space<vmem>> -> memref<64x128xf32, #tpu.memory_space<vmem>>
      %gather3A_896 = tpu.vector_load_idx %gather3A_895[%add3A_890, %broadcast_in_dim3A_864] : memref<64x128xf32, #tpu.memory_space<vmem>>[vector<16xi32>, vector<16xi32>], vector<16xf32>,
      %broadcast_in_dim3A_897 = vector.broadcast %add3A_863 : i32 to vector<16xi32>
      tpu.vector_store_idx %arg6[%broadcast_in_dim3A_897, %add3A_890], %gather3A_896 : memref<128x64xf32, #tpu.memory_space<vmem>>[vector<16xi32>, vector<16xi32>], vector<16xf32>,
      %iota3A_898 = tpu.iota {dimensions = array<i32: 0>} : vector<16xi32>
      %add3A_899 = arith.constant 48 : i32
      %add3A_900 = vector.broadcast %add3A_899 : i32 to vector<16xi32>
      %add3A_901 = arith.addi %iota3A_898, %add3A_900 : vector<16xi32>
      %gather3A_902 = arith.constant 3 : i32
      %gather3A_903 = arith.constant 0 : i32
      %gather3A_904 = arith.constant 0 : i32
      %gather3A_905 = tpu.memref_slice %arg7[%gather3A_902, %gather3A_903, %gather3A_904] : memref<8x64x128xf32, #tpu.memory_space<vmem>> -> memref<1x64x128xf32, #tpu.memory_space<vmem>>
      %gather3A_906 = tpu.memref_squeeze %gather3A_905 : memref<1x64x128xf32, #tpu.memory_space<vmem>> -> memref<64x128xf32, #tpu.memory_space<vmem>>
      %gather3A_907 = tpu.vector_load_idx %gather3A_906[%add3A_901, %broadcast_in_dim3A_864] : memref<64x128xf32, #tpu.memory_space<vmem>>[vector<16xi32>, vector<16xi32>], vector<16xf32>,
      %broadcast_in_dim3A_908 = vector.broadcast %add3A_863 : i32 to vector<16xi32>
      tpu.vector_store_idx %arg6[%broadcast_in_dim3A_908, %add3A_901], %gather3A_907 : memref<128x64xf32, #tpu.memory_space<vmem>>[vector<16xi32>, vector<16xi32>], vector<16xf32>,
      %slice3A_909 = vector.extract_strided_slice %get3A_455 {offsets = [11], sizes = [1], strides = [1]} : vector<16xi32> to vector<1xi32>
      %squeeze3A_910 = vector.extract %slice3A_909[0] : i32 from vector<1xi32>
      %jit3A_911 = arith.constant 128 : i32
      %div3A_912 = arith.divsi %squeeze3A_910, %jit3A_911 : i32
      %sign3A_913 = arith.constant 0 : i32
      %sign3A_914 = arith.cmpi sgt, %squeeze3A_910, %sign3A_913 : i32
      %sign3A_915 = arith.extui %sign3A_914 : i1 to i32
      %sign3A_916 = arith.constant 0 : i32
      %sign3A_917 = arith.cmpi slt, %squeeze3A_910, %sign3A_916 : i32
      %sign3A_918 = arith.extui %sign3A_917 : i1 to i32
      %sign3A_919 = arith.subi %sign3A_915, %sign3A_918 : i32
      %sign3A_920 = arith.constant 0 : i32
      %sign3A_921 = arith.cmpi sgt, %jit3A_911, %sign3A_920 : i32
      %sign3A_922 = arith.extui %sign3A_921 : i1 to i32
      %sign3A_923 = arith.constant 0 : i32
      %sign3A_924 = arith.cmpi slt, %jit3A_911, %sign3A_923 : i32
      %sign3A_925 = arith.extui %sign3A_924 : i1 to i32
      %sign3A_926 = arith.subi %sign3A_922, %sign3A_925 : i32
      %ne3A_927 = arith.cmpi ne, %sign3A_919, %sign3A_926 : i32
      %rem3A_928 = arith.remsi %squeeze3A_910, %jit3A_911 : i32
      %ne3A_929 = arith.constant 0 : i32
      %ne3A_930 = arith.cmpi ne, %rem3A_928, %ne3A_929 : i32
      %and3A_931 = arith.andi %ne3A_927, %ne3A_930 : i1
      %sub3A_932 = arith.constant 1 : i32
      %sub3A_933 = arith.subi %div3A_912, %sub3A_932 : i32
      %select_n3A_934 = arith.select %and3A_931, %sub3A_933, %div3A_912 : i32
      %mul3A_935 = arith.constant 128 : i32
      %mul3A_936 = arith.muli %select_n3A_934, %mul3A_935 : i32
      %multiple_of3A_937 = tpu.assume_multiple %mul3A_936, 128 : i32
      %dma_start3A_938 = arith.constant 3 : i32
      %dma_start3A_939 = arith.constant 0 : i32
      %dma_start3A_940 = arith.constant 0 : i32
      %dma_start3A_941 = tpu.memref_slice %arg7[%dma_start3A_938, %dma_start3A_939, %dma_start3A_940] : memref<8x64x128xf32, #tpu.memory_space<vmem>> -> memref<1x64x128xf32, #tpu.memory_space<vmem>>
      %dma_start3A_942 = tpu.memref_squeeze %dma_start3A_941 : memref<1x64x128xf32, #tpu.memory_space<vmem>> -> memref<64x128xf32, #tpu.memory_space<vmem>>
      %dma_start3A_943 = arith.constant 0 : i32
      %dma_start3A_944 = tpu.memref_slice %arg2[%dma_start3A_943, %multiple_of3A_937] : memref<64x1000000xf32, #tpu.memory_space<hbm>> -> memref<64x128xf32, #tpu.memory_space<hbm>>
      %dma_start3A_945 = arith.constant 0 : i32
      %dma_start3A_946 = arith.constant 0 : i32
      %dma_start3A_947 = tpu.memref_slice %arg7[%dma_start3A_938, %dma_start3A_945, %dma_start3A_946] : memref<8x64x128xf32, #tpu.memory_space<vmem>> -> memref<1x64x128xf32, #tpu.memory_space<vmem>>
      %dma_start3A_948 = tpu.memref_squeeze %dma_start3A_947 : memref<1x64x128xf32, #tpu.memory_space<vmem>> -> memref<64x128xf32, #tpu.memory_space<vmem>>
      %dma_start3A_949 = arith.constant 0 : i32
      %dma_start3A_950 = tpu.memref_slice %arg2[%dma_start3A_949, %multiple_of3A_937] : memref<64x1000000xf32, #tpu.memory_space<hbm>> -> memref<64x128xf32, #tpu.memory_space<hbm>>
      tpu.enqueue_dma source(%dma_start3A_950 : memref<64x128xf32, #tpu.memory_space<hbm>>) target(%dma_start3A_948 : memref<64x128xf32, #tpu.memory_space<vmem>>) target_semaphore(%arg11 : memref<!tpu.dma_semaphore, #tpu.memory_space<semaphore_mem>>)
      %dma_wait3A_951 = arith.constant 4 : i32
      %dma_wait3A_952 = arith.constant 0 : i32
      %dma_wait3A_953 = arith.constant 0 : i32
      %dma_wait3A_954 = tpu.memref_slice %arg7[%dma_wait3A_951, %dma_wait3A_952, %dma_wait3A_953] : memref<8x64x128xf32, #tpu.memory_space<vmem>> -> memref<1x64x128xf32, #tpu.memory_space<vmem>>
      %dma_wait3A_955 = tpu.memref_squeeze %dma_wait3A_954 : memref<1x64x128xf32, #tpu.memory_space<vmem>> -> memref<64x128xf32, #tpu.memory_space<vmem>>
      %dma_wait3A_956 = arith.constant 0 : i32
      %dma_wait3A_957 = arith.constant 0 : i32
      %dma_wait3A_958 = tpu.memref_slice %arg2[%dma_wait3A_956, %dma_wait3A_957] : memref<64x1000000xf32, #tpu.memory_space<hbm>> -> memref<64x128xf32, #tpu.memory_space<hbm>>
      %dma_wait3A_959 = arith.constant 0 : i32
      %dma_wait3A_960 = arith.constant 0 : i32
      %dma_wait3A_961 = tpu.memref_slice %arg7[%dma_wait3A_951, %dma_wait3A_959, %dma_wait3A_960] : memref<8x64x128xf32, #tpu.memory_space<vmem>> -> memref<1x64x128xf32, #tpu.memory_space<vmem>>
      %dma_wait3A_962 = tpu.memref_squeeze %dma_wait3A_961 : memref<1x64x128xf32, #tpu.memory_space<vmem>> -> memref<64x128xf32, #tpu.memory_space<vmem>>
      %dma_wait3A_963 = arith.constant 0 : i32
      %dma_wait3A_964 = arith.constant 0 : i32
      %dma_wait3A_965 = tpu.memref_slice %arg2[%dma_wait3A_963, %dma_wait3A_964] : memref<64x1000000xf32, #tpu.memory_space<hbm>> -> memref<64x128xf32, #tpu.memory_space<hbm>>
      tpu.wait_dma2 semaphore(%arg12 : memref<!tpu.dma_semaphore, #tpu.memory_space<semaphore_mem>>) src(%dma_wait3A_965 : memref<64x128xf32, #tpu.memory_space<hbm>>) dst(%dma_wait3A_962 : memref<64x128xf32, #tpu.memory_space<vmem>>)
      %slice3A_966 = vector.extract_strided_slice %get3A_455 {offsets = [4], sizes = [1], strides = [1]} : vector<16xi32> to vector<1xi32>
      %squeeze3A_967 = vector.extract %slice3A_966[0] : i32 from vector<1xi32>
      %jit3A_968 = arith.constant 128 : i32
      %eq3A_969 = arith.constant 0 : i32
      %eq3A_970 = arith.cmpi eq, %jit3A_968, %eq3A_969 : i32
      %jit3A_971 = arith.constant 1 : i32
      %select_n3A_972 = arith.select %eq3A_970, %jit3A_971, %jit3A_968 : i32
      %rem3A_973 = arith.remsi %squeeze3A_967, %select_n3A_972 : i32
      %ne3A_974 = arith.constant 0 : i32
      %ne3A_975 = arith.cmpi ne, %rem3A_973, %ne3A_974 : i32
      %lt3A_976 = arith.constant 0 : i32
      %lt3A_977 = arith.cmpi slt, %rem3A_973, %lt3A_976 : i32
      %lt3A_978 = arith.constant 0 : i32
      %lt3A_979 = arith.cmpi slt, %select_n3A_972, %lt3A_978 : i32
      %ne3A_980 = arith.xori %lt3A_977, %lt3A_979 : i1
      %and3A_981 = arith.andi %ne3A_980, %ne3A_975 : i1
      %add3A_982 = arith.addi %rem3A_973, %select_n3A_972 : i32
      %select_n3A_983 = arith.select %and3A_981, %add3A_982, %rem3A_973 : i32
      %add3A_984 = arith.constant 4 : i32
      %add3A_985 = arith.addi %mul3A_467, %add3A_984 : i32
      %broadcast_in_dim3A_986 = vector.broadcast %select_n3A_983 : i32 to vector<16xi32>
      %iota3A_987 = tpu.iota {dimensions = array<i32: 0>} : vector<16xi32>
      %add3A_988 = arith.constant 0 : i32
      %add3A_989 = vector.broadcast %add3A_988 : i32 to vector<16xi32>
      %add3A_990 = arith.addi %iota3A_987, %add3A_989 : vector<16xi32>
      %gather3A_991 = arith.constant 4 : i32
      %gather3A_992 = arith.constant 0 : i32
      %gather3A_993 = arith.constant 0 : i32
      %gather3A_994 = tpu.memref_slice %arg7[%gather3A_991, %gather3A_992, %gather3A_993] : memref<8x64x128xf32, #tpu.memory_space<vmem>> -> memref<1x64x128xf32, #tpu.memory_space<vmem>>
      %gather3A_995 = tpu.memref_squeeze %gather3A_994 : memref<1x64x128xf32, #tpu.memory_space<vmem>> -> memref<64x128xf32, #tpu.memory_space<vmem>>
      %gather3A_996 = tpu.vector_load_idx %gather3A_995[%add3A_990, %broadcast_in_dim3A_986] : memref<64x128xf32, #tpu.memory_space<vmem>>[vector<16xi32>, vector<16xi32>], vector<16xf32>,
      %broadcast_in_dim3A_997 = vector.broadcast %add3A_985 : i32 to vector<16xi32>
      tpu.vector_store_idx %arg6[%broadcast_in_dim3A_997, %add3A_990], %gather3A_996 : memref<128x64xf32, #tpu.memory_space<vmem>>[vector<16xi32>, vector<16xi32>], vector<16xf32>,
      %iota3A_998 = tpu.iota {dimensions = array<i32: 0>} : vector<16xi32>
      %add3A_999 = arith.constant 16 : i32
      %add3A_1000 = vector.broadcast %add3A_999 : i32 to vector<16xi32>
      %add3A_1001 = arith.addi %iota3A_998, %add3A_1000 : vector<16xi32>
      %gather3A_1002 = arith.constant 4 : i32
      %gather3A_1003 = arith.constant 0 : i32
      %gather3A_1004 = arith.constant 0 : i32
      %gather3A_1005 = tpu.memref_slice %arg7[%gather3A_1002, %gather3A_1003, %gather3A_1004] : memref<8x64x128xf32, #tpu.memory_space<vmem>> -> memref<1x64x128xf32, #tpu.memory_space<vmem>>
      %gather3A_1006 = tpu.memref_squeeze %gather3A_1005 : memref<1x64x128xf32, #tpu.memory_space<vmem>> -> memref<64x128xf32, #tpu.memory_space<vmem>>
      %gather3A_1007 = tpu.vector_load_idx %gather3A_1006[%add3A_1001, %broadcast_in_dim3A_986] : memref<64x128xf32, #tpu.memory_space<vmem>>[vector<16xi32>, vector<16xi32>], vector<16xf32>,
      %broadcast_in_dim3A_1008 = vector.broadcast %add3A_985 : i32 to vector<16xi32>
      tpu.vector_store_idx %arg6[%broadcast_in_dim3A_1008, %add3A_1001], %gather3A_1007 : memref<128x64xf32, #tpu.memory_space<vmem>>[vector<16xi32>, vector<16xi32>], vector<16xf32>,
      %iota3A_1009 = tpu.iota {dimensions = array<i32: 0>} : vector<16xi32>
      %add3A_1010 = arith.constant 32 : i32
      %add3A_1011 = vector.broadcast %add3A_1010 : i32 to vector<16xi32>
      %add3A_1012 = arith.addi %iota3A_1009, %add3A_1011 : vector<16xi32>
      %gather3A_1013 = arith.constant 4 : i32
      %gather3A_1014 = arith.constant 0 : i32
      %gather3A_1015 = arith.constant 0 : i32
      %gather3A_1016 = tpu.memref_slice %arg7[%gather3A_1013, %gather3A_1014, %gather3A_1015] : memref<8x64x128xf32, #tpu.memory_space<vmem>> -> memref<1x64x128xf32, #tpu.memory_space<vmem>>
      %gather3A_1017 = tpu.memref_squeeze %gather3A_1016 : memref<1x64x128xf32, #tpu.memory_space<vmem>> -> memref<64x128xf32, #tpu.memory_space<vmem>>
      %gather3A_1018 = tpu.vector_load_idx %gather3A_1017[%add3A_1012, %broadcast_in_dim3A_986] : memref<64x128xf32, #tpu.memory_space<vmem>>[vector<16xi32>, vector<16xi32>], vector<16xf32>,
      %broadcast_in_dim3A_1019 = vector.broadcast %add3A_985 : i32 to vector<16xi32>
      tpu.vector_store_idx %arg6[%broadcast_in_dim3A_1019, %add3A_1012], %gather3A_1018 : memref<128x64xf32, #tpu.memory_space<vmem>>[vector<16xi32>, vector<16xi32>], vector<16xf32>,
      %iota3A_1020 = tpu.iota {dimensions = array<i32: 0>} : vector<16xi32>
      %add3A_1021 = arith.constant 48 : i32
      %add3A_1022 = vector.broadcast %add3A_1021 : i32 to vector<16xi32>
      %add3A_1023 = arith.addi %iota3A_1020, %add3A_1022 : vector<16xi32>
      %gather3A_1024 = arith.constant 4 : i32
      %gather3A_1025 = arith.constant 0 : i32
      %gather3A_1026 = arith.constant 0 : i32
      %gather3A_1027 = tpu.memref_slice %arg7[%gather3A_1024, %gather3A_1025, %gather3A_1026] : memref<8x64x128xf32, #tpu.memory_space<vmem>> -> memref<1x64x128xf32, #tpu.memory_space<vmem>>
      %gather3A_1028 = tpu.memref_squeeze %gather3A_1027 : memref<1x64x128xf32, #tpu.memory_space<vmem>> -> memref<64x128xf32, #tpu.memory_space<vmem>>
      %gather3A_1029 = tpu.vector_load_idx %gather3A_1028[%add3A_1023, %broadcast_in_dim3A_986] : memref<64x128xf32, #tpu.memory_space<vmem>>[vector<16xi32>, vector<16xi32>], vector<16xf32>,
      %broadcast_in_dim3A_1030 = vector.broadcast %add3A_985 : i32 to vector<16xi32>
      tpu.vector_store_idx %arg6[%broadcast_in_dim3A_1030, %add3A_1023], %gather3A_1029 : memref<128x64xf32, #tpu.memory_space<vmem>>[vector<16xi32>, vector<16xi32>], vector<16xf32>,
      %slice3A_1031 = vector.extract_strided_slice %get3A_455 {offsets = [12], sizes = [1], strides = [1]} : vector<16xi32> to vector<1xi32>
      %squeeze3A_1032 = vector.extract %slice3A_1031[0] : i32 from vector<1xi32>
      %jit3A_1033 = arith.constant 128 : i32
      %div3A_1034 = arith.divsi %squeeze3A_1032, %jit3A_1033 : i32
      %sign3A_1035 = arith.constant 0 : i32
      %sign3A_1036 = arith.cmpi sgt, %squeeze3A_1032, %sign3A_1035 : i32
      %sign3A_1037 = arith.extui %sign3A_1036 : i1 to i32
      %sign3A_1038 = arith.constant 0 : i32
      %sign3A_1039 = arith.cmpi slt, %squeeze3A_1032, %sign3A_1038 : i32
      %sign3A_1040 = arith.extui %sign3A_1039 : i1 to i32
      %sign3A_1041 = arith.subi %sign3A_1037, %sign3A_1040 : i32
      %sign3A_1042 = arith.constant 0 : i32
      %sign3A_1043 = arith.cmpi sgt, %jit3A_1033, %sign3A_1042 : i32
      %sign3A_1044 = arith.extui %sign3A_1043 : i1 to i32
      %sign3A_1045 = arith.constant 0 : i32
      %sign3A_1046 = arith.cmpi slt, %jit3A_1033, %sign3A_1045 : i32
      %sign3A_1047 = arith.extui %sign3A_1046 : i1 to i32
      %sign3A_1048 = arith.subi %sign3A_1044, %sign3A_1047 : i32
      %ne3A_1049 = arith.cmpi ne, %sign3A_1041, %sign3A_1048 : i32
      %rem3A_1050 = arith.remsi %squeeze3A_1032, %jit3A_1033 : i32
      %ne3A_1051 = arith.constant 0 : i32
      %ne3A_1052 = arith.cmpi ne, %rem3A_1050, %ne3A_1051 : i32
      %and3A_1053 = arith.andi %ne3A_1049, %ne3A_1052 : i1
      %sub3A_1054 = arith.constant 1 : i32
      %sub3A_1055 = arith.subi %div3A_1034, %sub3A_1054 : i32
      %select_n3A_1056 = arith.select %and3A_1053, %sub3A_1055, %div3A_1034 : i32
      %mul3A_1057 = arith.constant 128 : i32
      %mul3A_1058 = arith.muli %select_n3A_1056, %mul3A_1057 : i32
      %multiple_of3A_1059 = tpu.assume_multiple %mul3A_1058, 128 : i32
      %dma_start3A_1060 = arith.constant 4 : i32
      %dma_start3A_1061 = arith.constant 0 : i32
      %dma_start3A_1062 = arith.constant 0 : i32
      %dma_start3A_1063 = tpu.memref_slice %arg7[%dma_start3A_1060, %dma_start3A_1061, %dma_start3A_1062] : memref<8x64x128xf32, #tpu.memory_space<vmem>> -> memref<1x64x128xf32, #tpu.memory_space<vmem>>
      %dma_start3A_1064 = tpu.memref_squeeze %dma_start3A_1063 : memref<1x64x128xf32, #tpu.memory_space<vmem>> -> memref<64x128xf32, #tpu.memory_space<vmem>>
      %dma_start3A_1065 = arith.constant 0 : i32
      %dma_start3A_1066 = tpu.memref_slice %arg2[%dma_start3A_1065, %multiple_of3A_1059] : memref<64x1000000xf32, #tpu.memory_space<hbm>> -> memref<64x128xf32, #tpu.memory_space<hbm>>
      %dma_start3A_1067 = arith.constant 0 : i32
      %dma_start3A_1068 = arith.constant 0 : i32
      %dma_start3A_1069 = tpu.memref_slice %arg7[%dma_start3A_1060, %dma_start3A_1067, %dma_start3A_1068] : memref<8x64x128xf32, #tpu.memory_space<vmem>> -> memref<1x64x128xf32, #tpu.memory_space<vmem>>
      %dma_start3A_1070 = tpu.memref_squeeze %dma_start3A_1069 : memref<1x64x128xf32, #tpu.memory_space<vmem>> -> memref<64x128xf32, #tpu.memory_space<vmem>>
      %dma_start3A_1071 = arith.constant 0 : i32
      %dma_start3A_1072 = tpu.memref_slice %arg2[%dma_start3A_1071, %multiple_of3A_1059] : memref<64x1000000xf32, #tpu.memory_space<hbm>> -> memref<64x128xf32, #tpu.memory_space<hbm>>
      tpu.enqueue_dma source(%dma_start3A_1072 : memref<64x128xf32, #tpu.memory_space<hbm>>) target(%dma_start3A_1070 : memref<64x128xf32, #tpu.memory_space<vmem>>) target_semaphore(%arg12 : memref<!tpu.dma_semaphore, #tpu.memory_space<semaphore_mem>>)
      %dma_wait3A_1073 = arith.constant 5 : i32
      %dma_wait3A_1074 = arith.constant 0 : i32
      %dma_wait3A_1075 = arith.constant 0 : i32
      %dma_wait3A_1076 = tpu.memref_slice %arg7[%dma_wait3A_1073, %dma_wait3A_1074, %dma_wait3A_1075] : memref<8x64x128xf32, #tpu.memory_space<vmem>> -> memref<1x64x128xf32, #tpu.memory_space<vmem>>
      %dma_wait3A_1077 = tpu.memref_squeeze %dma_wait3A_1076 : memref<1x64x128xf32, #tpu.memory_space<vmem>> -> memref<64x128xf32, #tpu.memory_space<vmem>>
      %dma_wait3A_1078 = arith.constant 0 : i32
      %dma_wait3A_1079 = arith.constant 0 : i32
      %dma_wait3A_1080 = tpu.memref_slice %arg2[%dma_wait3A_1078, %dma_wait3A_1079] : memref<64x1000000xf32, #tpu.memory_space<hbm>> -> memref<64x128xf32, #tpu.memory_space<hbm>>
      %dma_wait3A_1081 = arith.constant 0 : i32
      %dma_wait3A_1082 = arith.constant 0 : i32
      %dma_wait3A_1083 = tpu.memref_slice %arg7[%dma_wait3A_1073, %dma_wait3A_1081, %dma_wait3A_1082] : memref<8x64x128xf32, #tpu.memory_space<vmem>> -> memref<1x64x128xf32, #tpu.memory_space<vmem>>
      %dma_wait3A_1084 = tpu.memref_squeeze %dma_wait3A_1083 : memref<1x64x128xf32, #tpu.memory_space<vmem>> -> memref<64x128xf32, #tpu.memory_space<vmem>>
      %dma_wait3A_1085 = arith.constant 0 : i32
      %dma_wait3A_1086 = arith.constant 0 : i32
      %dma_wait3A_1087 = tpu.memref_slice %arg2[%dma_wait3A_1085, %dma_wait3A_1086] : memref<64x1000000xf32, #tpu.memory_space<hbm>> -> memref<64x128xf32, #tpu.memory_space<hbm>>
      tpu.wait_dma2 semaphore(%arg13 : memref<!tpu.dma_semaphore, #tpu.memory_space<semaphore_mem>>) src(%dma_wait3A_1087 : memref<64x128xf32, #tpu.memory_space<hbm>>) dst(%dma_wait3A_1084 : memref<64x128xf32, #tpu.memory_space<vmem>>)
      %slice3A_1088 = vector.extract_strided_slice %get3A_455 {offsets = [5], sizes = [1], strides = [1]} : vector<16xi32> to vector<1xi32>
      %squeeze3A_1089 = vector.extract %slice3A_1088[0] : i32 from vector<1xi32>
      %jit3A_1090 = arith.constant 128 : i32
      %eq3A_1091 = arith.constant 0 : i32
      %eq3A_1092 = arith.cmpi eq, %jit3A_1090, %eq3A_1091 : i32
      %jit3A_1093 = arith.constant 1 : i32
      %select_n3A_1094 = arith.select %eq3A_1092, %jit3A_1093, %jit3A_1090 : i32
      %rem3A_1095 = arith.remsi %squeeze3A_1089, %select_n3A_1094 : i32
      %ne3A_1096 = arith.constant 0 : i32
      %ne3A_1097 = arith.cmpi ne, %rem3A_1095, %ne3A_1096 : i32
      %lt3A_1098 = arith.constant 0 : i32
      %lt3A_1099 = arith.cmpi slt, %rem3A_1095, %lt3A_1098 : i32
      %lt3A_1100 = arith.constant 0 : i32
      %lt3A_1101 = arith.cmpi slt, %select_n3A_1094, %lt3A_1100 : i32
      %ne3A_1102 = arith.xori %lt3A_1099, %lt3A_1101 : i1
      %and3A_1103 = arith.andi %ne3A_1102, %ne3A_1097 : i1
      %add3A_1104 = arith.addi %rem3A_1095, %select_n3A_1094 : i32
      %select_n3A_1105 = arith.select %and3A_1103, %add3A_1104, %rem3A_1095 : i32
      %add3A_1106 = arith.constant 5 : i32
      %add3A_1107 = arith.addi %mul3A_467, %add3A_1106 : i32
      %broadcast_in_dim3A_1108 = vector.broadcast %select_n3A_1105 : i32 to vector<16xi32>
      %iota3A_1109 = tpu.iota {dimensions = array<i32: 0>} : vector<16xi32>
      %add3A_1110 = arith.constant 0 : i32
      %add3A_1111 = vector.broadcast %add3A_1110 : i32 to vector<16xi32>
      %add3A_1112 = arith.addi %iota3A_1109, %add3A_1111 : vector<16xi32>
      %gather3A_1113 = arith.constant 5 : i32
      %gather3A_1114 = arith.constant 0 : i32
      %gather3A_1115 = arith.constant 0 : i32
      %gather3A_1116 = tpu.memref_slice %arg7[%gather3A_1113, %gather3A_1114, %gather3A_1115] : memref<8x64x128xf32, #tpu.memory_space<vmem>> -> memref<1x64x128xf32, #tpu.memory_space<vmem>>
      %gather3A_1117 = tpu.memref_squeeze %gather3A_1116 : memref<1x64x128xf32, #tpu.memory_space<vmem>> -> memref<64x128xf32, #tpu.memory_space<vmem>>
      %gather3A_1118 = tpu.vector_load_idx %gather3A_1117[%add3A_1112, %broadcast_in_dim3A_1108] : memref<64x128xf32, #tpu.memory_space<vmem>>[vector<16xi32>, vector<16xi32>], vector<16xf32>,
      %broadcast_in_dim3A_1119 = vector.broadcast %add3A_1107 : i32 to vector<16xi32>
      tpu.vector_store_idx %arg6[%broadcast_in_dim3A_1119, %add3A_1112], %gather3A_1118 : memref<128x64xf32, #tpu.memory_space<vmem>>[vector<16xi32>, vector<16xi32>], vector<16xf32>,
      %iota3A_1120 = tpu.iota {dimensions = array<i32: 0>} : vector<16xi32>
      %add3A_1121 = arith.constant 16 : i32
      %add3A_1122 = vector.broadcast %add3A_1121 : i32 to vector<16xi32>
      %add3A_1123 = arith.addi %iota3A_1120, %add3A_1122 : vector<16xi32>
      %gather3A_1124 = arith.constant 5 : i32
      %gather3A_1125 = arith.constant 0 : i32
      %gather3A_1126 = arith.constant 0 : i32
      %gather3A_1127 = tpu.memref_slice %arg7[%gather3A_1124, %gather3A_1125, %gather3A_1126] : memref<8x64x128xf32, #tpu.memory_space<vmem>> -> memref<1x64x128xf32, #tpu.memory_space<vmem>>
      %gather3A_1128 = tpu.memref_squeeze %gather3A_1127 : memref<1x64x128xf32, #tpu.memory_space<vmem>> -> memref<64x128xf32, #tpu.memory_space<vmem>>
      %gather3A_1129 = tpu.vector_load_idx %gather3A_1128[%add3A_1123, %broadcast_in_dim3A_1108] : memref<64x128xf32, #tpu.memory_space<vmem>>[vector<16xi32>, vector<16xi32>], vector<16xf32>,
      %broadcast_in_dim3A_1130 = vector.broadcast %add3A_1107 : i32 to vector<16xi32>
      tpu.vector_store_idx %arg6[%broadcast_in_dim3A_1130, %add3A_1123], %gather3A_1129 : memref<128x64xf32, #tpu.memory_space<vmem>>[vector<16xi32>, vector<16xi32>], vector<16xf32>,
      %iota3A_1131 = tpu.iota {dimensions = array<i32: 0>} : vector<16xi32>
      %add3A_1132 = arith.constant 32 : i32
      %add3A_1133 = vector.broadcast %add3A_1132 : i32 to vector<16xi32>
      %add3A_1134 = arith.addi %iota3A_1131, %add3A_1133 : vector<16xi32>
      %gather3A_1135 = arith.constant 5 : i32
      %gather3A_1136 = arith.constant 0 : i32
      %gather3A_1137 = arith.constant 0 : i32
      %gather3A_1138 = tpu.memref_slice %arg7[%gather3A_1135, %gather3A_1136, %gather3A_1137] : memref<8x64x128xf32, #tpu.memory_space<vmem>> -> memref<1x64x128xf32, #tpu.memory_space<vmem>>
      %gather3A_1139 = tpu.memref_squeeze %gather3A_1138 : memref<1x64x128xf32, #tpu.memory_space<vmem>> -> memref<64x128xf32, #tpu.memory_space<vmem>>
      %gather3A_1140 = tpu.vector_load_idx %gather3A_1139[%add3A_1134, %broadcast_in_dim3A_1108] : memref<64x128xf32, #tpu.memory_space<vmem>>[vector<16xi32>, vector<16xi32>], vector<16xf32>,
      %broadcast_in_dim3A_1141 = vector.broadcast %add3A_1107 : i32 to vector<16xi32>
      tpu.vector_store_idx %arg6[%broadcast_in_dim3A_1141, %add3A_1134], %gather3A_1140 : memref<128x64xf32, #tpu.memory_space<vmem>>[vector<16xi32>, vector<16xi32>], vector<16xf32>,
      %iota3A_1142 = tpu.iota {dimensions = array<i32: 0>} : vector<16xi32>
      %add3A_1143 = arith.constant 48 : i32
      %add3A_1144 = vector.broadcast %add3A_1143 : i32 to vector<16xi32>
      %add3A_1145 = arith.addi %iota3A_1142, %add3A_1144 : vector<16xi32>
      %gather3A_1146 = arith.constant 5 : i32
      %gather3A_1147 = arith.constant 0 : i32
      %gather3A_1148 = arith.constant 0 : i32
      %gather3A_1149 = tpu.memref_slice %arg7[%gather3A_1146, %gather3A_1147, %gather3A_1148] : memref<8x64x128xf32, #tpu.memory_space<vmem>> -> memref<1x64x128xf32, #tpu.memory_space<vmem>>
      %gather3A_1150 = tpu.memref_squeeze %gather3A_1149 : memref<1x64x128xf32, #tpu.memory_space<vmem>> -> memref<64x128xf32, #tpu.memory_space<vmem>>
      %gather3A_1151 = tpu.vector_load_idx %gather3A_1150[%add3A_1145, %broadcast_in_dim3A_1108] : memref<64x128xf32, #tpu.memory_space<vmem>>[vector<16xi32>, vector<16xi32>], vector<16xf32>,
      %broadcast_in_dim3A_1152 = vector.broadcast %add3A_1107 : i32 to vector<16xi32>
      tpu.vector_store_idx %arg6[%broadcast_in_dim3A_1152, %add3A_1145], %gather3A_1151 : memref<128x64xf32, #tpu.memory_space<vmem>>[vector<16xi32>, vector<16xi32>], vector<16xf32>,
      %slice3A_1153 = vector.extract_strided_slice %get3A_455 {offsets = [13], sizes = [1], strides = [1]} : vector<16xi32> to vector<1xi32>
      %squeeze3A_1154 = vector.extract %slice3A_1153[0] : i32 from vector<1xi32>
      %jit3A_1155 = arith.constant 128 : i32
      %div3A_1156 = arith.divsi %squeeze3A_1154, %jit3A_1155 : i32
      %sign3A_1157 = arith.constant 0 : i32
      %sign3A_1158 = arith.cmpi sgt, %squeeze3A_1154, %sign3A_1157 : i32
      %sign3A_1159 = arith.extui %sign3A_1158 : i1 to i32
      %sign3A_1160 = arith.constant 0 : i32
      %sign3A_1161 = arith.cmpi slt, %squeeze3A_1154, %sign3A_1160 : i32
      %sign3A_1162 = arith.extui %sign3A_1161 : i1 to i32
      %sign3A_1163 = arith.subi %sign3A_1159, %sign3A_1162 : i32
      %sign3A_1164 = arith.constant 0 : i32
      %sign3A_1165 = arith.cmpi sgt, %jit3A_1155, %sign3A_1164 : i32
      %sign3A_1166 = arith.extui %sign3A_1165 : i1 to i32
      %sign3A_1167 = arith.constant 0 : i32
      %sign3A_1168 = arith.cmpi slt, %jit3A_1155, %sign3A_1167 : i32
      %sign3A_1169 = arith.extui %sign3A_1168 : i1 to i32
      %sign3A_1170 = arith.subi %sign3A_1166, %sign3A_1169 : i32
      %ne3A_1171 = arith.cmpi ne, %sign3A_1163, %sign3A_1170 : i32
      %rem3A_1172 = arith.remsi %squeeze3A_1154, %jit3A_1155 : i32
      %ne3A_1173 = arith.constant 0 : i32
      %ne3A_1174 = arith.cmpi ne, %rem3A_1172, %ne3A_1173 : i32
      %and3A_1175 = arith.andi %ne3A_1171, %ne3A_1174 : i1
      %sub3A_1176 = arith.constant 1 : i32
      %sub3A_1177 = arith.subi %div3A_1156, %sub3A_1176 : i32
      %select_n3A_1178 = arith.select %and3A_1175, %sub3A_1177, %div3A_1156 : i32
      %mul3A_1179 = arith.constant 128 : i32
      %mul3A_1180 = arith.muli %select_n3A_1178, %mul3A_1179 : i32
      %multiple_of3A_1181 = tpu.assume_multiple %mul3A_1180, 128 : i32
      %dma_start3A_1182 = arith.constant 5 : i32
      %dma_start3A_1183 = arith.constant 0 : i32
      %dma_start3A_1184 = arith.constant 0 : i32
      %dma_start3A_1185 = tpu.memref_slice %arg7[%dma_start3A_1182, %dma_start3A_1183, %dma_start3A_1184] : memref<8x64x128xf32, #tpu.memory_space<vmem>> -> memref<1x64x128xf32, #tpu.memory_space<vmem>>
      %dma_start3A_1186 = tpu.memref_squeeze %dma_start3A_1185 : memref<1x64x128xf32, #tpu.memory_space<vmem>> -> memref<64x128xf32, #tpu.memory_space<vmem>>
      %dma_start3A_1187 = arith.constant 0 : i32
      %dma_start3A_1188 = tpu.memref_slice %arg2[%dma_start3A_1187, %multiple_of3A_1181] : memref<64x1000000xf32, #tpu.memory_space<hbm>> -> memref<64x128xf32, #tpu.memory_space<hbm>>
      %dma_start3A_1189 = arith.constant 0 : i32
      %dma_start3A_1190 = arith.constant 0 : i32
      %dma_start3A_1191 = tpu.memref_slice %arg7[%dma_start3A_1182, %dma_start3A_1189, %dma_start3A_1190] : memref<8x64x128xf32, #tpu.memory_space<vmem>> -> memref<1x64x128xf32, #tpu.memory_space<vmem>>
      %dma_start3A_1192 = tpu.memref_squeeze %dma_start3A_1191 : memref<1x64x128xf32, #tpu.memory_space<vmem>> -> memref<64x128xf32, #tpu.memory_space<vmem>>
      %dma_start3A_1193 = arith.constant 0 : i32
      %dma_start3A_1194 = tpu.memref_slice %arg2[%dma_start3A_1193, %multiple_of3A_1181] : memref<64x1000000xf32, #tpu.memory_space<hbm>> -> memref<64x128xf32, #tpu.memory_space<hbm>>
      tpu.enqueue_dma source(%dma_start3A_1194 : memref<64x128xf32, #tpu.memory_space<hbm>>) target(%dma_start3A_1192 : memref<64x128xf32, #tpu.memory_space<vmem>>) target_semaphore(%arg13 : memref<!tpu.dma_semaphore, #tpu.memory_space<semaphore_mem>>)
      %dma_wait3A_1195 = arith.constant 6 : i32
      %dma_wait3A_1196 = arith.constant 0 : i32
      %dma_wait3A_1197 = arith.constant 0 : i32
      %dma_wait3A_1198 = tpu.memref_slice %arg7[%dma_wait3A_1195, %dma_wait3A_1196, %dma_wait3A_1197] : memref<8x64x128xf32, #tpu.memory_space<vmem>> -> memref<1x64x128xf32, #tpu.memory_space<vmem>>
      %dma_wait3A_1199 = tpu.memref_squeeze %dma_wait3A_1198 : memref<1x64x128xf32, #tpu.memory_space<vmem>> -> memref<64x128xf32, #tpu.memory_space<vmem>>
      %dma_wait3A_1200 = arith.constant 0 : i32
      %dma_wait3A_1201 = arith.constant 0 : i32
      %dma_wait3A_1202 = tpu.memref_slice %arg2[%dma_wait3A_1200, %dma_wait3A_1201] : memref<64x1000000xf32, #tpu.memory_space<hbm>> -> memref<64x128xf32, #tpu.memory_space<hbm>>
      %dma_wait3A_1203 = arith.constant 0 : i32
      %dma_wait3A_1204 = arith.constant 0 : i32
      %dma_wait3A_1205 = tpu.memref_slice %arg7[%dma_wait3A_1195, %dma_wait3A_1203, %dma_wait3A_1204] : memref<8x64x128xf32, #tpu.memory_space<vmem>> -> memref<1x64x128xf32, #tpu.memory_space<vmem>>
      %dma_wait3A_1206 = tpu.memref_squeeze %dma_wait3A_1205 : memref<1x64x128xf32, #tpu.memory_space<vmem>> -> memref<64x128xf32, #tpu.memory_space<vmem>>
      %dma_wait3A_1207 = arith.constant 0 : i32
      %dma_wait3A_1208 = arith.constant 0 : i32
      %dma_wait3A_1209 = tpu.memref_slice %arg2[%dma_wait3A_1207, %dma_wait3A_1208] : memref<64x1000000xf32, #tpu.memory_space<hbm>> -> memref<64x128xf32, #tpu.memory_space<hbm>>
      tpu.wait_dma2 semaphore(%arg14 : memref<!tpu.dma_semaphore, #tpu.memory_space<semaphore_mem>>) src(%dma_wait3A_1209 : memref<64x128xf32, #tpu.memory_space<hbm>>) dst(%dma_wait3A_1206 : memref<64x128xf32, #tpu.memory_space<vmem>>)
      %slice3A_1210 = vector.extract_strided_slice %get3A_455 {offsets = [6], sizes = [1], strides = [1]} : vector<16xi32> to vector<1xi32>
      %squeeze3A_1211 = vector.extract %slice3A_1210[0] : i32 from vector<1xi32>
      %jit3A_1212 = arith.constant 128 : i32
      %eq3A_1213 = arith.constant 0 : i32
      %eq3A_1214 = arith.cmpi eq, %jit3A_1212, %eq3A_1213 : i32
      %jit3A_1215 = arith.constant 1 : i32
      %select_n3A_1216 = arith.select %eq3A_1214, %jit3A_1215, %jit3A_1212 : i32
      %rem3A_1217 = arith.remsi %squeeze3A_1211, %select_n3A_1216 : i32
      %ne3A_1218 = arith.constant 0 : i32
      %ne3A_1219 = arith.cmpi ne, %rem3A_1217, %ne3A_1218 : i32
      %lt3A_1220 = arith.constant 0 : i32
      %lt3A_1221 = arith.cmpi slt, %rem3A_1217, %lt3A_1220 : i32
      %lt3A_1222 = arith.constant 0 : i32
      %lt3A_1223 = arith.cmpi slt, %select_n3A_1216, %lt3A_1222 : i32
      %ne3A_1224 = arith.xori %lt3A_1221, %lt3A_1223 : i1
      %and3A_1225 = arith.andi %ne3A_1224, %ne3A_1219 : i1
      %add3A_1226 = arith.addi %rem3A_1217, %select_n3A_1216 : i32
      %select_n3A_1227 = arith.select %and3A_1225, %add3A_1226, %rem3A_1217 : i32
      %add3A_1228 = arith.constant 6 : i32
      %add3A_1229 = arith.addi %mul3A_467, %add3A_1228 : i32
      %broadcast_in_dim3A_1230 = vector.broadcast %select_n3A_1227 : i32 to vector<16xi32>
      %iota3A_1231 = tpu.iota {dimensions = array<i32: 0>} : vector<16xi32>
      %add3A_1232 = arith.constant 0 : i32
      %add3A_1233 = vector.broadcast %add3A_1232 : i32 to vector<16xi32>
      %add3A_1234 = arith.addi %iota3A_1231, %add3A_1233 : vector<16xi32>
      %gather3A_1235 = arith.constant 6 : i32
      %gather3A_1236 = arith.constant 0 : i32
      %gather3A_1237 = arith.constant 0 : i32
      %gather3A_1238 = tpu.memref_slice %arg7[%gather3A_1235, %gather3A_1236, %gather3A_1237] : memref<8x64x128xf32, #tpu.memory_space<vmem>> -> memref<1x64x128xf32, #tpu.memory_space<vmem>>
      %gather3A_1239 = tpu.memref_squeeze %gather3A_1238 : memref<1x64x128xf32, #tpu.memory_space<vmem>> -> memref<64x128xf32, #tpu.memory_space<vmem>>
      %gather3A_1240 = tpu.vector_load_idx %gather3A_1239[%add3A_1234, %broadcast_in_dim3A_1230] : memref<64x128xf32, #tpu.memory_space<vmem>>[vector<16xi32>, vector<16xi32>], vector<16xf32>,
      %broadcast_in_dim3A_1241 = vector.broadcast %add3A_1229 : i32 to vector<16xi32>
      tpu.vector_store_idx %arg6[%broadcast_in_dim3A_1241, %add3A_1234], %gather3A_1240 : memref<128x64xf32, #tpu.memory_space<vmem>>[vector<16xi32>, vector<16xi32>], vector<16xf32>,
      %iota3A_1242 = tpu.iota {dimensions = array<i32: 0>} : vector<16xi32>
      %add3A_1243 = arith.constant 16 : i32
      %add3A_1244 = vector.broadcast %add3A_1243 : i32 to vector<16xi32>
      %add3A_1245 = arith.addi %iota3A_1242, %add3A_1244 : vector<16xi32>
      %gather3A_1246 = arith.constant 6 : i32
      %gather3A_1247 = arith.constant 0 : i32
      %gather3A_1248 = arith.constant 0 : i32
      %gather3A_1249 = tpu.memref_slice %arg7[%gather3A_1246, %gather3A_1247, %gather3A_1248] : memref<8x64x128xf32, #tpu.memory_space<vmem>> -> memref<1x64x128xf32, #tpu.memory_space<vmem>>
      %gather3A_1250 = tpu.memref_squeeze %gather3A_1249 : memref<1x64x128xf32, #tpu.memory_space<vmem>> -> memref<64x128xf32, #tpu.memory_space<vmem>>
      %gather3A_1251 = tpu.vector_load_idx %gather3A_1250[%add3A_1245, %broadcast_in_dim3A_1230] : memref<64x128xf32, #tpu.memory_space<vmem>>[vector<16xi32>, vector<16xi32>], vector<16xf32>,
      %broadcast_in_dim3A_1252 = vector.broadcast %add3A_1229 : i32 to vector<16xi32>
      tpu.vector_store_idx %arg6[%broadcast_in_dim3A_1252, %add3A_1245], %gather3A_1251 : memref<128x64xf32, #tpu.memory_space<vmem>>[vector<16xi32>, vector<16xi32>], vector<16xf32>,
      %iota3A_1253 = tpu.iota {dimensions = array<i32: 0>} : vector<16xi32>
      %add3A_1254 = arith.constant 32 : i32
      %add3A_1255 = vector.broadcast %add3A_1254 : i32 to vector<16xi32>
      %add3A_1256 = arith.addi %iota3A_1253, %add3A_1255 : vector<16xi32>
      %gather3A_1257 = arith.constant 6 : i32
      %gather3A_1258 = arith.constant 0 : i32
      %gather3A_1259 = arith.constant 0 : i32
      %gather3A_1260 = tpu.memref_slice %arg7[%gather3A_1257, %gather3A_1258, %gather3A_1259] : memref<8x64x128xf32, #tpu.memory_space<vmem>> -> memref<1x64x128xf32, #tpu.memory_space<vmem>>
      %gather3A_1261 = tpu.memref_squeeze %gather3A_1260 : memref<1x64x128xf32, #tpu.memory_space<vmem>> -> memref<64x128xf32, #tpu.memory_space<vmem>>
      %gather3A_1262 = tpu.vector_load_idx %gather3A_1261[%add3A_1256, %broadcast_in_dim3A_1230] : memref<64x128xf32, #tpu.memory_space<vmem>>[vector<16xi32>, vector<16xi32>], vector<16xf32>,
      %broadcast_in_dim3A_1263 = vector.broadcast %add3A_1229 : i32 to vector<16xi32>
      tpu.vector_store_idx %arg6[%broadcast_in_dim3A_1263, %add3A_1256], %gather3A_1262 : memref<128x64xf32, #tpu.memory_space<vmem>>[vector<16xi32>, vector<16xi32>], vector<16xf32>,
      %iota3A_1264 = tpu.iota {dimensions = array<i32: 0>} : vector<16xi32>
      %add3A_1265 = arith.constant 48 : i32
      %add3A_1266 = vector.broadcast %add3A_1265 : i32 to vector<16xi32>
      %add3A_1267 = arith.addi %iota3A_1264, %add3A_1266 : vector<16xi32>
      %gather3A_1268 = arith.constant 6 : i32
      %gather3A_1269 = arith.constant 0 : i32
      %gather3A_1270 = arith.constant 0 : i32
      %gather3A_1271 = tpu.memref_slice %arg7[%gather3A_1268, %gather3A_1269, %gather3A_1270] : memref<8x64x128xf32, #tpu.memory_space<vmem>> -> memref<1x64x128xf32, #tpu.memory_space<vmem>>
      %gather3A_1272 = tpu.memref_squeeze %gather3A_1271 : memref<1x64x128xf32, #tpu.memory_space<vmem>> -> memref<64x128xf32, #tpu.memory_space<vmem>>
      %gather3A_1273 = tpu.vector_load_idx %gather3A_1272[%add3A_1267, %broadcast_in_dim3A_1230] : memref<64x128xf32, #tpu.memory_space<vmem>>[vector<16xi32>, vector<16xi32>], vector<16xf32>,
      %broadcast_in_dim3A_1274 = vector.broadcast %add3A_1229 : i32 to vector<16xi32>
      tpu.vector_store_idx %arg6[%broadcast_in_dim3A_1274, %add3A_1267], %gather3A_1273 : memref<128x64xf32, #tpu.memory_space<vmem>>[vector<16xi32>, vector<16xi32>], vector<16xf32>,
      %slice3A_1275 = vector.extract_strided_slice %get3A_455 {offsets = [14], sizes = [1], strides = [1]} : vector<16xi32> to vector<1xi32>
      %squeeze3A_1276 = vector.extract %slice3A_1275[0] : i32 from vector<1xi32>
      %jit3A_1277 = arith.constant 128 : i32
      %div3A_1278 = arith.divsi %squeeze3A_1276, %jit3A_1277 : i32
      %sign3A_1279 = arith.constant 0 : i32
      %sign3A_1280 = arith.cmpi sgt, %squeeze3A_1276, %sign3A_1279 : i32
      %sign3A_1281 = arith.extui %sign3A_1280 : i1 to i32
      %sign3A_1282 = arith.constant 0 : i32
      %sign3A_1283 = arith.cmpi slt, %squeeze3A_1276, %sign3A_1282 : i32
      %sign3A_1284 = arith.extui %sign3A_1283 : i1 to i32
      %sign3A_1285 = arith.subi %sign3A_1281, %sign3A_1284 : i32
      %sign3A_1286 = arith.constant 0 : i32
      %sign3A_1287 = arith.cmpi sgt, %jit3A_1277, %sign3A_1286 : i32
      %sign3A_1288 = arith.extui %sign3A_1287 : i1 to i32
      %sign3A_1289 = arith.constant 0 : i32
      %sign3A_1290 = arith.cmpi slt, %jit3A_1277, %sign3A_1289 : i32
      %sign3A_1291 = arith.extui %sign3A_1290 : i1 to i32
      %sign3A_1292 = arith.subi %sign3A_1288, %sign3A_1291 : i32
      %ne3A_1293 = arith.cmpi ne, %sign3A_1285, %sign3A_1292 : i32
      %rem3A_1294 = arith.remsi %squeeze3A_1276, %jit3A_1277 : i32
      %ne3A_1295 = arith.constant 0 : i32
      %ne3A_1296 = arith.cmpi ne, %rem3A_1294, %ne3A_1295 : i32
      %and3A_1297 = arith.andi %ne3A_1293, %ne3A_1296 : i1
      %sub3A_1298 = arith.constant 1 : i32
      %sub3A_1299 = arith.subi %div3A_1278, %sub3A_1298 : i32
      %select_n3A_1300 = arith.select %and3A_1297, %sub3A_1299, %div3A_1278 : i32
      %mul3A_1301 = arith.constant 128 : i32
      %mul3A_1302 = arith.muli %select_n3A_1300, %mul3A_1301 : i32
      %multiple_of3A_1303 = tpu.assume_multiple %mul3A_1302, 128 : i32
      %dma_start3A_1304 = arith.constant 6 : i32
      %dma_start3A_1305 = arith.constant 0 : i32
      %dma_start3A_1306 = arith.constant 0 : i32
      %dma_start3A_1307 = tpu.memref_slice %arg7[%dma_start3A_1304, %dma_start3A_1305, %dma_start3A_1306] : memref<8x64x128xf32, #tpu.memory_space<vmem>> -> memref<1x64x128xf32, #tpu.memory_space<vmem>>
      %dma_start3A_1308 = tpu.memref_squeeze %dma_start3A_1307 : memref<1x64x128xf32, #tpu.memory_space<vmem>> -> memref<64x128xf32, #tpu.memory_space<vmem>>
      %dma_start3A_1309 = arith.constant 0 : i32
      %dma_start3A_1310 = tpu.memref_slice %arg2[%dma_start3A_1309, %multiple_of3A_1303] : memref<64x1000000xf32, #tpu.memory_space<hbm>> -> memref<64x128xf32, #tpu.memory_space<hbm>>
      %dma_start3A_1311 = arith.constant 0 : i32
      %dma_start3A_1312 = arith.constant 0 : i32
      %dma_start3A_1313 = tpu.memref_slice %arg7[%dma_start3A_1304, %dma_start3A_1311, %dma_start3A_1312] : memref<8x64x128xf32, #tpu.memory_space<vmem>> -> memref<1x64x128xf32, #tpu.memory_space<vmem>>
      %dma_start3A_1314 = tpu.memref_squeeze %dma_start3A_1313 : memref<1x64x128xf32, #tpu.memory_space<vmem>> -> memref<64x128xf32, #tpu.memory_space<vmem>>
      %dma_start3A_1315 = arith.constant 0 : i32
      %dma_start3A_1316 = tpu.memref_slice %arg2[%dma_start3A_1315, %multiple_of3A_1303] : memref<64x1000000xf32, #tpu.memory_space<hbm>> -> memref<64x128xf32, #tpu.memory_space<hbm>>
      tpu.enqueue_dma source(%dma_start3A_1316 : memref<64x128xf32, #tpu.memory_space<hbm>>) target(%dma_start3A_1314 : memref<64x128xf32, #tpu.memory_space<vmem>>) target_semaphore(%arg14 : memref<!tpu.dma_semaphore, #tpu.memory_space<semaphore_mem>>)
      %dma_wait3A_1317 = arith.constant 7 : i32
      %dma_wait3A_1318 = arith.constant 0 : i32
      %dma_wait3A_1319 = arith.constant 0 : i32
      %dma_wait3A_1320 = tpu.memref_slice %arg7[%dma_wait3A_1317, %dma_wait3A_1318, %dma_wait3A_1319] : memref<8x64x128xf32, #tpu.memory_space<vmem>> -> memref<1x64x128xf32, #tpu.memory_space<vmem>>
      %dma_wait3A_1321 = tpu.memref_squeeze %dma_wait3A_1320 : memref<1x64x128xf32, #tpu.memory_space<vmem>> -> memref<64x128xf32, #tpu.memory_space<vmem>>
      %dma_wait3A_1322 = arith.constant 0 : i32
      %dma_wait3A_1323 = arith.constant 0 : i32
      %dma_wait3A_1324 = tpu.memref_slice %arg2[%dma_wait3A_1322, %dma_wait3A_1323] : memref<64x1000000xf32, #tpu.memory_space<hbm>> -> memref<64x128xf32, #tpu.memory_space<hbm>>
      %dma_wait3A_1325 = arith.constant 0 : i32
      %dma_wait3A_1326 = arith.constant 0 : i32
      %dma_wait3A_1327 = tpu.memref_slice %arg7[%dma_wait3A_1317, %dma_wait3A_1325, %dma_wait3A_1326] : memref<8x64x128xf32, #tpu.memory_space<vmem>> -> memref<1x64x128xf32, #tpu.memory_space<vmem>>
      %dma_wait3A_1328 = tpu.memref_squeeze %dma_wait3A_1327 : memref<1x64x128xf32, #tpu.memory_space<vmem>> -> memref<64x128xf32, #tpu.memory_space<vmem>>
      %dma_wait3A_1329 = arith.constant 0 : i32
      %dma_wait3A_1330 = arith.constant 0 : i32
      %dma_wait3A_1331 = tpu.memref_slice %arg2[%dma_wait3A_1329, %dma_wait3A_1330] : memref<64x1000000xf32, #tpu.memory_space<hbm>> -> memref<64x128xf32, #tpu.memory_space<hbm>>
      tpu.wait_dma2 semaphore(%arg15 : memref<!tpu.dma_semaphore, #tpu.memory_space<semaphore_mem>>) src(%dma_wait3A_1331 : memref<64x128xf32, #tpu.memory_space<hbm>>) dst(%dma_wait3A_1328 : memref<64x128xf32, #tpu.memory_space<vmem>>)
      %slice3A_1332 = vector.extract_strided_slice %get3A_455 {offsets = [7], sizes = [1], strides = [1]} : vector<16xi32> to vector<1xi32>
      %squeeze3A_1333 = vector.extract %slice3A_1332[0] : i32 from vector<1xi32>
      %jit3A_1334 = arith.constant 128 : i32
      %eq3A_1335 = arith.constant 0 : i32
      %eq3A_1336 = arith.cmpi eq, %jit3A_1334, %eq3A_1335 : i32
      %jit3A_1337 = arith.constant 1 : i32
      %select_n3A_1338 = arith.select %eq3A_1336, %jit3A_1337, %jit3A_1334 : i32
      %rem3A_1339 = arith.remsi %squeeze3A_1333, %select_n3A_1338 : i32
      %ne3A_1340 = arith.constant 0 : i32
      %ne3A_1341 = arith.cmpi ne, %rem3A_1339, %ne3A_1340 : i32
      %lt3A_1342 = arith.constant 0 : i32
      %lt3A_1343 = arith.cmpi slt, %rem3A_1339, %lt3A_1342 : i32
      %lt3A_1344 = arith.constant 0 : i32
      %lt3A_1345 = arith.cmpi slt, %select_n3A_1338, %lt3A_1344 : i32
      %ne3A_1346 = arith.xori %lt3A_1343, %lt3A_1345 : i1
      %and3A_1347 = arith.andi %ne3A_1346, %ne3A_1341 : i1
      %add3A_1348 = arith.addi %rem3A_1339, %select_n3A_1338 : i32
      %select_n3A_1349 = arith.select %and3A_1347, %add3A_1348, %rem3A_1339 : i32
      %add3A_1350 = arith.constant 7 : i32
      %add3A_1351 = arith.addi %mul3A_467, %add3A_1350 : i32
      %broadcast_in_dim3A_1352 = vector.broadcast %select_n3A_1349 : i32 to vector<16xi32>
      %iota3A_1353 = tpu.iota {dimensions = array<i32: 0>} : vector<16xi32>
      %add3A_1354 = arith.constant 0 : i32
      %add3A_1355 = vector.broadcast %add3A_1354 : i32 to vector<16xi32>
      %add3A_1356 = arith.addi %iota3A_1353, %add3A_1355 : vector<16xi32>
      %gather3A_1357 = arith.constant 7 : i32
      %gather3A_1358 = arith.constant 0 : i32
      %gather3A_1359 = arith.constant 0 : i32
      %gather3A_1360 = tpu.memref_slice %arg7[%gather3A_1357, %gather3A_1358, %gather3A_1359] : memref<8x64x128xf32, #tpu.memory_space<vmem>> -> memref<1x64x128xf32, #tpu.memory_space<vmem>>
      %gather3A_1361 = tpu.memref_squeeze %gather3A_1360 : memref<1x64x128xf32, #tpu.memory_space<vmem>> -> memref<64x128xf32, #tpu.memory_space<vmem>>
      %gather3A_1362 = tpu.vector_load_idx %gather3A_1361[%add3A_1356, %broadcast_in_dim3A_1352] : memref<64x128xf32, #tpu.memory_space<vmem>>[vector<16xi32>, vector<16xi32>], vector<16xf32>,
      %broadcast_in_dim3A_1363 = vector.broadcast %add3A_1351 : i32 to vector<16xi32>
      tpu.vector_store_idx %arg6[%broadcast_in_dim3A_1363, %add3A_1356], %gather3A_1362 : memref<128x64xf32, #tpu.memory_space<vmem>>[vector<16xi32>, vector<16xi32>], vector<16xf32>,
      %iota3A_1364 = tpu.iota {dimensions = array<i32: 0>} : vector<16xi32>
      %add3A_1365 = arith.constant 16 : i32
      %add3A_1366 = vector.broadcast %add3A_1365 : i32 to vector<16xi32>
      %add3A_1367 = arith.addi %iota3A_1364, %add3A_1366 : vector<16xi32>
      %gather3A_1368 = arith.constant 7 : i32
      %gather3A_1369 = arith.constant 0 : i32
      %gather3A_1370 = arith.constant 0 : i32
      %gather3A_1371 = tpu.memref_slice %arg7[%gather3A_1368, %gather3A_1369, %gather3A_1370] : memref<8x64x128xf32, #tpu.memory_space<vmem>> -> memref<1x64x128xf32, #tpu.memory_space<vmem>>
      %gather3A_1372 = tpu.memref_squeeze %gather3A_1371 : memref<1x64x128xf32, #tpu.memory_space<vmem>> -> memref<64x128xf32, #tpu.memory_space<vmem>>
      %gather3A_1373 = tpu.vector_load_idx %gather3A_1372[%add3A_1367, %broadcast_in_dim3A_1352] : memref<64x128xf32, #tpu.memory_space<vmem>>[vector<16xi32>, vector<16xi32>], vector<16xf32>,
      %broadcast_in_dim3A_1374 = vector.broadcast %add3A_1351 : i32 to vector<16xi32>
      tpu.vector_store_idx %arg6[%broadcast_in_dim3A_1374, %add3A_1367], %gather3A_1373 : memref<128x64xf32, #tpu.memory_space<vmem>>[vector<16xi32>, vector<16xi32>], vector<16xf32>,
      %iota3A_1375 = tpu.iota {dimensions = array<i32: 0>} : vector<16xi32>
      %add3A_1376 = arith.constant 32 : i32
      %add3A_1377 = vector.broadcast %add3A_1376 : i32 to vector<16xi32>
      %add3A_1378 = arith.addi %iota3A_1375, %add3A_1377 : vector<16xi32>
      %gather3A_1379 = arith.constant 7 : i32
      %gather3A_1380 = arith.constant 0 : i32
      %gather3A_1381 = arith.constant 0 : i32
      %gather3A_1382 = tpu.memref_slice %arg7[%gather3A_1379, %gather3A_1380, %gather3A_1381] : memref<8x64x128xf32, #tpu.memory_space<vmem>> -> memref<1x64x128xf32, #tpu.memory_space<vmem>>
      %gather3A_1383 = tpu.memref_squeeze %gather3A_1382 : memref<1x64x128xf32, #tpu.memory_space<vmem>> -> memref<64x128xf32, #tpu.memory_space<vmem>>
      %gather3A_1384 = tpu.vector_load_idx %gather3A_1383[%add3A_1378, %broadcast_in_dim3A_1352] : memref<64x128xf32, #tpu.memory_space<vmem>>[vector<16xi32>, vector<16xi32>], vector<16xf32>,
      %broadcast_in_dim3A_1385 = vector.broadcast %add3A_1351 : i32 to vector<16xi32>
      tpu.vector_store_idx %arg6[%broadcast_in_dim3A_1385, %add3A_1378], %gather3A_1384 : memref<128x64xf32, #tpu.memory_space<vmem>>[vector<16xi32>, vector<16xi32>], vector<16xf32>,
      %iota3A_1386 = tpu.iota {dimensions = array<i32: 0>} : vector<16xi32>
      %add3A_1387 = arith.constant 48 : i32
      %add3A_1388 = vector.broadcast %add3A_1387 : i32 to vector<16xi32>
      %add3A_1389 = arith.addi %iota3A_1386, %add3A_1388 : vector<16xi32>
      %gather3A_1390 = arith.constant 7 : i32
      %gather3A_1391 = arith.constant 0 : i32
      %gather3A_1392 = arith.constant 0 : i32
      %gather3A_1393 = tpu.memref_slice %arg7[%gather3A_1390, %gather3A_1391, %gather3A_1392] : memref<8x64x128xf32, #tpu.memory_space<vmem>> -> memref<1x64x128xf32, #tpu.memory_space<vmem>>
      %gather3A_1394 = tpu.memref_squeeze %gather3A_1393 : memref<1x64x128xf32, #tpu.memory_space<vmem>> -> memref<64x128xf32, #tpu.memory_space<vmem>>
      %gather3A_1395 = tpu.vector_load_idx %gather3A_1394[%add3A_1389, %broadcast_in_dim3A_1352] : memref<64x128xf32, #tpu.memory_space<vmem>>[vector<16xi32>, vector<16xi32>], vector<16xf32>,
      %broadcast_in_dim3A_1396 = vector.broadcast %add3A_1351 : i32 to vector<16xi32>
      tpu.vector_store_idx %arg6[%broadcast_in_dim3A_1396, %add3A_1389], %gather3A_1395 : memref<128x64xf32, #tpu.memory_space<vmem>>[vector<16xi32>, vector<16xi32>], vector<16xf32>,
      %slice3A_1397 = vector.extract_strided_slice %get3A_455 {offsets = [15], sizes = [1], strides = [1]} : vector<16xi32> to vector<1xi32>
      %squeeze3A_1398 = vector.extract %slice3A_1397[0] : i32 from vector<1xi32>
      %jit3A_1399 = arith.constant 128 : i32
      %div3A_1400 = arith.divsi %squeeze3A_1398, %jit3A_1399 : i32
      %sign3A_1401 = arith.constant 0 : i32
      %sign3A_1402 = arith.cmpi sgt, %squeeze3A_1398, %sign3A_1401 : i32
      %sign3A_1403 = arith.extui %sign3A_1402 : i1 to i32
      %sign3A_1404 = arith.constant 0 : i32
      %sign3A_1405 = arith.cmpi slt, %squeeze3A_1398, %sign3A_1404 : i32
      %sign3A_1406 = arith.extui %sign3A_1405 : i1 to i32
      %sign3A_1407 = arith.subi %sign3A_1403, %sign3A_1406 : i32
      %sign3A_1408 = arith.constant 0 : i32
      %sign3A_1409 = arith.cmpi sgt, %jit3A_1399, %sign3A_1408 : i32
      %sign3A_1410 = arith.extui %sign3A_1409 : i1 to i32
      %sign3A_1411 = arith.constant 0 : i32
      %sign3A_1412 = arith.cmpi slt, %jit3A_1399, %sign3A_1411 : i32
      %sign3A_1413 = arith.extui %sign3A_1412 : i1 to i32
      %sign3A_1414 = arith.subi %sign3A_1410, %sign3A_1413 : i32
      %ne3A_1415 = arith.cmpi ne, %sign3A_1407, %sign3A_1414 : i32
      %rem3A_1416 = arith.remsi %squeeze3A_1398, %jit3A_1399 : i32
      %ne3A_1417 = arith.constant 0 : i32
      %ne3A_1418 = arith.cmpi ne, %rem3A_1416, %ne3A_1417 : i32
      %and3A_1419 = arith.andi %ne3A_1415, %ne3A_1418 : i1
      %sub3A_1420 = arith.constant 1 : i32
      %sub3A_1421 = arith.subi %div3A_1400, %sub3A_1420 : i32
      %select_n3A_1422 = arith.select %and3A_1419, %sub3A_1421, %div3A_1400 : i32
      %mul3A_1423 = arith.constant 128 : i32
      %mul3A_1424 = arith.muli %select_n3A_1422, %mul3A_1423 : i32
      %multiple_of3A_1425 = tpu.assume_multiple %mul3A_1424, 128 : i32
      %dma_start3A_1426 = arith.constant 7 : i32
      %dma_start3A_1427 = arith.constant 0 : i32
      %dma_start3A_1428 = arith.constant 0 : i32
      %dma_start3A_1429 = tpu.memref_slice %arg7[%dma_start3A_1426, %dma_start3A_1427, %dma_start3A_1428] : memref<8x64x128xf32, #tpu.memory_space<vmem>> -> memref<1x64x128xf32, #tpu.memory_space<vmem>>
      %dma_start3A_1430 = tpu.memref_squeeze %dma_start3A_1429 : memref<1x64x128xf32, #tpu.memory_space<vmem>> -> memref<64x128xf32, #tpu.memory_space<vmem>>
      %dma_start3A_1431 = arith.constant 0 : i32
      %dma_start3A_1432 = tpu.memref_slice %arg2[%dma_start3A_1431, %multiple_of3A_1425] : memref<64x1000000xf32, #tpu.memory_space<hbm>> -> memref<64x128xf32, #tpu.memory_space<hbm>>
      %dma_start3A_1433 = arith.constant 0 : i32
      %dma_start3A_1434 = arith.constant 0 : i32
      %dma_start3A_1435 = tpu.memref_slice %arg7[%dma_start3A_1426, %dma_start3A_1433, %dma_start3A_1434] : memref<8x64x128xf32, #tpu.memory_space<vmem>> -> memref<1x64x128xf32, #tpu.memory_space<vmem>>
      %dma_start3A_1436 = tpu.memref_squeeze %dma_start3A_1435 : memref<1x64x128xf32, #tpu.memory_space<vmem>> -> memref<64x128xf32, #tpu.memory_space<vmem>>
      %dma_start3A_1437 = arith.constant 0 : i32
      %dma_start3A_1438 = tpu.memref_slice %arg2[%dma_start3A_1437, %multiple_of3A_1425] : memref<64x1000000xf32, #tpu.memory_space<hbm>> -> memref<64x128xf32, #tpu.memory_space<hbm>>
      tpu.enqueue_dma source(%dma_start3A_1438 : memref<64x128xf32, #tpu.memory_space<hbm>>) target(%dma_start3A_1436 : memref<64x128xf32, #tpu.memory_space<vmem>>) target_semaphore(%arg15 : memref<!tpu.dma_semaphore, #tpu.memory_space<semaphore_mem>>)
      %dma_wait3A_1439 = arith.constant 0 : i32
      %dma_wait3A_1440 = arith.constant 0 : i32
      %dma_wait3A_1441 = arith.constant 0 : i32
      %dma_wait3A_1442 = tpu.memref_slice %arg7[%dma_wait3A_1439, %dma_wait3A_1440, %dma_wait3A_1441] : memref<8x64x128xf32, #tpu.memory_space<vmem>> -> memref<1x64x128xf32, #tpu.memory_space<vmem>>
      %dma_wait3A_1443 = tpu.memref_squeeze %dma_wait3A_1442 : memref<1x64x128xf32, #tpu.memory_space<vmem>> -> memref<64x128xf32, #tpu.memory_space<vmem>>
      %dma_wait3A_1444 = arith.constant 0 : i32
      %dma_wait3A_1445 = arith.constant 0 : i32
      %dma_wait3A_1446 = tpu.memref_slice %arg2[%dma_wait3A_1444, %dma_wait3A_1445] : memref<64x1000000xf32, #tpu.memory_space<hbm>> -> memref<64x128xf32, #tpu.memory_space<hbm>>
      %dma_wait3A_1447 = arith.constant 0 : i32
      %dma_wait3A_1448 = arith.constant 0 : i32
      %dma_wait3A_1449 = tpu.memref_slice %arg7[%dma_wait3A_1439, %dma_wait3A_1447, %dma_wait3A_1448] : memref<8x64x128xf32, #tpu.memory_space<vmem>> -> memref<1x64x128xf32, #tpu.memory_space<vmem>>
      %dma_wait3A_1450 = tpu.memref_squeeze %dma_wait3A_1449 : memref<1x64x128xf32, #tpu.memory_space<vmem>> -> memref<64x128xf32, #tpu.memory_space<vmem>>
      %dma_wait3A_1451 = arith.constant 0 : i32
      %dma_wait3A_1452 = arith.constant 0 : i32
      %dma_wait3A_1453 = tpu.memref_slice %arg2[%dma_wait3A_1451, %dma_wait3A_1452] : memref<64x1000000xf32, #tpu.memory_space<hbm>> -> memref<64x128xf32, #tpu.memory_space<hbm>>
      tpu.wait_dma2 semaphore(%arg8 : memref<!tpu.dma_semaphore, #tpu.memory_space<semaphore_mem>>) src(%dma_wait3A_1453 : memref<64x128xf32, #tpu.memory_space<hbm>>) dst(%dma_wait3A_1450 : memref<64x128xf32, #tpu.memory_space<vmem>>)
      %slice3A_1454 = vector.extract_strided_slice %get3A_455 {offsets = [8], sizes = [1], strides = [1]} : vector<16xi32> to vector<1xi32>
      %squeeze3A_1455 = vector.extract %slice3A_1454[0] : i32 from vector<1xi32>
      %jit3A_1456 = arith.constant 128 : i32
      %eq3A_1457 = arith.constant 0 : i32
      %eq3A_1458 = arith.cmpi eq, %jit3A_1456, %eq3A_1457 : i32
      %jit3A_1459 = arith.constant 1 : i32
      %select_n3A_1460 = arith.select %eq3A_1458, %jit3A_1459, %jit3A_1456 : i32
      %rem3A_1461 = arith.remsi %squeeze3A_1455, %select_n3A_1460 : i32
      %ne3A_1462 = arith.constant 0 : i32
      %ne3A_1463 = arith.cmpi ne, %rem3A_1461, %ne3A_1462 : i32
      %lt3A_1464 = arith.constant 0 : i32
      %lt3A_1465 = arith.cmpi slt, %rem3A_1461, %lt3A_1464 : i32
      %lt3A_1466 = arith.constant 0 : i32
      %lt3A_1467 = arith.cmpi slt, %select_n3A_1460, %lt3A_1466 : i32
      %ne3A_1468 = arith.xori %lt3A_1465, %lt3A_1467 : i1
      %and3A_1469 = arith.andi %ne3A_1468, %ne3A_1463 : i1
      %add3A_1470 = arith.addi %rem3A_1461, %select_n3A_1460 : i32
      %select_n3A_1471 = arith.select %and3A_1469, %add3A_1470, %rem3A_1461 : i32
      %add3A_1472 = arith.constant 8 : i32
      %add3A_1473 = arith.addi %mul3A_467, %add3A_1472 : i32
      %broadcast_in_dim3A_1474 = vector.broadcast %select_n3A_1471 : i32 to vector<16xi32>
      %iota3A_1475 = tpu.iota {dimensions = array<i32: 0>} : vector<16xi32>
      %add3A_1476 = arith.constant 0 : i32
      %add3A_1477 = vector.broadcast %add3A_1476 : i32 to vector<16xi32>
      %add3A_1478 = arith.addi %iota3A_1475, %add3A_1477 : vector<16xi32>
      %gather3A_1479 = arith.constant 0 : i32
      %gather3A_1480 = arith.constant 0 : i32
      %gather3A_1481 = arith.constant 0 : i32
      %gather3A_1482 = tpu.memref_slice %arg7[%gather3A_1479, %gather3A_1480, %gather3A_1481] : memref<8x64x128xf32, #tpu.memory_space<vmem>> -> memref<1x64x128xf32, #tpu.memory_space<vmem>>
      %gather3A_1483 = tpu.memref_squeeze %gather3A_1482 : memref<1x64x128xf32, #tpu.memory_space<vmem>> -> memref<64x128xf32, #tpu.memory_space<vmem>>
      %gather3A_1484 = tpu.vector_load_idx %gather3A_1483[%add3A_1478, %broadcast_in_dim3A_1474] : memref<64x128xf32, #tpu.memory_space<vmem>>[vector<16xi32>, vector<16xi32>], vector<16xf32>,
      %broadcast_in_dim3A_1485 = vector.broadcast %add3A_1473 : i32 to vector<16xi32>
      tpu.vector_store_idx %arg6[%broadcast_in_dim3A_1485, %add3A_1478], %gather3A_1484 : memref<128x64xf32, #tpu.memory_space<vmem>>[vector<16xi32>, vector<16xi32>], vector<16xf32>,
      %iota3A_1486 = tpu.iota {dimensions = array<i32: 0>} : vector<16xi32>
      %add3A_1487 = arith.constant 16 : i32
      %add3A_1488 = vector.broadcast %add3A_1487 : i32 to vector<16xi32>
      %add3A_1489 = arith.addi %iota3A_1486, %add3A_1488 : vector<16xi32>
      %gather3A_1490 = arith.constant 0 : i32
      %gather3A_1491 = arith.constant 0 : i32
      %gather3A_1492 = arith.constant 0 : i32
      %gather3A_1493 = tpu.memref_slice %arg7[%gather3A_1490, %gather3A_1491, %gather3A_1492] : memref<8x64x128xf32, #tpu.memory_space<vmem>> -> memref<1x64x128xf32, #tpu.memory_space<vmem>>
      %gather3A_1494 = tpu.memref_squeeze %gather3A_1493 : memref<1x64x128xf32, #tpu.memory_space<vmem>> -> memref<64x128xf32, #tpu.memory_space<vmem>>
      %gather3A_1495 = tpu.vector_load_idx %gather3A_1494[%add3A_1489, %broadcast_in_dim3A_1474] : memref<64x128xf32, #tpu.memory_space<vmem>>[vector<16xi32>, vector<16xi32>], vector<16xf32>,
      %broadcast_in_dim3A_1496 = vector.broadcast %add3A_1473 : i32 to vector<16xi32>
      tpu.vector_store_idx %arg6[%broadcast_in_dim3A_1496, %add3A_1489], %gather3A_1495 : memref<128x64xf32, #tpu.memory_space<vmem>>[vector<16xi32>, vector<16xi32>], vector<16xf32>,
      %iota3A_1497 = tpu.iota {dimensions = array<i32: 0>} : vector<16xi32>
      %add3A_1498 = arith.constant 32 : i32
      %add3A_1499 = vector.broadcast %add3A_1498 : i32 to vector<16xi32>
      %add3A_1500 = arith.addi %iota3A_1497, %add3A_1499 : vector<16xi32>
      %gather3A_1501 = arith.constant 0 : i32
      %gather3A_1502 = arith.constant 0 : i32
      %gather3A_1503 = arith.constant 0 : i32
      %gather3A_1504 = tpu.memref_slice %arg7[%gather3A_1501, %gather3A_1502, %gather3A_1503] : memref<8x64x128xf32, #tpu.memory_space<vmem>> -> memref<1x64x128xf32, #tpu.memory_space<vmem>>
      %gather3A_1505 = tpu.memref_squeeze %gather3A_1504 : memref<1x64x128xf32, #tpu.memory_space<vmem>> -> memref<64x128xf32, #tpu.memory_space<vmem>>
      %gather3A_1506 = tpu.vector_load_idx %gather3A_1505[%add3A_1500, %broadcast_in_dim3A_1474] : memref<64x128xf32, #tpu.memory_space<vmem>>[vector<16xi32>, vector<16xi32>], vector<16xf32>,
      %broadcast_in_dim3A_1507 = vector.broadcast %add3A_1473 : i32 to vector<16xi32>
      tpu.vector_store_idx %arg6[%broadcast_in_dim3A_1507, %add3A_1500], %gather3A_1506 : memref<128x64xf32, #tpu.memory_space<vmem>>[vector<16xi32>, vector<16xi32>], vector<16xf32>,
      %iota3A_1508 = tpu.iota {dimensions = array<i32: 0>} : vector<16xi32>
      %add3A_1509 = arith.constant 48 : i32
      %add3A_1510 = vector.broadcast %add3A_1509 : i32 to vector<16xi32>
      %add3A_1511 = arith.addi %iota3A_1508, %add3A_1510 : vector<16xi32>
      %gather3A_1512 = arith.constant 0 : i32
      %gather3A_1513 = arith.constant 0 : i32
      %gather3A_1514 = arith.constant 0 : i32
      %gather3A_1515 = tpu.memref_slice %arg7[%gather3A_1512, %gather3A_1513, %gather3A_1514] : memref<8x64x128xf32, #tpu.memory_space<vmem>> -> memref<1x64x128xf32, #tpu.memory_space<vmem>>
      %gather3A_1516 = tpu.memref_squeeze %gather3A_1515 : memref<1x64x128xf32, #tpu.memory_space<vmem>> -> memref<64x128xf32, #tpu.memory_space<vmem>>
      %gather3A_1517 = tpu.vector_load_idx %gather3A_1516[%add3A_1511, %broadcast_in_dim3A_1474] : memref<64x128xf32, #tpu.memory_space<vmem>>[vector<16xi32>, vector<16xi32>], vector<16xf32>,
      %broadcast_in_dim3A_1518 = vector.broadcast %add3A_1473 : i32 to vector<16xi32>
      tpu.vector_store_idx %arg6[%broadcast_in_dim3A_1518, %add3A_1511], %gather3A_1517 : memref<128x64xf32, #tpu.memory_space<vmem>>[vector<16xi32>, vector<16xi32>], vector<16xf32>,
      %slice3A_1519 = vector.extract_strided_slice %get3A_463 {offsets = [0], sizes = [1], strides = [1]} : vector<16xi32> to vector<1xi32>
      %squeeze3A_1520 = vector.extract %slice3A_1519[0] : i32 from vector<1xi32>
      %jit3A_1521 = arith.constant 128 : i32
      %div3A_1522 = arith.divsi %squeeze3A_1520, %jit3A_1521 : i32
      %sign3A_1523 = arith.constant 0 : i32
      %sign3A_1524 = arith.cmpi sgt, %squeeze3A_1520, %sign3A_1523 : i32
      %sign3A_1525 = arith.extui %sign3A_1524 : i1 to i32
      %sign3A_1526 = arith.constant 0 : i32
      %sign3A_1527 = arith.cmpi slt, %squeeze3A_1520, %sign3A_1526 : i32
      %sign3A_1528 = arith.extui %sign3A_1527 : i1 to i32
      %sign3A_1529 = arith.subi %sign3A_1525, %sign3A_1528 : i32
      %sign3A_1530 = arith.constant 0 : i32
      %sign3A_1531 = arith.cmpi sgt, %jit3A_1521, %sign3A_1530 : i32
      %sign3A_1532 = arith.extui %sign3A_1531 : i1 to i32
      %sign3A_1533 = arith.constant 0 : i32
      %sign3A_1534 = arith.cmpi slt, %jit3A_1521, %sign3A_1533 : i32
      %sign3A_1535 = arith.extui %sign3A_1534 : i1 to i32
      %sign3A_1536 = arith.subi %sign3A_1532, %sign3A_1535 : i32
      %ne3A_1537 = arith.cmpi ne, %sign3A_1529, %sign3A_1536 : i32
      %rem3A_1538 = arith.remsi %squeeze3A_1520, %jit3A_1521 : i32
      %ne3A_1539 = arith.constant 0 : i32
      %ne3A_1540 = arith.cmpi ne, %rem3A_1538, %ne3A_1539 : i32
      %and3A_1541 = arith.andi %ne3A_1537, %ne3A_1540 : i1
      %sub3A_1542 = arith.constant 1 : i32
      %sub3A_1543 = arith.subi %div3A_1522, %sub3A_1542 : i32
      %select_n3A_1544 = arith.select %and3A_1541, %sub3A_1543, %div3A_1522 : i32
      %mul3A_1545 = arith.constant 128 : i32
      %mul3A_1546 = arith.muli %select_n3A_1544, %mul3A_1545 : i32
      %multiple_of3A_1547 = tpu.assume_multiple %mul3A_1546, 128 : i32
      %dma_start3A_1548 = arith.constant 0 : i32
      %dma_start3A_1549 = arith.constant 0 : i32
      %dma_start3A_1550 = arith.constant 0 : i32
      %dma_start3A_1551 = tpu.memref_slice %arg7[%dma_start3A_1548, %dma_start3A_1549, %dma_start3A_1550] : memref<8x64x128xf32, #tpu.memory_space<vmem>> -> memref<1x64x128xf32, #tpu.memory_space<vmem>>
      %dma_start3A_1552 = tpu.memref_squeeze %dma_start3A_1551 : memref<1x64x128xf32, #tpu.memory_space<vmem>> -> memref<64x128xf32, #tpu.memory_space<vmem>>
      %dma_start3A_1553 = arith.constant 0 : i32
      %dma_start3A_1554 = tpu.memref_slice %arg2[%dma_start3A_1553, %multiple_of3A_1547] : memref<64x1000000xf32, #tpu.memory_space<hbm>> -> memref<64x128xf32, #tpu.memory_space<hbm>>
      %dma_start3A_1555 = arith.constant 0 : i32
      %dma_start3A_1556 = arith.constant 0 : i32
      %dma_start3A_1557 = tpu.memref_slice %arg7[%dma_start3A_1548, %dma_start3A_1555, %dma_start3A_1556] : memref<8x64x128xf32, #tpu.memory_space<vmem>> -> memref<1x64x128xf32, #tpu.memory_space<vmem>>
      %dma_start3A_1558 = tpu.memref_squeeze %dma_start3A_1557 : memref<1x64x128xf32, #tpu.memory_space<vmem>> -> memref<64x128xf32, #tpu.memory_space<vmem>>
      %dma_start3A_1559 = arith.constant 0 : i32
      %dma_start3A_1560 = tpu.memref_slice %arg2[%dma_start3A_1559, %multiple_of3A_1547] : memref<64x1000000xf32, #tpu.memory_space<hbm>> -> memref<64x128xf32, #tpu.memory_space<hbm>>
      tpu.enqueue_dma source(%dma_start3A_1560 : memref<64x128xf32, #tpu.memory_space<hbm>>) target(%dma_start3A_1558 : memref<64x128xf32, #tpu.memory_space<vmem>>) target_semaphore(%arg8 : memref<!tpu.dma_semaphore, #tpu.memory_space<semaphore_mem>>)
      %dma_wait3A_1561 = arith.constant 1 : i32
      %dma_wait3A_1562 = arith.constant 0 : i32
      %dma_wait3A_1563 = arith.constant 0 : i32
      %dma_wait3A_1564 = tpu.memref_slice %arg7[%dma_wait3A_1561, %dma_wait3A_1562, %dma_wait3A_1563] : memref<8x64x128xf32, #tpu.memory_space<vmem>> -> memref<1x64x128xf32, #tpu.memory_space<vmem>>
      %dma_wait3A_1565 = tpu.memref_squeeze %dma_wait3A_1564 : memref<1x64x128xf32, #tpu.memory_space<vmem>> -> memref<64x128xf32, #tpu.memory_space<vmem>>
      %dma_wait3A_1566 = arith.constant 0 : i32
      %dma_wait3A_1567 = arith.constant 0 : i32
      %dma_wait3A_1568 = tpu.memref_slice %arg2[%dma_wait3A_1566, %dma_wait3A_1567] : memref<64x1000000xf32, #tpu.memory_space<hbm>> -> memref<64x128xf32, #tpu.memory_space<hbm>>
      %dma_wait3A_1569 = arith.constant 0 : i32
      %dma_wait3A_1570 = arith.constant 0 : i32
      %dma_wait3A_1571 = tpu.memref_slice %arg7[%dma_wait3A_1561, %dma_wait3A_1569, %dma_wait3A_1570] : memref<8x64x128xf32, #tpu.memory_space<vmem>> -> memref<1x64x128xf32, #tpu.memory_space<vmem>>
      %dma_wait3A_1572 = tpu.memref_squeeze %dma_wait3A_1571 : memref<1x64x128xf32, #tpu.memory_space<vmem>> -> memref<64x128xf32, #tpu.memory_space<vmem>>
      %dma_wait3A_1573 = arith.constant 0 : i32
      %dma_wait3A_1574 = arith.constant 0 : i32
      %dma_wait3A_1575 = tpu.memref_slice %arg2[%dma_wait3A_1573, %dma_wait3A_1574] : memref<64x1000000xf32, #tpu.memory_space<hbm>> -> memref<64x128xf32, #tpu.memory_space<hbm>>
      tpu.wait_dma2 semaphore(%arg9 : memref<!tpu.dma_semaphore, #tpu.memory_space<semaphore_mem>>) src(%dma_wait3A_1575 : memref<64x128xf32, #tpu.memory_space<hbm>>) dst(%dma_wait3A_1572 : memref<64x128xf32, #tpu.memory_space<vmem>>)
      %slice3A_1576 = vector.extract_strided_slice %get3A_455 {offsets = [9], sizes = [1], strides = [1]} : vector<16xi32> to vector<1xi32>
      %squeeze3A_1577 = vector.extract %slice3A_1576[0] : i32 from vector<1xi32>
      %jit3A_1578 = arith.constant 128 : i32
      %eq3A_1579 = arith.constant 0 : i32
      %eq3A_1580 = arith.cmpi eq, %jit3A_1578, %eq3A_1579 : i32
      %jit3A_1581 = arith.constant 1 : i32
      %select_n3A_1582 = arith.select %eq3A_1580, %jit3A_1581, %jit3A_1578 : i32
      %rem3A_1583 = arith.remsi %squeeze3A_1577, %select_n3A_1582 : i32
      %ne3A_1584 = arith.constant 0 : i32
      %ne3A_1585 = arith.cmpi ne, %rem3A_1583, %ne3A_1584 : i32
      %lt3A_1586 = arith.constant 0 : i32
      %lt3A_1587 = arith.cmpi slt, %rem3A_1583, %lt3A_1586 : i32
      %lt3A_1588 = arith.constant 0 : i32
      %lt3A_1589 = arith.cmpi slt, %select_n3A_1582, %lt3A_1588 : i32
      %ne3A_1590 = arith.xori %lt3A_1587, %lt3A_1589 : i1
      %and3A_1591 = arith.andi %ne3A_1590, %ne3A_1585 : i1
      %add3A_1592 = arith.addi %rem3A_1583, %select_n3A_1582 : i32
      %select_n3A_1593 = arith.select %and3A_1591, %add3A_1592, %rem3A_1583 : i32
      %add3A_1594 = arith.constant 9 : i32
      %add3A_1595 = arith.addi %mul3A_467, %add3A_1594 : i32
      %broadcast_in_dim3A_1596 = vector.broadcast %select_n3A_1593 : i32 to vector<16xi32>
      %iota3A_1597 = tpu.iota {dimensions = array<i32: 0>} : vector<16xi32>
      %add3A_1598 = arith.constant 0 : i32
      %add3A_1599 = vector.broadcast %add3A_1598 : i32 to vector<16xi32>
      %add3A_1600 = arith.addi %iota3A_1597, %add3A_1599 : vector<16xi32>
      %gather3A_1601 = arith.constant 1 : i32
      %gather3A_1602 = arith.constant 0 : i32
      %gather3A_1603 = arith.constant 0 : i32
      %gather3A_1604 = tpu.memref_slice %arg7[%gather3A_1601, %gather3A_1602, %gather3A_1603] : memref<8x64x128xf32, #tpu.memory_space<vmem>> -> memref<1x64x128xf32, #tpu.memory_space<vmem>>
      %gather3A_1605 = tpu.memref_squeeze %gather3A_1604 : memref<1x64x128xf32, #tpu.memory_space<vmem>> -> memref<64x128xf32, #tpu.memory_space<vmem>>
      %gather3A_1606 = tpu.vector_load_idx %gather3A_1605[%add3A_1600, %broadcast_in_dim3A_1596] : memref<64x128xf32, #tpu.memory_space<vmem>>[vector<16xi32>, vector<16xi32>], vector<16xf32>,
      %broadcast_in_dim3A_1607 = vector.broadcast %add3A_1595 : i32 to vector<16xi32>
      tpu.vector_store_idx %arg6[%broadcast_in_dim3A_1607, %add3A_1600], %gather3A_1606 : memref<128x64xf32, #tpu.memory_space<vmem>>[vector<16xi32>, vector<16xi32>], vector<16xf32>,
      %iota3A_1608 = tpu.iota {dimensions = array<i32: 0>} : vector<16xi32>
      %add3A_1609 = arith.constant 16 : i32
      %add3A_1610 = vector.broadcast %add3A_1609 : i32 to vector<16xi32>
      %add3A_1611 = arith.addi %iota3A_1608, %add3A_1610 : vector<16xi32>
      %gather3A_1612 = arith.constant 1 : i32
      %gather3A_1613 = arith.constant 0 : i32
      %gather3A_1614 = arith.constant 0 : i32
      %gather3A_1615 = tpu.memref_slice %arg7[%gather3A_1612, %gather3A_1613, %gather3A_1614] : memref<8x64x128xf32, #tpu.memory_space<vmem>> -> memref<1x64x128xf32, #tpu.memory_space<vmem>>
      %gather3A_1616 = tpu.memref_squeeze %gather3A_1615 : memref<1x64x128xf32, #tpu.memory_space<vmem>> -> memref<64x128xf32, #tpu.memory_space<vmem>>
      %gather3A_1617 = tpu.vector_load_idx %gather3A_1616[%add3A_1611, %broadcast_in_dim3A_1596] : memref<64x128xf32, #tpu.memory_space<vmem>>[vector<16xi32>, vector<16xi32>], vector<16xf32>,
      %broadcast_in_dim3A_1618 = vector.broadcast %add3A_1595 : i32 to vector<16xi32>
      tpu.vector_store_idx %arg6[%broadcast_in_dim3A_1618, %add3A_1611], %gather3A_1617 : memref<128x64xf32, #tpu.memory_space<vmem>>[vector<16xi32>, vector<16xi32>], vector<16xf32>,
      %iota3A_1619 = tpu.iota {dimensions = array<i32: 0>} : vector<16xi32>
      %add3A_1620 = arith.constant 32 : i32
      %add3A_1621 = vector.broadcast %add3A_1620 : i32 to vector<16xi32>
      %add3A_1622 = arith.addi %iota3A_1619, %add3A_1621 : vector<16xi32>
      %gather3A_1623 = arith.constant 1 : i32
      %gather3A_1624 = arith.constant 0 : i32
      %gather3A_1625 = arith.constant 0 : i32
      %gather3A_1626 = tpu.memref_slice %arg7[%gather3A_1623, %gather3A_1624, %gather3A_1625] : memref<8x64x128xf32, #tpu.memory_space<vmem>> -> memref<1x64x128xf32, #tpu.memory_space<vmem>>
      %gather3A_1627 = tpu.memref_squeeze %gather3A_1626 : memref<1x64x128xf32, #tpu.memory_space<vmem>> -> memref<64x128xf32, #tpu.memory_space<vmem>>
      %gather3A_1628 = tpu.vector_load_idx %gather3A_1627[%add3A_1622, %broadcast_in_dim3A_1596] : memref<64x128xf32, #tpu.memory_space<vmem>>[vector<16xi32>, vector<16xi32>], vector<16xf32>,
      %broadcast_in_dim3A_1629 = vector.broadcast %add3A_1595 : i32 to vector<16xi32>
      tpu.vector_store_idx %arg6[%broadcast_in_dim3A_1629, %add3A_1622], %gather3A_1628 : memref<128x64xf32, #tpu.memory_space<vmem>>[vector<16xi32>, vector<16xi32>], vector<16xf32>,
      %iota3A_1630 = tpu.iota {dimensions = array<i32: 0>} : vector<16xi32>
      %add3A_1631 = arith.constant 48 : i32
      %add3A_1632 = vector.broadcast %add3A_1631 : i32 to vector<16xi32>
      %add3A_1633 = arith.addi %iota3A_1630, %add3A_1632 : vector<16xi32>
      %gather3A_1634 = arith.constant 1 : i32
      %gather3A_1635 = arith.constant 0 : i32
      %gather3A_1636 = arith.constant 0 : i32
      %gather3A_1637 = tpu.memref_slice %arg7[%gather3A_1634, %gather3A_1635, %gather3A_1636] : memref<8x64x128xf32, #tpu.memory_space<vmem>> -> memref<1x64x128xf32, #tpu.memory_space<vmem>>
      %gather3A_1638 = tpu.memref_squeeze %gather3A_1637 : memref<1x64x128xf32, #tpu.memory_space<vmem>> -> memref<64x128xf32, #tpu.memory_space<vmem>>
      %gather3A_1639 = tpu.vector_load_idx %gather3A_1638[%add3A_1633, %broadcast_in_dim3A_1596] : memref<64x128xf32, #tpu.memory_space<vmem>>[vector<16xi32>, vector<16xi32>], vector<16xf32>,
      %broadcast_in_dim3A_1640 = vector.broadcast %add3A_1595 : i32 to vector<16xi32>
      tpu.vector_store_idx %arg6[%broadcast_in_dim3A_1640, %add3A_1633], %gather3A_1639 : memref<128x64xf32, #tpu.memory_space<vmem>>[vector<16xi32>, vector<16xi32>], vector<16xf32>,
      %slice3A_1641 = vector.extract_strided_slice %get3A_463 {offsets = [1], sizes = [1], strides = [1]} : vector<16xi32> to vector<1xi32>
      %squeeze3A_1642 = vector.extract %slice3A_1641[0] : i32 from vector<1xi32>
      %jit3A_1643 = arith.constant 128 : i32
      %div3A_1644 = arith.divsi %squeeze3A_1642, %jit3A_1643 : i32
      %sign3A_1645 = arith.constant 0 : i32
      %sign3A_1646 = arith.cmpi sgt, %squeeze3A_1642, %sign3A_1645 : i32
      %sign3A_1647 = arith.extui %sign3A_1646 : i1 to i32
      %sign3A_1648 = arith.constant 0 : i32
      %sign3A_1649 = arith.cmpi slt, %squeeze3A_1642, %sign3A_1648 : i32
      %sign3A_1650 = arith.extui %sign3A_1649 : i1 to i32
      %sign3A_1651 = arith.subi %sign3A_1647, %sign3A_1650 : i32
      %sign3A_1652 = arith.constant 0 : i32
      %sign3A_1653 = arith.cmpi sgt, %jit3A_1643, %sign3A_1652 : i32
      %sign3A_1654 = arith.extui %sign3A_1653 : i1 to i32
      %sign3A_1655 = arith.constant 0 : i32
      %sign3A_1656 = arith.cmpi slt, %jit3A_1643, %sign3A_1655 : i32
      %sign3A_1657 = arith.extui %sign3A_1656 : i1 to i32
      %sign3A_1658 = arith.subi %sign3A_1654, %sign3A_1657 : i32
      %ne3A_1659 = arith.cmpi ne, %sign3A_1651, %sign3A_1658 : i32
      %rem3A_1660 = arith.remsi %squeeze3A_1642, %jit3A_1643 : i32
      %ne3A_1661 = arith.constant 0 : i32
      %ne3A_1662 = arith.cmpi ne, %rem3A_1660, %ne3A_1661 : i32
      %and3A_1663 = arith.andi %ne3A_1659, %ne3A_1662 : i1
      %sub3A_1664 = arith.constant 1 : i32
      %sub3A_1665 = arith.subi %div3A_1644, %sub3A_1664 : i32
      %select_n3A_1666 = arith.select %and3A_1663, %sub3A_1665, %div3A_1644 : i32
      %mul3A_1667 = arith.constant 128 : i32
      %mul3A_1668 = arith.muli %select_n3A_1666, %mul3A_1667 : i32
      %multiple_of3A_1669 = tpu.assume_multiple %mul3A_1668, 128 : i32
      %dma_start3A_1670 = arith.constant 1 : i32
      %dma_start3A_1671 = arith.constant 0 : i32
      %dma_start3A_1672 = arith.constant 0 : i32
      %dma_start3A_1673 = tpu.memref_slice %arg7[%dma_start3A_1670, %dma_start3A_1671, %dma_start3A_1672] : memref<8x64x128xf32, #tpu.memory_space<vmem>> -> memref<1x64x128xf32, #tpu.memory_space<vmem>>
      %dma_start3A_1674 = tpu.memref_squeeze %dma_start3A_1673 : memref<1x64x128xf32, #tpu.memory_space<vmem>> -> memref<64x128xf32, #tpu.memory_space<vmem>>
      %dma_start3A_1675 = arith.constant 0 : i32
      %dma_start3A_1676 = tpu.memref_slice %arg2[%dma_start3A_1675, %multiple_of3A_1669] : memref<64x1000000xf32, #tpu.memory_space<hbm>> -> memref<64x128xf32, #tpu.memory_space<hbm>>
      %dma_start3A_1677 = arith.constant 0 : i32
      %dma_start3A_1678 = arith.constant 0 : i32
      %dma_start3A_1679 = tpu.memref_slice %arg7[%dma_start3A_1670, %dma_start3A_1677, %dma_start3A_1678] : memref<8x64x128xf32, #tpu.memory_space<vmem>> -> memref<1x64x128xf32, #tpu.memory_space<vmem>>
      %dma_start3A_1680 = tpu.memref_squeeze %dma_start3A_1679 : memref<1x64x128xf32, #tpu.memory_space<vmem>> -> memref<64x128xf32, #tpu.memory_space<vmem>>
      %dma_start3A_1681 = arith.constant 0 : i32
      %dma_start3A_1682 = tpu.memref_slice %arg2[%dma_start3A_1681, %multiple_of3A_1669] : memref<64x1000000xf32, #tpu.memory_space<hbm>> -> memref<64x128xf32, #tpu.memory_space<hbm>>
      tpu.enqueue_dma source(%dma_start3A_1682 : memref<64x128xf32, #tpu.memory_space<hbm>>) target(%dma_start3A_1680 : memref<64x128xf32, #tpu.memory_space<vmem>>) target_semaphore(%arg9 : memref<!tpu.dma_semaphore, #tpu.memory_space<semaphore_mem>>)
      %dma_wait3A_1683 = arith.constant 2 : i32
      %dma_wait3A_1684 = arith.constant 0 : i32
      %dma_wait3A_1685 = arith.constant 0 : i32
      %dma_wait3A_1686 = tpu.memref_slice %arg7[%dma_wait3A_1683, %dma_wait3A_1684, %dma_wait3A_1685] : memref<8x64x128xf32, #tpu.memory_space<vmem>> -> memref<1x64x128xf32, #tpu.memory_space<vmem>>
      %dma_wait3A_1687 = tpu.memref_squeeze %dma_wait3A_1686 : memref<1x64x128xf32, #tpu.memory_space<vmem>> -> memref<64x128xf32, #tpu.memory_space<vmem>>
      %dma_wait3A_1688 = arith.constant 0 : i32
      %dma_wait3A_1689 = arith.constant 0 : i32
      %dma_wait3A_1690 = tpu.memref_slice %arg2[%dma_wait3A_1688, %dma_wait3A_1689] : memref<64x1000000xf32, #tpu.memory_space<hbm>> -> memref<64x128xf32, #tpu.memory_space<hbm>>
      %dma_wait3A_1691 = arith.constant 0 : i32
      %dma_wait3A_1692 = arith.constant 0 : i32
      %dma_wait3A_1693 = tpu.memref_slice %arg7[%dma_wait3A_1683, %dma_wait3A_1691, %dma_wait3A_1692] : memref<8x64x128xf32, #tpu.memory_space<vmem>> -> memref<1x64x128xf32, #tpu.memory_space<vmem>>
      %dma_wait3A_1694 = tpu.memref_squeeze %dma_wait3A_1693 : memref<1x64x128xf32, #tpu.memory_space<vmem>> -> memref<64x128xf32, #tpu.memory_space<vmem>>
      %dma_wait3A_1695 = arith.constant 0 : i32
      %dma_wait3A_1696 = arith.constant 0 : i32
      %dma_wait3A_1697 = tpu.memref_slice %arg2[%dma_wait3A_1695, %dma_wait3A_1696] : memref<64x1000000xf32, #tpu.memory_space<hbm>> -> memref<64x128xf32, #tpu.memory_space<hbm>>
      tpu.wait_dma2 semaphore(%arg10 : memref<!tpu.dma_semaphore, #tpu.memory_space<semaphore_mem>>) src(%dma_wait3A_1697 : memref<64x128xf32, #tpu.memory_space<hbm>>) dst(%dma_wait3A_1694 : memref<64x128xf32, #tpu.memory_space<vmem>>)
      %slice3A_1698 = vector.extract_strided_slice %get3A_455 {offsets = [10], sizes = [1], strides = [1]} : vector<16xi32> to vector<1xi32>
      %squeeze3A_1699 = vector.extract %slice3A_1698[0] : i32 from vector<1xi32>
      %jit3A_1700 = arith.constant 128 : i32
      %eq3A_1701 = arith.constant 0 : i32
      %eq3A_1702 = arith.cmpi eq, %jit3A_1700, %eq3A_1701 : i32
      %jit3A_1703 = arith.constant 1 : i32
      %select_n3A_1704 = arith.select %eq3A_1702, %jit3A_1703, %jit3A_1700 : i32
      %rem3A_1705 = arith.remsi %squeeze3A_1699, %select_n3A_1704 : i32
      %ne3A_1706 = arith.constant 0 : i32
      %ne3A_1707 = arith.cmpi ne, %rem3A_1705, %ne3A_1706 : i32
      %lt3A_1708 = arith.constant 0 : i32
      %lt3A_1709 = arith.cmpi slt, %rem3A_1705, %lt3A_1708 : i32
      %lt3A_1710 = arith.constant 0 : i32
      %lt3A_1711 = arith.cmpi slt, %select_n3A_1704, %lt3A_1710 : i32
      %ne3A_1712 = arith.xori %lt3A_1709, %lt3A_1711 : i1
      %and3A_1713 = arith.andi %ne3A_1712, %ne3A_1707 : i1
      %add3A_1714 = arith.addi %rem3A_1705, %select_n3A_1704 : i32
      %select_n3A_1715 = arith.select %and3A_1713, %add3A_1714, %rem3A_1705 : i32
      %add3A_1716 = arith.constant 10 : i32
      %add3A_1717 = arith.addi %mul3A_467, %add3A_1716 : i32
      %broadcast_in_dim3A_1718 = vector.broadcast %select_n3A_1715 : i32 to vector<16xi32>
      %iota3A_1719 = tpu.iota {dimensions = array<i32: 0>} : vector<16xi32>
      %add3A_1720 = arith.constant 0 : i32
      %add3A_1721 = vector.broadcast %add3A_1720 : i32 to vector<16xi32>
      %add3A_1722 = arith.addi %iota3A_1719, %add3A_1721 : vector<16xi32>
      %gather3A_1723 = arith.constant 2 : i32
      %gather3A_1724 = arith.constant 0 : i32
      %gather3A_1725 = arith.constant 0 : i32
      %gather3A_1726 = tpu.memref_slice %arg7[%gather3A_1723, %gather3A_1724, %gather3A_1725] : memref<8x64x128xf32, #tpu.memory_space<vmem>> -> memref<1x64x128xf32, #tpu.memory_space<vmem>>
      %gather3A_1727 = tpu.memref_squeeze %gather3A_1726 : memref<1x64x128xf32, #tpu.memory_space<vmem>> -> memref<64x128xf32, #tpu.memory_space<vmem>>
      %gather3A_1728 = tpu.vector_load_idx %gather3A_1727[%add3A_1722, %broadcast_in_dim3A_1718] : memref<64x128xf32, #tpu.memory_space<vmem>>[vector<16xi32>, vector<16xi32>], vector<16xf32>,
      %broadcast_in_dim3A_1729 = vector.broadcast %add3A_1717 : i32 to vector<16xi32>
      tpu.vector_store_idx %arg6[%broadcast_in_dim3A_1729, %add3A_1722], %gather3A_1728 : memref<128x64xf32, #tpu.memory_space<vmem>>[vector<16xi32>, vector<16xi32>], vector<16xf32>,
      %iota3A_1730 = tpu.iota {dimensions = array<i32: 0>} : vector<16xi32>
      %add3A_1731 = arith.constant 16 : i32
      %add3A_1732 = vector.broadcast %add3A_1731 : i32 to vector<16xi32>
      %add3A_1733 = arith.addi %iota3A_1730, %add3A_1732 : vector<16xi32>
      %gather3A_1734 = arith.constant 2 : i32
      %gather3A_1735 = arith.constant 0 : i32
      %gather3A_1736 = arith.constant 0 : i32
      %gather3A_1737 = tpu.memref_slice %arg7[%gather3A_1734, %gather3A_1735, %gather3A_1736] : memref<8x64x128xf32, #tpu.memory_space<vmem>> -> memref<1x64x128xf32, #tpu.memory_space<vmem>>
      %gather3A_1738 = tpu.memref_squeeze %gather3A_1737 : memref<1x64x128xf32, #tpu.memory_space<vmem>> -> memref<64x128xf32, #tpu.memory_space<vmem>>
      %gather3A_1739 = tpu.vector_load_idx %gather3A_1738[%add3A_1733, %broadcast_in_dim3A_1718] : memref<64x128xf32, #tpu.memory_space<vmem>>[vector<16xi32>, vector<16xi32>], vector<16xf32>,
      %broadcast_in_dim3A_1740 = vector.broadcast %add3A_1717 : i32 to vector<16xi32>
      tpu.vector_store_idx %arg6[%broadcast_in_dim3A_1740, %add3A_1733], %gather3A_1739 : memref<128x64xf32, #tpu.memory_space<vmem>>[vector<16xi32>, vector<16xi32>], vector<16xf32>,
      %iota3A_1741 = tpu.iota {dimensions = array<i32: 0>} : vector<16xi32>
      %add3A_1742 = arith.constant 32 : i32
      %add3A_1743 = vector.broadcast %add3A_1742 : i32 to vector<16xi32>
      %add3A_1744 = arith.addi %iota3A_1741, %add3A_1743 : vector<16xi32>
      %gather3A_1745 = arith.constant 2 : i32
      %gather3A_1746 = arith.constant 0 : i32
      %gather3A_1747 = arith.constant 0 : i32
      %gather3A_1748 = tpu.memref_slice %arg7[%gather3A_1745, %gather3A_1746, %gather3A_1747] : memref<8x64x128xf32, #tpu.memory_space<vmem>> -> memref<1x64x128xf32, #tpu.memory_space<vmem>>
      %gather3A_1749 = tpu.memref_squeeze %gather3A_1748 : memref<1x64x128xf32, #tpu.memory_space<vmem>> -> memref<64x128xf32, #tpu.memory_space<vmem>>
      %gather3A_1750 = tpu.vector_load_idx %gather3A_1749[%add3A_1744, %broadcast_in_dim3A_1718] : memref<64x128xf32, #tpu.memory_space<vmem>>[vector<16xi32>, vector<16xi32>], vector<16xf32>,
      %broadcast_in_dim3A_1751 = vector.broadcast %add3A_1717 : i32 to vector<16xi32>
      tpu.vector_store_idx %arg6[%broadcast_in_dim3A_1751, %add3A_1744], %gather3A_1750 : memref<128x64xf32, #tpu.memory_space<vmem>>[vector<16xi32>, vector<16xi32>], vector<16xf32>,
      %iota3A_1752 = tpu.iota {dimensions = array<i32: 0>} : vector<16xi32>
      %add3A_1753 = arith.constant 48 : i32
      %add3A_1754 = vector.broadcast %add3A_1753 : i32 to vector<16xi32>
      %add3A_1755 = arith.addi %iota3A_1752, %add3A_1754 : vector<16xi32>
      %gather3A_1756 = arith.constant 2 : i32
      %gather3A_1757 = arith.constant 0 : i32
      %gather3A_1758 = arith.constant 0 : i32
      %gather3A_1759 = tpu.memref_slice %arg7[%gather3A_1756, %gather3A_1757, %gather3A_1758] : memref<8x64x128xf32, #tpu.memory_space<vmem>> -> memref<1x64x128xf32, #tpu.memory_space<vmem>>
      %gather3A_1760 = tpu.memref_squeeze %gather3A_1759 : memref<1x64x128xf32, #tpu.memory_space<vmem>> -> memref<64x128xf32, #tpu.memory_space<vmem>>
      %gather3A_1761 = tpu.vector_load_idx %gather3A_1760[%add3A_1755, %broadcast_in_dim3A_1718] : memref<64x128xf32, #tpu.memory_space<vmem>>[vector<16xi32>, vector<16xi32>], vector<16xf32>,
      %broadcast_in_dim3A_1762 = vector.broadcast %add3A_1717 : i32 to vector<16xi32>
      tpu.vector_store_idx %arg6[%broadcast_in_dim3A_1762, %add3A_1755], %gather3A_1761 : memref<128x64xf32, #tpu.memory_space<vmem>>[vector<16xi32>, vector<16xi32>], vector<16xf32>,
      %slice3A_1763 = vector.extract_strided_slice %get3A_463 {offsets = [2], sizes = [1], strides = [1]} : vector<16xi32> to vector<1xi32>
      %squeeze3A_1764 = vector.extract %slice3A_1763[0] : i32 from vector<1xi32>
      %jit3A_1765 = arith.constant 128 : i32
      %div3A_1766 = arith.divsi %squeeze3A_1764, %jit3A_1765 : i32
      %sign3A_1767 = arith.constant 0 : i32
      %sign3A_1768 = arith.cmpi sgt, %squeeze3A_1764, %sign3A_1767 : i32
      %sign3A_1769 = arith.extui %sign3A_1768 : i1 to i32
      %sign3A_1770 = arith.constant 0 : i32
      %sign3A_1771 = arith.cmpi slt, %squeeze3A_1764, %sign3A_1770 : i32
      %sign3A_1772 = arith.extui %sign3A_1771 : i1 to i32
      %sign3A_1773 = arith.subi %sign3A_1769, %sign3A_1772 : i32
      %sign3A_1774 = arith.constant 0 : i32
      %sign3A_1775 = arith.cmpi sgt, %jit3A_1765, %sign3A_1774 : i32
      %sign3A_1776 = arith.extui %sign3A_1775 : i1 to i32
      %sign3A_1777 = arith.constant 0 : i32
      %sign3A_1778 = arith.cmpi slt, %jit3A_1765, %sign3A_1777 : i32
      %sign3A_1779 = arith.extui %sign3A_1778 : i1 to i32
      %sign3A_1780 = arith.subi %sign3A_1776, %sign3A_1779 : i32
      %ne3A_1781 = arith.cmpi ne, %sign3A_1773, %sign3A_1780 : i32
      %rem3A_1782 = arith.remsi %squeeze3A_1764, %jit3A_1765 : i32
      %ne3A_1783 = arith.constant 0 : i32
      %ne3A_1784 = arith.cmpi ne, %rem3A_1782, %ne3A_1783 : i32
      %and3A_1785 = arith.andi %ne3A_1781, %ne3A_1784 : i1
      %sub3A_1786 = arith.constant 1 : i32
      %sub3A_1787 = arith.subi %div3A_1766, %sub3A_1786 : i32
      %select_n3A_1788 = arith.select %and3A_1785, %sub3A_1787, %div3A_1766 : i32
      %mul3A_1789 = arith.constant 128 : i32
      %mul3A_1790 = arith.muli %select_n3A_1788, %mul3A_1789 : i32
      %multiple_of3A_1791 = tpu.assume_multiple %mul3A_1790, 128 : i32
      %dma_start3A_1792 = arith.constant 2 : i32
      %dma_start3A_1793 = arith.constant 0 : i32
      %dma_start3A_1794 = arith.constant 0 : i32
      %dma_start3A_1795 = tpu.memref_slice %arg7[%dma_start3A_1792, %dma_start3A_1793, %dma_start3A_1794] : memref<8x64x128xf32, #tpu.memory_space<vmem>> -> memref<1x64x128xf32, #tpu.memory_space<vmem>>
      %dma_start3A_1796 = tpu.memref_squeeze %dma_start3A_1795 : memref<1x64x128xf32, #tpu.memory_space<vmem>> -> memref<64x128xf32, #tpu.memory_space<vmem>>
      %dma_start3A_1797 = arith.constant 0 : i32
      %dma_start3A_1798 = tpu.memref_slice %arg2[%dma_start3A_1797, %multiple_of3A_1791] : memref<64x1000000xf32, #tpu.memory_space<hbm>> -> memref<64x128xf32, #tpu.memory_space<hbm>>
      %dma_start3A_1799 = arith.constant 0 : i32
      %dma_start3A_1800 = arith.constant 0 : i32
      %dma_start3A_1801 = tpu.memref_slice %arg7[%dma_start3A_1792, %dma_start3A_1799, %dma_start3A_1800] : memref<8x64x128xf32, #tpu.memory_space<vmem>> -> memref<1x64x128xf32, #tpu.memory_space<vmem>>
      %dma_start3A_1802 = tpu.memref_squeeze %dma_start3A_1801 : memref<1x64x128xf32, #tpu.memory_space<vmem>> -> memref<64x128xf32, #tpu.memory_space<vmem>>
      %dma_start3A_1803 = arith.constant 0 : i32
      %dma_start3A_1804 = tpu.memref_slice %arg2[%dma_start3A_1803, %multiple_of3A_1791] : memref<64x1000000xf32, #tpu.memory_space<hbm>> -> memref<64x128xf32, #tpu.memory_space<hbm>>
      tpu.enqueue_dma source(%dma_start3A_1804 : memref<64x128xf32, #tpu.memory_space<hbm>>) target(%dma_start3A_1802 : memref<64x128xf32, #tpu.memory_space<vmem>>) target_semaphore(%arg10 : memref<!tpu.dma_semaphore, #tpu.memory_space<semaphore_mem>>)
      %dma_wait3A_1805 = arith.constant 3 : i32
      %dma_wait3A_1806 = arith.constant 0 : i32
      %dma_wait3A_1807 = arith.constant 0 : i32
      %dma_wait3A_1808 = tpu.memref_slice %arg7[%dma_wait3A_1805, %dma_wait3A_1806, %dma_wait3A_1807] : memref<8x64x128xf32, #tpu.memory_space<vmem>> -> memref<1x64x128xf32, #tpu.memory_space<vmem>>
      %dma_wait3A_1809 = tpu.memref_squeeze %dma_wait3A_1808 : memref<1x64x128xf32, #tpu.memory_space<vmem>> -> memref<64x128xf32, #tpu.memory_space<vmem>>
      %dma_wait3A_1810 = arith.constant 0 : i32
      %dma_wait3A_1811 = arith.constant 0 : i32
      %dma_wait3A_1812 = tpu.memref_slice %arg2[%dma_wait3A_1810, %dma_wait3A_1811] : memref<64x1000000xf32, #tpu.memory_space<hbm>> -> memref<64x128xf32, #tpu.memory_space<hbm>>
      %dma_wait3A_1813 = arith.constant 0 : i32
      %dma_wait3A_1814 = arith.constant 0 : i32
      %dma_wait3A_1815 = tpu.memref_slice %arg7[%dma_wait3A_1805, %dma_wait3A_1813, %dma_wait3A_1814] : memref<8x64x128xf32, #tpu.memory_space<vmem>> -> memref<1x64x128xf32, #tpu.memory_space<vmem>>
      %dma_wait3A_1816 = tpu.memref_squeeze %dma_wait3A_1815 : memref<1x64x128xf32, #tpu.memory_space<vmem>> -> memref<64x128xf32, #tpu.memory_space<vmem>>
      %dma_wait3A_1817 = arith.constant 0 : i32
      %dma_wait3A_1818 = arith.constant 0 : i32
      %dma_wait3A_1819 = tpu.memref_slice %arg2[%dma_wait3A_1817, %dma_wait3A_1818] : memref<64x1000000xf32, #tpu.memory_space<hbm>> -> memref<64x128xf32, #tpu.memory_space<hbm>>
      tpu.wait_dma2 semaphore(%arg11 : memref<!tpu.dma_semaphore, #tpu.memory_space<semaphore_mem>>) src(%dma_wait3A_1819 : memref<64x128xf32, #tpu.memory_space<hbm>>) dst(%dma_wait3A_1816 : memref<64x128xf32, #tpu.memory_space<vmem>>)
      %slice3A_1820 = vector.extract_strided_slice %get3A_455 {offsets = [11], sizes = [1], strides = [1]} : vector<16xi32> to vector<1xi32>
      %squeeze3A_1821 = vector.extract %slice3A_1820[0] : i32 from vector<1xi32>
      %jit3A_1822 = arith.constant 128 : i32
      %eq3A_1823 = arith.constant 0 : i32
      %eq3A_1824 = arith.cmpi eq, %jit3A_1822, %eq3A_1823 : i32
      %jit3A_1825 = arith.constant 1 : i32
      %select_n3A_1826 = arith.select %eq3A_1824, %jit3A_1825, %jit3A_1822 : i32
      %rem3A_1827 = arith.remsi %squeeze3A_1821, %select_n3A_1826 : i32
      %ne3A_1828 = arith.constant 0 : i32
      %ne3A_1829 = arith.cmpi ne, %rem3A_1827, %ne3A_1828 : i32
      %lt3A_1830 = arith.constant 0 : i32
      %lt3A_1831 = arith.cmpi slt, %rem3A_1827, %lt3A_1830 : i32
      %lt3A_1832 = arith.constant 0 : i32
      %lt3A_1833 = arith.cmpi slt, %select_n3A_1826, %lt3A_1832 : i32
      %ne3A_1834 = arith.xori %lt3A_1831, %lt3A_1833 : i1
      %and3A_1835 = arith.andi %ne3A_1834, %ne3A_1829 : i1
      %add3A_1836 = arith.addi %rem3A_1827, %select_n3A_1826 : i32
      %select_n3A_1837 = arith.select %and3A_1835, %add3A_1836, %rem3A_1827 : i32
      %add3A_1838 = arith.constant 11 : i32
      %add3A_1839 = arith.addi %mul3A_467, %add3A_1838 : i32
      %broadcast_in_dim3A_1840 = vector.broadcast %select_n3A_1837 : i32 to vector<16xi32>
      %iota3A_1841 = tpu.iota {dimensions = array<i32: 0>} : vector<16xi32>
      %add3A_1842 = arith.constant 0 : i32
      %add3A_1843 = vector.broadcast %add3A_1842 : i32 to vector<16xi32>
      %add3A_1844 = arith.addi %iota3A_1841, %add3A_1843 : vector<16xi32>
      %gather3A_1845 = arith.constant 3 : i32
      %gather3A_1846 = arith.constant 0 : i32
      %gather3A_1847 = arith.constant 0 : i32
      %gather3A_1848 = tpu.memref_slice %arg7[%gather3A_1845, %gather3A_1846, %gather3A_1847] : memref<8x64x128xf32, #tpu.memory_space<vmem>> -> memref<1x64x128xf32, #tpu.memory_space<vmem>>
      %gather3A_1849 = tpu.memref_squeeze %gather3A_1848 : memref<1x64x128xf32, #tpu.memory_space<vmem>> -> memref<64x128xf32, #tpu.memory_space<vmem>>
      %gather3A_1850 = tpu.vector_load_idx %gather3A_1849[%add3A_1844, %broadcast_in_dim3A_1840] : memref<64x128xf32, #tpu.memory_space<vmem>>[vector<16xi32>, vector<16xi32>], vector<16xf32>,
      %broadcast_in_dim3A_1851 = vector.broadcast %add3A_1839 : i32 to vector<16xi32>
      tpu.vector_store_idx %arg6[%broadcast_in_dim3A_1851, %add3A_1844], %gather3A_1850 : memref<128x64xf32, #tpu.memory_space<vmem>>[vector<16xi32>, vector<16xi32>], vector<16xf32>,
      %iota3A_1852 = tpu.iota {dimensions = array<i32: 0>} : vector<16xi32>
      %add3A_1853 = arith.constant 16 : i32
      %add3A_1854 = vector.broadcast %add3A_1853 : i32 to vector<16xi32>
      %add3A_1855 = arith.addi %iota3A_1852, %add3A_1854 : vector<16xi32>
      %gather3A_1856 = arith.constant 3 : i32
      %gather3A_1857 = arith.constant 0 : i32
      %gather3A_1858 = arith.constant 0 : i32
      %gather3A_1859 = tpu.memref_slice %arg7[%gather3A_1856, %gather3A_1857, %gather3A_1858] : memref<8x64x128xf32, #tpu.memory_space<vmem>> -> memref<1x64x128xf32, #tpu.memory_space<vmem>>
      %gather3A_1860 = tpu.memref_squeeze %gather3A_1859 : memref<1x64x128xf32, #tpu.memory_space<vmem>> -> memref<64x128xf32, #tpu.memory_space<vmem>>
      %gather3A_1861 = tpu.vector_load_idx %gather3A_1860[%add3A_1855, %broadcast_in_dim3A_1840] : memref<64x128xf32, #tpu.memory_space<vmem>>[vector<16xi32>, vector<16xi32>], vector<16xf32>,
      %broadcast_in_dim3A_1862 = vector.broadcast %add3A_1839 : i32 to vector<16xi32>
      tpu.vector_store_idx %arg6[%broadcast_in_dim3A_1862, %add3A_1855], %gather3A_1861 : memref<128x64xf32, #tpu.memory_space<vmem>>[vector<16xi32>, vector<16xi32>], vector<16xf32>,
      %iota3A_1863 = tpu.iota {dimensions = array<i32: 0>} : vector<16xi32>
      %add3A_1864 = arith.constant 32 : i32
      %add3A_1865 = vector.broadcast %add3A_1864 : i32 to vector<16xi32>
      %add3A_1866 = arith.addi %iota3A_1863, %add3A_1865 : vector<16xi32>
      %gather3A_1867 = arith.constant 3 : i32
      %gather3A_1868 = arith.constant 0 : i32
      %gather3A_1869 = arith.constant 0 : i32
      %gather3A_1870 = tpu.memref_slice %arg7[%gather3A_1867, %gather3A_1868, %gather3A_1869] : memref<8x64x128xf32, #tpu.memory_space<vmem>> -> memref<1x64x128xf32, #tpu.memory_space<vmem>>
      %gather3A_1871 = tpu.memref_squeeze %gather3A_1870 : memref<1x64x128xf32, #tpu.memory_space<vmem>> -> memref<64x128xf32, #tpu.memory_space<vmem>>
      %gather3A_1872 = tpu.vector_load_idx %gather3A_1871[%add3A_1866, %broadcast_in_dim3A_1840] : memref<64x128xf32, #tpu.memory_space<vmem>>[vector<16xi32>, vector<16xi32>], vector<16xf32>,
      %broadcast_in_dim3A_1873 = vector.broadcast %add3A_1839 : i32 to vector<16xi32>
      tpu.vector_store_idx %arg6[%broadcast_in_dim3A_1873, %add3A_1866], %gather3A_1872 : memref<128x64xf32, #tpu.memory_space<vmem>>[vector<16xi32>, vector<16xi32>], vector<16xf32>,
      %iota3A_1874 = tpu.iota {dimensions = array<i32: 0>} : vector<16xi32>
      %add3A_1875 = arith.constant 48 : i32
      %add3A_1876 = vector.broadcast %add3A_1875 : i32 to vector<16xi32>
      %add3A_1877 = arith.addi %iota3A_1874, %add3A_1876 : vector<16xi32>
      %gather3A_1878 = arith.constant 3 : i32
      %gather3A_1879 = arith.constant 0 : i32
      %gather3A_1880 = arith.constant 0 : i32
      %gather3A_1881 = tpu.memref_slice %arg7[%gather3A_1878, %gather3A_1879, %gather3A_1880] : memref<8x64x128xf32, #tpu.memory_space<vmem>> -> memref<1x64x128xf32, #tpu.memory_space<vmem>>
      %gather3A_1882 = tpu.memref_squeeze %gather3A_1881 : memref<1x64x128xf32, #tpu.memory_space<vmem>> -> memref<64x128xf32, #tpu.memory_space<vmem>>
      %gather3A_1883 = tpu.vector_load_idx %gather3A_1882[%add3A_1877, %broadcast_in_dim3A_1840] : memref<64x128xf32, #tpu.memory_space<vmem>>[vector<16xi32>, vector<16xi32>], vector<16xf32>,
      %broadcast_in_dim3A_1884 = vector.broadcast %add3A_1839 : i32 to vector<16xi32>
      tpu.vector_store_idx %arg6[%broadcast_in_dim3A_1884, %add3A_1877], %gather3A_1883 : memref<128x64xf32, #tpu.memory_space<vmem>>[vector<16xi32>, vector<16xi32>], vector<16xf32>,
      %slice3A_1885 = vector.extract_strided_slice %get3A_463 {offsets = [3], sizes = [1], strides = [1]} : vector<16xi32> to vector<1xi32>
      %squeeze3A_1886 = vector.extract %slice3A_1885[0] : i32 from vector<1xi32>
      %jit3A_1887 = arith.constant 128 : i32
      %div3A_1888 = arith.divsi %squeeze3A_1886, %jit3A_1887 : i32
      %sign3A_1889 = arith.constant 0 : i32
      %sign3A_1890 = arith.cmpi sgt, %squeeze3A_1886, %sign3A_1889 : i32
      %sign3A_1891 = arith.extui %sign3A_1890 : i1 to i32
      %sign3A_1892 = arith.constant 0 : i32
      %sign3A_1893 = arith.cmpi slt, %squeeze3A_1886, %sign3A_1892 : i32
      %sign3A_1894 = arith.extui %sign3A_1893 : i1 to i32
      %sign3A_1895 = arith.subi %sign3A_1891, %sign3A_1894 : i32
      %sign3A_1896 = arith.constant 0 : i32
      %sign3A_1897 = arith.cmpi sgt, %jit3A_1887, %sign3A_1896 : i32
      %sign3A_1898 = arith.extui %sign3A_1897 : i1 to i32
      %sign3A_1899 = arith.constant 0 : i32
      %sign3A_1900 = arith.cmpi slt, %jit3A_1887, %sign3A_1899 : i32
      %sign3A_1901 = arith.extui %sign3A_1900 : i1 to i32
      %sign3A_1902 = arith.subi %sign3A_1898, %sign3A_1901 : i32
      %ne3A_1903 = arith.cmpi ne, %sign3A_1895, %sign3A_1902 : i32
      %rem3A_1904 = arith.remsi %squeeze3A_1886, %jit3A_1887 : i32
      %ne3A_1905 = arith.constant 0 : i32
      %ne3A_1906 = arith.cmpi ne, %rem3A_1904, %ne3A_1905 : i32
      %and3A_1907 = arith.andi %ne3A_1903, %ne3A_1906 : i1
      %sub3A_1908 = arith.constant 1 : i32
      %sub3A_1909 = arith.subi %div3A_1888, %sub3A_1908 : i32
      %select_n3A_1910 = arith.select %and3A_1907, %sub3A_1909, %div3A_1888 : i32
      %mul3A_1911 = arith.constant 128 : i32
      %mul3A_1912 = arith.muli %select_n3A_1910, %mul3A_1911 : i32
      %multiple_of3A_1913 = tpu.assume_multiple %mul3A_1912, 128 : i32
      %dma_start3A_1914 = arith.constant 3 : i32
      %dma_start3A_1915 = arith.constant 0 : i32
      %dma_start3A_1916 = arith.constant 0 : i32
      %dma_start3A_1917 = tpu.memref_slice %arg7[%dma_start3A_1914, %dma_start3A_1915, %dma_start3A_1916] : memref<8x64x128xf32, #tpu.memory_space<vmem>> -> memref<1x64x128xf32, #tpu.memory_space<vmem>>
      %dma_start3A_1918 = tpu.memref_squeeze %dma_start3A_1917 : memref<1x64x128xf32, #tpu.memory_space<vmem>> -> memref<64x128xf32, #tpu.memory_space<vmem>>
      %dma_start3A_1919 = arith.constant 0 : i32
      %dma_start3A_1920 = tpu.memref_slice %arg2[%dma_start3A_1919, %multiple_of3A_1913] : memref<64x1000000xf32, #tpu.memory_space<hbm>> -> memref<64x128xf32, #tpu.memory_space<hbm>>
      %dma_start3A_1921 = arith.constant 0 : i32
      %dma_start3A_1922 = arith.constant 0 : i32
      %dma_start3A_1923 = tpu.memref_slice %arg7[%dma_start3A_1914, %dma_start3A_1921, %dma_start3A_1922] : memref<8x64x128xf32, #tpu.memory_space<vmem>> -> memref<1x64x128xf32, #tpu.memory_space<vmem>>
      %dma_start3A_1924 = tpu.memref_squeeze %dma_start3A_1923 : memref<1x64x128xf32, #tpu.memory_space<vmem>> -> memref<64x128xf32, #tpu.memory_space<vmem>>
      %dma_start3A_1925 = arith.constant 0 : i32
      %dma_start3A_1926 = tpu.memref_slice %arg2[%dma_start3A_1925, %multiple_of3A_1913] : memref<64x1000000xf32, #tpu.memory_space<hbm>> -> memref<64x128xf32, #tpu.memory_space<hbm>>
      tpu.enqueue_dma source(%dma_start3A_1926 : memref<64x128xf32, #tpu.memory_space<hbm>>) target(%dma_start3A_1924 : memref<64x128xf32, #tpu.memory_space<vmem>>) target_semaphore(%arg11 : memref<!tpu.dma_semaphore, #tpu.memory_space<semaphore_mem>>)
      %dma_wait3A_1927 = arith.constant 4 : i32
      %dma_wait3A_1928 = arith.constant 0 : i32
      %dma_wait3A_1929 = arith.constant 0 : i32
      %dma_wait3A_1930 = tpu.memref_slice %arg7[%dma_wait3A_1927, %dma_wait3A_1928, %dma_wait3A_1929] : memref<8x64x128xf32, #tpu.memory_space<vmem>> -> memref<1x64x128xf32, #tpu.memory_space<vmem>>
      %dma_wait3A_1931 = tpu.memref_squeeze %dma_wait3A_1930 : memref<1x64x128xf32, #tpu.memory_space<vmem>> -> memref<64x128xf32, #tpu.memory_space<vmem>>
      %dma_wait3A_1932 = arith.constant 0 : i32
      %dma_wait3A_1933 = arith.constant 0 : i32
      %dma_wait3A_1934 = tpu.memref_slice %arg2[%dma_wait3A_1932, %dma_wait3A_1933] : memref<64x1000000xf32, #tpu.memory_space<hbm>> -> memref<64x128xf32, #tpu.memory_space<hbm>>
      %dma_wait3A_1935 = arith.constant 0 : i32
      %dma_wait3A_1936 = arith.constant 0 : i32
      %dma_wait3A_1937 = tpu.memref_slice %arg7[%dma_wait3A_1927, %dma_wait3A_1935, %dma_wait3A_1936] : memref<8x64x128xf32, #tpu.memory_space<vmem>> -> memref<1x64x128xf32, #tpu.memory_space<vmem>>
      %dma_wait3A_1938 = tpu.memref_squeeze %dma_wait3A_1937 : memref<1x64x128xf32, #tpu.memory_space<vmem>> -> memref<64x128xf32, #tpu.memory_space<vmem>>
      %dma_wait3A_1939 = arith.constant 0 : i32
      %dma_wait3A_1940 = arith.constant 0 : i32
      %dma_wait3A_1941 = tpu.memref_slice %arg2[%dma_wait3A_1939, %dma_wait3A_1940] : memref<64x1000000xf32, #tpu.memory_space<hbm>> -> memref<64x128xf32, #tpu.memory_space<hbm>>
      tpu.wait_dma2 semaphore(%arg12 : memref<!tpu.dma_semaphore, #tpu.memory_space<semaphore_mem>>) src(%dma_wait3A_1941 : memref<64x128xf32, #tpu.memory_space<hbm>>) dst(%dma_wait3A_1938 : memref<64x128xf32, #tpu.memory_space<vmem>>)
      %slice3A_1942 = vector.extract_strided_slice %get3A_455 {offsets = [12], sizes = [1], strides = [1]} : vector<16xi32> to vector<1xi32>
      %squeeze3A_1943 = vector.extract %slice3A_1942[0] : i32 from vector<1xi32>
      %jit3A_1944 = arith.constant 128 : i32
      %eq3A_1945 = arith.constant 0 : i32
      %eq3A_1946 = arith.cmpi eq, %jit3A_1944, %eq3A_1945 : i32
      %jit3A_1947 = arith.constant 1 : i32
      %select_n3A_1948 = arith.select %eq3A_1946, %jit3A_1947, %jit3A_1944 : i32
      %rem3A_1949 = arith.remsi %squeeze3A_1943, %select_n3A_1948 : i32
      %ne3A_1950 = arith.constant 0 : i32
      %ne3A_1951 = arith.cmpi ne, %rem3A_1949, %ne3A_1950 : i32
      %lt3A_1952 = arith.constant 0 : i32
      %lt3A_1953 = arith.cmpi slt, %rem3A_1949, %lt3A_1952 : i32
      %lt3A_1954 = arith.constant 0 : i32
      %lt3A_1955 = arith.cmpi slt, %select_n3A_1948, %lt3A_1954 : i32
      %ne3A_1956 = arith.xori %lt3A_1953, %lt3A_1955 : i1
      %and3A_1957 = arith.andi %ne3A_1956, %ne3A_1951 : i1
      %add3A_1958 = arith.addi %rem3A_1949, %select_n3A_1948 : i32
      %select_n3A_1959 = arith.select %and3A_1957, %add3A_1958, %rem3A_1949 : i32
      %add3A_1960 = arith.constant 12 : i32
      %add3A_1961 = arith.addi %mul3A_467, %add3A_1960 : i32
      %broadcast_in_dim3A_1962 = vector.broadcast %select_n3A_1959 : i32 to vector<16xi32>
      %iota3A_1963 = tpu.iota {dimensions = array<i32: 0>} : vector<16xi32>
      %add3A_1964 = arith.constant 0 : i32
      %add3A_1965 = vector.broadcast %add3A_1964 : i32 to vector<16xi32>
      %add3A_1966 = arith.addi %iota3A_1963, %add3A_1965 : vector<16xi32>
      %gather3A_1967 = arith.constant 4 : i32
      %gather3A_1968 = arith.constant 0 : i32
      %gather3A_1969 = arith.constant 0 : i32
      %gather3A_1970 = tpu.memref_slice %arg7[%gather3A_1967, %gather3A_1968, %gather3A_1969] : memref<8x64x128xf32, #tpu.memory_space<vmem>> -> memref<1x64x128xf32, #tpu.memory_space<vmem>>
      %gather3A_1971 = tpu.memref_squeeze %gather3A_1970 : memref<1x64x128xf32, #tpu.memory_space<vmem>> -> memref<64x128xf32, #tpu.memory_space<vmem>>
      %gather3A_1972 = tpu.vector_load_idx %gather3A_1971[%add3A_1966, %broadcast_in_dim3A_1962] : memref<64x128xf32, #tpu.memory_space<vmem>>[vector<16xi32>, vector<16xi32>], vector<16xf32>,
      %broadcast_in_dim3A_1973 = vector.broadcast %add3A_1961 : i32 to vector<16xi32>
      tpu.vector_store_idx %arg6[%broadcast_in_dim3A_1973, %add3A_1966], %gather3A_1972 : memref<128x64xf32, #tpu.memory_space<vmem>>[vector<16xi32>, vector<16xi32>], vector<16xf32>,
      %iota3A_1974 = tpu.iota {dimensions = array<i32: 0>} : vector<16xi32>
      %add3A_1975 = arith.constant 16 : i32
      %add3A_1976 = vector.broadcast %add3A_1975 : i32 to vector<16xi32>
      %add3A_1977 = arith.addi %iota3A_1974, %add3A_1976 : vector<16xi32>
      %gather3A_1978 = arith.constant 4 : i32
      %gather3A_1979 = arith.constant 0 : i32
      %gather3A_1980 = arith.constant 0 : i32
      %gather3A_1981 = tpu.memref_slice %arg7[%gather3A_1978, %gather3A_1979, %gather3A_1980] : memref<8x64x128xf32, #tpu.memory_space<vmem>> -> memref<1x64x128xf32, #tpu.memory_space<vmem>>
      %gather3A_1982 = tpu.memref_squeeze %gather3A_1981 : memref<1x64x128xf32, #tpu.memory_space<vmem>> -> memref<64x128xf32, #tpu.memory_space<vmem>>
      %gather3A_1983 = tpu.vector_load_idx %gather3A_1982[%add3A_1977, %broadcast_in_dim3A_1962] : memref<64x128xf32, #tpu.memory_space<vmem>>[vector<16xi32>, vector<16xi32>], vector<16xf32>,
      %broadcast_in_dim3A_1984 = vector.broadcast %add3A_1961 : i32 to vector<16xi32>
      tpu.vector_store_idx %arg6[%broadcast_in_dim3A_1984, %add3A_1977], %gather3A_1983 : memref<128x64xf32, #tpu.memory_space<vmem>>[vector<16xi32>, vector<16xi32>], vector<16xf32>,
      %iota3A_1985 = tpu.iota {dimensions = array<i32: 0>} : vector<16xi32>
      %add3A_1986 = arith.constant 32 : i32
      %add3A_1987 = vector.broadcast %add3A_1986 : i32 to vector<16xi32>
      %add3A_1988 = arith.addi %iota3A_1985, %add3A_1987 : vector<16xi32>
      %gather3A_1989 = arith.constant 4 : i32
      %gather3A_1990 = arith.constant 0 : i32
      %gather3A_1991 = arith.constant 0 : i32
      %gather3A_1992 = tpu.memref_slice %arg7[%gather3A_1989, %gather3A_1990, %gather3A_1991] : memref<8x64x128xf32, #tpu.memory_space<vmem>> -> memref<1x64x128xf32, #tpu.memory_space<vmem>>
      %gather3A_1993 = tpu.memref_squeeze %gather3A_1992 : memref<1x64x128xf32, #tpu.memory_space<vmem>> -> memref<64x128xf32, #tpu.memory_space<vmem>>
      %gather3A_1994 = tpu.vector_load_idx %gather3A_1993[%add3A_1988, %broadcast_in_dim3A_1962] : memref<64x128xf32, #tpu.memory_space<vmem>>[vector<16xi32>, vector<16xi32>], vector<16xf32>,
      %broadcast_in_dim3A_1995 = vector.broadcast %add3A_1961 : i32 to vector<16xi32>
      tpu.vector_store_idx %arg6[%broadcast_in_dim3A_1995, %add3A_1988], %gather3A_1994 : memref<128x64xf32, #tpu.memory_space<vmem>>[vector<16xi32>, vector<16xi32>], vector<16xf32>,
      %iota3A_1996 = tpu.iota {dimensions = array<i32: 0>} : vector<16xi32>
      %add3A_1997 = arith.constant 48 : i32
      %add3A_1998 = vector.broadcast %add3A_1997 : i32 to vector<16xi32>
      %add3A_1999 = arith.addi %iota3A_1996, %add3A_1998 : vector<16xi32>
      %gather3A_2000 = arith.constant 4 : i32
      %gather3A_2001 = arith.constant 0 : i32
      %gather3A_2002 = arith.constant 0 : i32
      %gather3A_2003 = tpu.memref_slice %arg7[%gather3A_2000, %gather3A_2001, %gather3A_2002] : memref<8x64x128xf32, #tpu.memory_space<vmem>> -> memref<1x64x128xf32, #tpu.memory_space<vmem>>
      %gather3A_2004 = tpu.memref_squeeze %gather3A_2003 : memref<1x64x128xf32, #tpu.memory_space<vmem>> -> memref<64x128xf32, #tpu.memory_space<vmem>>
      %gather3A_2005 = tpu.vector_load_idx %gather3A_2004[%add3A_1999, %broadcast_in_dim3A_1962] : memref<64x128xf32, #tpu.memory_space<vmem>>[vector<16xi32>, vector<16xi32>], vector<16xf32>,
      %broadcast_in_dim3A_2006 = vector.broadcast %add3A_1961 : i32 to vector<16xi32>
      tpu.vector_store_idx %arg6[%broadcast_in_dim3A_2006, %add3A_1999], %gather3A_2005 : memref<128x64xf32, #tpu.memory_space<vmem>>[vector<16xi32>, vector<16xi32>], vector<16xf32>,
      %slice3A_2007 = vector.extract_strided_slice %get3A_463 {offsets = [4], sizes = [1], strides = [1]} : vector<16xi32> to vector<1xi32>
      %squeeze3A_2008 = vector.extract %slice3A_2007[0] : i32 from vector<1xi32>
      %jit3A_2009 = arith.constant 128 : i32
      %div3A_2010 = arith.divsi %squeeze3A_2008, %jit3A_2009 : i32
      %sign3A_2011 = arith.constant 0 : i32
      %sign3A_2012 = arith.cmpi sgt, %squeeze3A_2008, %sign3A_2011 : i32
      %sign3A_2013 = arith.extui %sign3A_2012 : i1 to i32
      %sign3A_2014 = arith.constant 0 : i32
      %sign3A_2015 = arith.cmpi slt, %squeeze3A_2008, %sign3A_2014 : i32
      %sign3A_2016 = arith.extui %sign3A_2015 : i1 to i32
      %sign3A_2017 = arith.subi %sign3A_2013, %sign3A_2016 : i32
      %sign3A_2018 = arith.constant 0 : i32
      %sign3A_2019 = arith.cmpi sgt, %jit3A_2009, %sign3A_2018 : i32
      %sign3A_2020 = arith.extui %sign3A_2019 : i1 to i32
      %sign3A_2021 = arith.constant 0 : i32
      %sign3A_2022 = arith.cmpi slt, %jit3A_2009, %sign3A_2021 : i32
      %sign3A_2023 = arith.extui %sign3A_2022 : i1 to i32
      %sign3A_2024 = arith.subi %sign3A_2020, %sign3A_2023 : i32
      %ne3A_2025 = arith.cmpi ne, %sign3A_2017, %sign3A_2024 : i32
      %rem3A_2026 = arith.remsi %squeeze3A_2008, %jit3A_2009 : i32
      %ne3A_2027 = arith.constant 0 : i32
      %ne3A_2028 = arith.cmpi ne, %rem3A_2026, %ne3A_2027 : i32
      %and3A_2029 = arith.andi %ne3A_2025, %ne3A_2028 : i1
      %sub3A_2030 = arith.constant 1 : i32
      %sub3A_2031 = arith.subi %div3A_2010, %sub3A_2030 : i32
      %select_n3A_2032 = arith.select %and3A_2029, %sub3A_2031, %div3A_2010 : i32
      %mul3A_2033 = arith.constant 128 : i32
      %mul3A_2034 = arith.muli %select_n3A_2032, %mul3A_2033 : i32
      %multiple_of3A_2035 = tpu.assume_multiple %mul3A_2034, 128 : i32
      %dma_start3A_2036 = arith.constant 4 : i32
      %dma_start3A_2037 = arith.constant 0 : i32
      %dma_start3A_2038 = arith.constant 0 : i32
      %dma_start3A_2039 = tpu.memref_slice %arg7[%dma_start3A_2036, %dma_start3A_2037, %dma_start3A_2038] : memref<8x64x128xf32, #tpu.memory_space<vmem>> -> memref<1x64x128xf32, #tpu.memory_space<vmem>>
      %dma_start3A_2040 = tpu.memref_squeeze %dma_start3A_2039 : memref<1x64x128xf32, #tpu.memory_space<vmem>> -> memref<64x128xf32, #tpu.memory_space<vmem>>
      %dma_start3A_2041 = arith.constant 0 : i32
      %dma_start3A_2042 = tpu.memref_slice %arg2[%dma_start3A_2041, %multiple_of3A_2035] : memref<64x1000000xf32, #tpu.memory_space<hbm>> -> memref<64x128xf32, #tpu.memory_space<hbm>>
      %dma_start3A_2043 = arith.constant 0 : i32
      %dma_start3A_2044 = arith.constant 0 : i32
      %dma_start3A_2045 = tpu.memref_slice %arg7[%dma_start3A_2036, %dma_start3A_2043, %dma_start3A_2044] : memref<8x64x128xf32, #tpu.memory_space<vmem>> -> memref<1x64x128xf32, #tpu.memory_space<vmem>>
      %dma_start3A_2046 = tpu.memref_squeeze %dma_start3A_2045 : memref<1x64x128xf32, #tpu.memory_space<vmem>> -> memref<64x128xf32, #tpu.memory_space<vmem>>
      %dma_start3A_2047 = arith.constant 0 : i32
      %dma_start3A_2048 = tpu.memref_slice %arg2[%dma_start3A_2047, %multiple_of3A_2035] : memref<64x1000000xf32, #tpu.memory_space<hbm>> -> memref<64x128xf32, #tpu.memory_space<hbm>>
      tpu.enqueue_dma source(%dma_start3A_2048 : memref<64x128xf32, #tpu.memory_space<hbm>>) target(%dma_start3A_2046 : memref<64x128xf32, #tpu.memory_space<vmem>>) target_semaphore(%arg12 : memref<!tpu.dma_semaphore, #tpu.memory_space<semaphore_mem>>)
      %dma_wait3A_2049 = arith.constant 5 : i32
      %dma_wait3A_2050 = arith.constant 0 : i32
      %dma_wait3A_2051 = arith.constant 0 : i32
      %dma_wait3A_2052 = tpu.memref_slice %arg7[%dma_wait3A_2049, %dma_wait3A_2050, %dma_wait3A_2051] : memref<8x64x128xf32, #tpu.memory_space<vmem>> -> memref<1x64x128xf32, #tpu.memory_space<vmem>>
      %dma_wait3A_2053 = tpu.memref_squeeze %dma_wait3A_2052 : memref<1x64x128xf32, #tpu.memory_space<vmem>> -> memref<64x128xf32, #tpu.memory_space<vmem>>
      %dma_wait3A_2054 = arith.constant 0 : i32
      %dma_wait3A_2055 = arith.constant 0 : i32
      %dma_wait3A_2056 = tpu.memref_slice %arg2[%dma_wait3A_2054, %dma_wait3A_2055] : memref<64x1000000xf32, #tpu.memory_space<hbm>> -> memref<64x128xf32, #tpu.memory_space<hbm>>
      %dma_wait3A_2057 = arith.constant 0 : i32
      %dma_wait3A_2058 = arith.constant 0 : i32
      %dma_wait3A_2059 = tpu.memref_slice %arg7[%dma_wait3A_2049, %dma_wait3A_2057, %dma_wait3A_2058] : memref<8x64x128xf32, #tpu.memory_space<vmem>> -> memref<1x64x128xf32, #tpu.memory_space<vmem>>
      %dma_wait3A_2060 = tpu.memref_squeeze %dma_wait3A_2059 : memref<1x64x128xf32, #tpu.memory_space<vmem>> -> memref<64x128xf32, #tpu.memory_space<vmem>>
      %dma_wait3A_2061 = arith.constant 0 : i32
      %dma_wait3A_2062 = arith.constant 0 : i32
      %dma_wait3A_2063 = tpu.memref_slice %arg2[%dma_wait3A_2061, %dma_wait3A_2062] : memref<64x1000000xf32, #tpu.memory_space<hbm>> -> memref<64x128xf32, #tpu.memory_space<hbm>>
      tpu.wait_dma2 semaphore(%arg13 : memref<!tpu.dma_semaphore, #tpu.memory_space<semaphore_mem>>) src(%dma_wait3A_2063 : memref<64x128xf32, #tpu.memory_space<hbm>>) dst(%dma_wait3A_2060 : memref<64x128xf32, #tpu.memory_space<vmem>>)
      %slice3A_2064 = vector.extract_strided_slice %get3A_455 {offsets = [13], sizes = [1], strides = [1]} : vector<16xi32> to vector<1xi32>
      %squeeze3A_2065 = vector.extract %slice3A_2064[0] : i32 from vector<1xi32>
      %jit3A_2066 = arith.constant 128 : i32
      %eq3A_2067 = arith.constant 0 : i32
      %eq3A_2068 = arith.cmpi eq, %jit3A_2066, %eq3A_2067 : i32
      %jit3A_2069 = arith.constant 1 : i32
      %select_n3A_2070 = arith.select %eq3A_2068, %jit3A_2069, %jit3A_2066 : i32
      %rem3A_2071 = arith.remsi %squeeze3A_2065, %select_n3A_2070 : i32
      %ne3A_2072 = arith.constant 0 : i32
      %ne3A_2073 = arith.cmpi ne, %rem3A_2071, %ne3A_2072 : i32
      %lt3A_2074 = arith.constant 0 : i32
      %lt3A_2075 = arith.cmpi slt, %rem3A_2071, %lt3A_2074 : i32
      %lt3A_2076 = arith.constant 0 : i32
      %lt3A_2077 = arith.cmpi slt, %select_n3A_2070, %lt3A_2076 : i32
      %ne3A_2078 = arith.xori %lt3A_2075, %lt3A_2077 : i1
      %and3A_2079 = arith.andi %ne3A_2078, %ne3A_2073 : i1
      %add3A_2080 = arith.addi %rem3A_2071, %select_n3A_2070 : i32
      %select_n3A_2081 = arith.select %and3A_2079, %add3A_2080, %rem3A_2071 : i32
      %add3A_2082 = arith.constant 13 : i32
      %add3A_2083 = arith.addi %mul3A_467, %add3A_2082 : i32
      %broadcast_in_dim3A_2084 = vector.broadcast %select_n3A_2081 : i32 to vector<16xi32>
      %iota3A_2085 = tpu.iota {dimensions = array<i32: 0>} : vector<16xi32>
      %add3A_2086 = arith.constant 0 : i32
      %add3A_2087 = vector.broadcast %add3A_2086 : i32 to vector<16xi32>
      %add3A_2088 = arith.addi %iota3A_2085, %add3A_2087 : vector<16xi32>
      %gather3A_2089 = arith.constant 5 : i32
      %gather3A_2090 = arith.constant 0 : i32
      %gather3A_2091 = arith.constant 0 : i32
      %gather3A_2092 = tpu.memref_slice %arg7[%gather3A_2089, %gather3A_2090, %gather3A_2091] : memref<8x64x128xf32, #tpu.memory_space<vmem>> -> memref<1x64x128xf32, #tpu.memory_space<vmem>>
      %gather3A_2093 = tpu.memref_squeeze %gather3A_2092 : memref<1x64x128xf32, #tpu.memory_space<vmem>> -> memref<64x128xf32, #tpu.memory_space<vmem>>
      %gather3A_2094 = tpu.vector_load_idx %gather3A_2093[%add3A_2088, %broadcast_in_dim3A_2084] : memref<64x128xf32, #tpu.memory_space<vmem>>[vector<16xi32>, vector<16xi32>], vector<16xf32>,
      %broadcast_in_dim3A_2095 = vector.broadcast %add3A_2083 : i32 to vector<16xi32>
      tpu.vector_store_idx %arg6[%broadcast_in_dim3A_2095, %add3A_2088], %gather3A_2094 : memref<128x64xf32, #tpu.memory_space<vmem>>[vector<16xi32>, vector<16xi32>], vector<16xf32>,
      %iota3A_2096 = tpu.iota {dimensions = array<i32: 0>} : vector<16xi32>
      %add3A_2097 = arith.constant 16 : i32
      %add3A_2098 = vector.broadcast %add3A_2097 : i32 to vector<16xi32>
      %add3A_2099 = arith.addi %iota3A_2096, %add3A_2098 : vector<16xi32>
      %gather3A_2100 = arith.constant 5 : i32
      %gather3A_2101 = arith.constant 0 : i32
      %gather3A_2102 = arith.constant 0 : i32
      %gather3A_2103 = tpu.memref_slice %arg7[%gather3A_2100, %gather3A_2101, %gather3A_2102] : memref<8x64x128xf32, #tpu.memory_space<vmem>> -> memref<1x64x128xf32, #tpu.memory_space<vmem>>
      %gather3A_2104 = tpu.memref_squeeze %gather3A_2103 : memref<1x64x128xf32, #tpu.memory_space<vmem>> -> memref<64x128xf32, #tpu.memory_space<vmem>>
      %gather3A_2105 = tpu.vector_load_idx %gather3A_2104[%add3A_2099, %broadcast_in_dim3A_2084] : memref<64x128xf32, #tpu.memory_space<vmem>>[vector<16xi32>, vector<16xi32>], vector<16xf32>,
      %broadcast_in_dim3A_2106 = vector.broadcast %add3A_2083 : i32 to vector<16xi32>
      tpu.vector_store_idx %arg6[%broadcast_in_dim3A_2106, %add3A_2099], %gather3A_2105 : memref<128x64xf32, #tpu.memory_space<vmem>>[vector<16xi32>, vector<16xi32>], vector<16xf32>,
      %iota3A_2107 = tpu.iota {dimensions = array<i32: 0>} : vector<16xi32>
      %add3A_2108 = arith.constant 32 : i32
      %add3A_2109 = vector.broadcast %add3A_2108 : i32 to vector<16xi32>
      %add3A_2110 = arith.addi %iota3A_2107, %add3A_2109 : vector<16xi32>
      %gather3A_2111 = arith.constant 5 : i32
      %gather3A_2112 = arith.constant 0 : i32
      %gather3A_2113 = arith.constant 0 : i32
      %gather3A_2114 = tpu.memref_slice %arg7[%gather3A_2111, %gather3A_2112, %gather3A_2113] : memref<8x64x128xf32, #tpu.memory_space<vmem>> -> memref<1x64x128xf32, #tpu.memory_space<vmem>>
      %gather3A_2115 = tpu.memref_squeeze %gather3A_2114 : memref<1x64x128xf32, #tpu.memory_space<vmem>> -> memref<64x128xf32, #tpu.memory_space<vmem>>
      %gather3A_2116 = tpu.vector_load_idx %gather3A_2115[%add3A_2110, %broadcast_in_dim3A_2084] : memref<64x128xf32, #tpu.memory_space<vmem>>[vector<16xi32>, vector<16xi32>], vector<16xf32>,
      %broadcast_in_dim3A_2117 = vector.broadcast %add3A_2083 : i32 to vector<16xi32>
      tpu.vector_store_idx %arg6[%broadcast_in_dim3A_2117, %add3A_2110], %gather3A_2116 : memref<128x64xf32, #tpu.memory_space<vmem>>[vector<16xi32>, vector<16xi32>], vector<16xf32>,
      %iota3A_2118 = tpu.iota {dimensions = array<i32: 0>} : vector<16xi32>
      %add3A_2119 = arith.constant 48 : i32
      %add3A_2120 = vector.broadcast %add3A_2119 : i32 to vector<16xi32>
      %add3A_2121 = arith.addi %iota3A_2118, %add3A_2120 : vector<16xi32>
      %gather3A_2122 = arith.constant 5 : i32
      %gather3A_2123 = arith.constant 0 : i32
      %gather3A_2124 = arith.constant 0 : i32
      %gather3A_2125 = tpu.memref_slice %arg7[%gather3A_2122, %gather3A_2123, %gather3A_2124] : memref<8x64x128xf32, #tpu.memory_space<vmem>> -> memref<1x64x128xf32, #tpu.memory_space<vmem>>
      %gather3A_2126 = tpu.memref_squeeze %gather3A_2125 : memref<1x64x128xf32, #tpu.memory_space<vmem>> -> memref<64x128xf32, #tpu.memory_space<vmem>>
      %gather3A_2127 = tpu.vector_load_idx %gather3A_2126[%add3A_2121, %broadcast_in_dim3A_2084] : memref<64x128xf32, #tpu.memory_space<vmem>>[vector<16xi32>, vector<16xi32>], vector<16xf32>,
      %broadcast_in_dim3A_2128 = vector.broadcast %add3A_2083 : i32 to vector<16xi32>
      tpu.vector_store_idx %arg6[%broadcast_in_dim3A_2128, %add3A_2121], %gather3A_2127 : memref<128x64xf32, #tpu.memory_space<vmem>>[vector<16xi32>, vector<16xi32>], vector<16xf32>,
      %slice3A_2129 = vector.extract_strided_slice %get3A_463 {offsets = [5], sizes = [1], strides = [1]} : vector<16xi32> to vector<1xi32>
      %squeeze3A_2130 = vector.extract %slice3A_2129[0] : i32 from vector<1xi32>
      %jit3A_2131 = arith.constant 128 : i32
      %div3A_2132 = arith.divsi %squeeze3A_2130, %jit3A_2131 : i32
      %sign3A_2133 = arith.constant 0 : i32
      %sign3A_2134 = arith.cmpi sgt, %squeeze3A_2130, %sign3A_2133 : i32
      %sign3A_2135 = arith.extui %sign3A_2134 : i1 to i32
      %sign3A_2136 = arith.constant 0 : i32
      %sign3A_2137 = arith.cmpi slt, %squeeze3A_2130, %sign3A_2136 : i32
      %sign3A_2138 = arith.extui %sign3A_2137 : i1 to i32
      %sign3A_2139 = arith.subi %sign3A_2135, %sign3A_2138 : i32
      %sign3A_2140 = arith.constant 0 : i32
      %sign3A_2141 = arith.cmpi sgt, %jit3A_2131, %sign3A_2140 : i32
      %sign3A_2142 = arith.extui %sign3A_2141 : i1 to i32
      %sign3A_2143 = arith.constant 0 : i32
      %sign3A_2144 = arith.cmpi slt, %jit3A_2131, %sign3A_2143 : i32
      %sign3A_2145 = arith.extui %sign3A_2144 : i1 to i32
      %sign3A_2146 = arith.subi %sign3A_2142, %sign3A_2145 : i32
      %ne3A_2147 = arith.cmpi ne, %sign3A_2139, %sign3A_2146 : i32
      %rem3A_2148 = arith.remsi %squeeze3A_2130, %jit3A_2131 : i32
      %ne3A_2149 = arith.constant 0 : i32
      %ne3A_2150 = arith.cmpi ne, %rem3A_2148, %ne3A_2149 : i32
      %and3A_2151 = arith.andi %ne3A_2147, %ne3A_2150 : i1
      %sub3A_2152 = arith.constant 1 : i32
      %sub3A_2153 = arith.subi %div3A_2132, %sub3A_2152 : i32
      %select_n3A_2154 = arith.select %and3A_2151, %sub3A_2153, %div3A_2132 : i32
      %mul3A_2155 = arith.constant 128 : i32
      %mul3A_2156 = arith.muli %select_n3A_2154, %mul3A_2155 : i32
      %multiple_of3A_2157 = tpu.assume_multiple %mul3A_2156, 128 : i32
      %dma_start3A_2158 = arith.constant 5 : i32
      %dma_start3A_2159 = arith.constant 0 : i32
      %dma_start3A_2160 = arith.constant 0 : i32
      %dma_start3A_2161 = tpu.memref_slice %arg7[%dma_start3A_2158, %dma_start3A_2159, %dma_start3A_2160] : memref<8x64x128xf32, #tpu.memory_space<vmem>> -> memref<1x64x128xf32, #tpu.memory_space<vmem>>
      %dma_start3A_2162 = tpu.memref_squeeze %dma_start3A_2161 : memref<1x64x128xf32, #tpu.memory_space<vmem>> -> memref<64x128xf32, #tpu.memory_space<vmem>>
      %dma_start3A_2163 = arith.constant 0 : i32
      %dma_start3A_2164 = tpu.memref_slice %arg2[%dma_start3A_2163, %multiple_of3A_2157] : memref<64x1000000xf32, #tpu.memory_space<hbm>> -> memref<64x128xf32, #tpu.memory_space<hbm>>
      %dma_start3A_2165 = arith.constant 0 : i32
      %dma_start3A_2166 = arith.constant 0 : i32
      %dma_start3A_2167 = tpu.memref_slice %arg7[%dma_start3A_2158, %dma_start3A_2165, %dma_start3A_2166] : memref<8x64x128xf32, #tpu.memory_space<vmem>> -> memref<1x64x128xf32, #tpu.memory_space<vmem>>
      %dma_start3A_2168 = tpu.memref_squeeze %dma_start3A_2167 : memref<1x64x128xf32, #tpu.memory_space<vmem>> -> memref<64x128xf32, #tpu.memory_space<vmem>>
      %dma_start3A_2169 = arith.constant 0 : i32
      %dma_start3A_2170 = tpu.memref_slice %arg2[%dma_start3A_2169, %multiple_of3A_2157] : memref<64x1000000xf32, #tpu.memory_space<hbm>> -> memref<64x128xf32, #tpu.memory_space<hbm>>
      tpu.enqueue_dma source(%dma_start3A_2170 : memref<64x128xf32, #tpu.memory_space<hbm>>) target(%dma_start3A_2168 : memref<64x128xf32, #tpu.memory_space<vmem>>) target_semaphore(%arg13 : memref<!tpu.dma_semaphore, #tpu.memory_space<semaphore_mem>>)
      %dma_wait3A_2171 = arith.constant 6 : i32
      %dma_wait3A_2172 = arith.constant 0 : i32
      %dma_wait3A_2173 = arith.constant 0 : i32
      %dma_wait3A_2174 = tpu.memref_slice %arg7[%dma_wait3A_2171, %dma_wait3A_2172, %dma_wait3A_2173] : memref<8x64x128xf32, #tpu.memory_space<vmem>> -> memref<1x64x128xf32, #tpu.memory_space<vmem>>
      %dma_wait3A_2175 = tpu.memref_squeeze %dma_wait3A_2174 : memref<1x64x128xf32, #tpu.memory_space<vmem>> -> memref<64x128xf32, #tpu.memory_space<vmem>>
      %dma_wait3A_2176 = arith.constant 0 : i32
      %dma_wait3A_2177 = arith.constant 0 : i32
      %dma_wait3A_2178 = tpu.memref_slice %arg2[%dma_wait3A_2176, %dma_wait3A_2177] : memref<64x1000000xf32, #tpu.memory_space<hbm>> -> memref<64x128xf32, #tpu.memory_space<hbm>>
      %dma_wait3A_2179 = arith.constant 0 : i32
      %dma_wait3A_2180 = arith.constant 0 : i32
      %dma_wait3A_2181 = tpu.memref_slice %arg7[%dma_wait3A_2171, %dma_wait3A_2179, %dma_wait3A_2180] : memref<8x64x128xf32, #tpu.memory_space<vmem>> -> memref<1x64x128xf32, #tpu.memory_space<vmem>>
      %dma_wait3A_2182 = tpu.memref_squeeze %dma_wait3A_2181 : memref<1x64x128xf32, #tpu.memory_space<vmem>> -> memref<64x128xf32, #tpu.memory_space<vmem>>
      %dma_wait3A_2183 = arith.constant 0 : i32
      %dma_wait3A_2184 = arith.constant 0 : i32
      %dma_wait3A_2185 = tpu.memref_slice %arg2[%dma_wait3A_2183, %dma_wait3A_2184] : memref<64x1000000xf32, #tpu.memory_space<hbm>> -> memref<64x128xf32, #tpu.memory_space<hbm>>
      tpu.wait_dma2 semaphore(%arg14 : memref<!tpu.dma_semaphore, #tpu.memory_space<semaphore_mem>>) src(%dma_wait3A_2185 : memref<64x128xf32, #tpu.memory_space<hbm>>) dst(%dma_wait3A_2182 : memref<64x128xf32, #tpu.memory_space<vmem>>)
      %slice3A_2186 = vector.extract_strided_slice %get3A_455 {offsets = [14], sizes = [1], strides = [1]} : vector<16xi32> to vector<1xi32>
      %squeeze3A_2187 = vector.extract %slice3A_2186[0] : i32 from vector<1xi32>
      %jit3A_2188 = arith.constant 128 : i32
      %eq3A_2189 = arith.constant 0 : i32
      %eq3A_2190 = arith.cmpi eq, %jit3A_2188, %eq3A_2189 : i32
      %jit3A_2191 = arith.constant 1 : i32
      %select_n3A_2192 = arith.select %eq3A_2190, %jit3A_2191, %jit3A_2188 : i32
      %rem3A_2193 = arith.remsi %squeeze3A_2187, %select_n3A_2192 : i32
      %ne3A_2194 = arith.constant 0 : i32
      %ne3A_2195 = arith.cmpi ne, %rem3A_2193, %ne3A_2194 : i32
      %lt3A_2196 = arith.constant 0 : i32
      %lt3A_2197 = arith.cmpi slt, %rem3A_2193, %lt3A_2196 : i32
      %lt3A_2198 = arith.constant 0 : i32
      %lt3A_2199 = arith.cmpi slt, %select_n3A_2192, %lt3A_2198 : i32
      %ne3A_2200 = arith.xori %lt3A_2197, %lt3A_2199 : i1
      %and3A_2201 = arith.andi %ne3A_2200, %ne3A_2195 : i1
      %add3A_2202 = arith.addi %rem3A_2193, %select_n3A_2192 : i32
      %select_n3A_2203 = arith.select %and3A_2201, %add3A_2202, %rem3A_2193 : i32
      %add3A_2204 = arith.constant 14 : i32
      %add3A_2205 = arith.addi %mul3A_467, %add3A_2204 : i32
      %broadcast_in_dim3A_2206 = vector.broadcast %select_n3A_2203 : i32 to vector<16xi32>
      %iota3A_2207 = tpu.iota {dimensions = array<i32: 0>} : vector<16xi32>
      %add3A_2208 = arith.constant 0 : i32
      %add3A_2209 = vector.broadcast %add3A_2208 : i32 to vector<16xi32>
      %add3A_2210 = arith.addi %iota3A_2207, %add3A_2209 : vector<16xi32>
      %gather3A_2211 = arith.constant 6 : i32
      %gather3A_2212 = arith.constant 0 : i32
      %gather3A_2213 = arith.constant 0 : i32
      %gather3A_2214 = tpu.memref_slice %arg7[%gather3A_2211, %gather3A_2212, %gather3A_2213] : memref<8x64x128xf32, #tpu.memory_space<vmem>> -> memref<1x64x128xf32, #tpu.memory_space<vmem>>
      %gather3A_2215 = tpu.memref_squeeze %gather3A_2214 : memref<1x64x128xf32, #tpu.memory_space<vmem>> -> memref<64x128xf32, #tpu.memory_space<vmem>>
      %gather3A_2216 = tpu.vector_load_idx %gather3A_2215[%add3A_2210, %broadcast_in_dim3A_2206] : memref<64x128xf32, #tpu.memory_space<vmem>>[vector<16xi32>, vector<16xi32>], vector<16xf32>,
      %broadcast_in_dim3A_2217 = vector.broadcast %add3A_2205 : i32 to vector<16xi32>
      tpu.vector_store_idx %arg6[%broadcast_in_dim3A_2217, %add3A_2210], %gather3A_2216 : memref<128x64xf32, #tpu.memory_space<vmem>>[vector<16xi32>, vector<16xi32>], vector<16xf32>,
      %iota3A_2218 = tpu.iota {dimensions = array<i32: 0>} : vector<16xi32>
      %add3A_2219 = arith.constant 16 : i32
      %add3A_2220 = vector.broadcast %add3A_2219 : i32 to vector<16xi32>
      %add3A_2221 = arith.addi %iota3A_2218, %add3A_2220 : vector<16xi32>
      %gather3A_2222 = arith.constant 6 : i32
      %gather3A_2223 = arith.constant 0 : i32
      %gather3A_2224 = arith.constant 0 : i32
      %gather3A_2225 = tpu.memref_slice %arg7[%gather3A_2222, %gather3A_2223, %gather3A_2224] : memref<8x64x128xf32, #tpu.memory_space<vmem>> -> memref<1x64x128xf32, #tpu.memory_space<vmem>>
      %gather3A_2226 = tpu.memref_squeeze %gather3A_2225 : memref<1x64x128xf32, #tpu.memory_space<vmem>> -> memref<64x128xf32, #tpu.memory_space<vmem>>
      %gather3A_2227 = tpu.vector_load_idx %gather3A_2226[%add3A_2221, %broadcast_in_dim3A_2206] : memref<64x128xf32, #tpu.memory_space<vmem>>[vector<16xi32>, vector<16xi32>], vector<16xf32>,
      %broadcast_in_dim3A_2228 = vector.broadcast %add3A_2205 : i32 to vector<16xi32>
      tpu.vector_store_idx %arg6[%broadcast_in_dim3A_2228, %add3A_2221], %gather3A_2227 : memref<128x64xf32, #tpu.memory_space<vmem>>[vector<16xi32>, vector<16xi32>], vector<16xf32>,
      %iota3A_2229 = tpu.iota {dimensions = array<i32: 0>} : vector<16xi32>
      %add3A_2230 = arith.constant 32 : i32
      %add3A_2231 = vector.broadcast %add3A_2230 : i32 to vector<16xi32>
      %add3A_2232 = arith.addi %iota3A_2229, %add3A_2231 : vector<16xi32>
      %gather3A_2233 = arith.constant 6 : i32
      %gather3A_2234 = arith.constant 0 : i32
      %gather3A_2235 = arith.constant 0 : i32
      %gather3A_2236 = tpu.memref_slice %arg7[%gather3A_2233, %gather3A_2234, %gather3A_2235] : memref<8x64x128xf32, #tpu.memory_space<vmem>> -> memref<1x64x128xf32, #tpu.memory_space<vmem>>
      %gather3A_2237 = tpu.memref_squeeze %gather3A_2236 : memref<1x64x128xf32, #tpu.memory_space<vmem>> -> memref<64x128xf32, #tpu.memory_space<vmem>>
      %gather3A_2238 = tpu.vector_load_idx %gather3A_2237[%add3A_2232, %broadcast_in_dim3A_2206] : memref<64x128xf32, #tpu.memory_space<vmem>>[vector<16xi32>, vector<16xi32>], vector<16xf32>,
      %broadcast_in_dim3A_2239 = vector.broadcast %add3A_2205 : i32 to vector<16xi32>
      tpu.vector_store_idx %arg6[%broadcast_in_dim3A_2239, %add3A_2232], %gather3A_2238 : memref<128x64xf32, #tpu.memory_space<vmem>>[vector<16xi32>, vector<16xi32>], vector<16xf32>,
      %iota3A_2240 = tpu.iota {dimensions = array<i32: 0>} : vector<16xi32>
      %add3A_2241 = arith.constant 48 : i32
      %add3A_2242 = vector.broadcast %add3A_2241 : i32 to vector<16xi32>
      %add3A_2243 = arith.addi %iota3A_2240, %add3A_2242 : vector<16xi32>
      %gather3A_2244 = arith.constant 6 : i32
      %gather3A_2245 = arith.constant 0 : i32
      %gather3A_2246 = arith.constant 0 : i32
      %gather3A_2247 = tpu.memref_slice %arg7[%gather3A_2244, %gather3A_2245, %gather3A_2246] : memref<8x64x128xf32, #tpu.memory_space<vmem>> -> memref<1x64x128xf32, #tpu.memory_space<vmem>>
      %gather3A_2248 = tpu.memref_squeeze %gather3A_2247 : memref<1x64x128xf32, #tpu.memory_space<vmem>> -> memref<64x128xf32, #tpu.memory_space<vmem>>
      %gather3A_2249 = tpu.vector_load_idx %gather3A_2248[%add3A_2243, %broadcast_in_dim3A_2206] : memref<64x128xf32, #tpu.memory_space<vmem>>[vector<16xi32>, vector<16xi32>], vector<16xf32>,
      %broadcast_in_dim3A_2250 = vector.broadcast %add3A_2205 : i32 to vector<16xi32>
      tpu.vector_store_idx %arg6[%broadcast_in_dim3A_2250, %add3A_2243], %gather3A_2249 : memref<128x64xf32, #tpu.memory_space<vmem>>[vector<16xi32>, vector<16xi32>], vector<16xf32>,
      %slice3A_2251 = vector.extract_strided_slice %get3A_463 {offsets = [6], sizes = [1], strides = [1]} : vector<16xi32> to vector<1xi32>
      %squeeze3A_2252 = vector.extract %slice3A_2251[0] : i32 from vector<1xi32>
      %jit3A_2253 = arith.constant 128 : i32
      %div3A_2254 = arith.divsi %squeeze3A_2252, %jit3A_2253 : i32
      %sign3A_2255 = arith.constant 0 : i32
      %sign3A_2256 = arith.cmpi sgt, %squeeze3A_2252, %sign3A_2255 : i32
      %sign3A_2257 = arith.extui %sign3A_2256 : i1 to i32
      %sign3A_2258 = arith.constant 0 : i32
      %sign3A_2259 = arith.cmpi slt, %squeeze3A_2252, %sign3A_2258 : i32
      %sign3A_2260 = arith.extui %sign3A_2259 : i1 to i32
      %sign3A_2261 = arith.subi %sign3A_2257, %sign3A_2260 : i32
      %sign3A_2262 = arith.constant 0 : i32
      %sign3A_2263 = arith.cmpi sgt, %jit3A_2253, %sign3A_2262 : i32
      %sign3A_2264 = arith.extui %sign3A_2263 : i1 to i32
      %sign3A_2265 = arith.constant 0 : i32
      %sign3A_2266 = arith.cmpi slt, %jit3A_2253, %sign3A_2265 : i32
      %sign3A_2267 = arith.extui %sign3A_2266 : i1 to i32
      %sign3A_2268 = arith.subi %sign3A_2264, %sign3A_2267 : i32
      %ne3A_2269 = arith.cmpi ne, %sign3A_2261, %sign3A_2268 : i32
      %rem3A_2270 = arith.remsi %squeeze3A_2252, %jit3A_2253 : i32
      %ne3A_2271 = arith.constant 0 : i32
      %ne3A_2272 = arith.cmpi ne, %rem3A_2270, %ne3A_2271 : i32
      %and3A_2273 = arith.andi %ne3A_2269, %ne3A_2272 : i1
      %sub3A_2274 = arith.constant 1 : i32
      %sub3A_2275 = arith.subi %div3A_2254, %sub3A_2274 : i32
      %select_n3A_2276 = arith.select %and3A_2273, %sub3A_2275, %div3A_2254 : i32
      %mul3A_2277 = arith.constant 128 : i32
      %mul3A_2278 = arith.muli %select_n3A_2276, %mul3A_2277 : i32
      %multiple_of3A_2279 = tpu.assume_multiple %mul3A_2278, 128 : i32
      %dma_start3A_2280 = arith.constant 6 : i32
      %dma_start3A_2281 = arith.constant 0 : i32
      %dma_start3A_2282 = arith.constant 0 : i32
      %dma_start3A_2283 = tpu.memref_slice %arg7[%dma_start3A_2280, %dma_start3A_2281, %dma_start3A_2282] : memref<8x64x128xf32, #tpu.memory_space<vmem>> -> memref<1x64x128xf32, #tpu.memory_space<vmem>>
      %dma_start3A_2284 = tpu.memref_squeeze %dma_start3A_2283 : memref<1x64x128xf32, #tpu.memory_space<vmem>> -> memref<64x128xf32, #tpu.memory_space<vmem>>
      %dma_start3A_2285 = arith.constant 0 : i32
      %dma_start3A_2286 = tpu.memref_slice %arg2[%dma_start3A_2285, %multiple_of3A_2279] : memref<64x1000000xf32, #tpu.memory_space<hbm>> -> memref<64x128xf32, #tpu.memory_space<hbm>>
      %dma_start3A_2287 = arith.constant 0 : i32
      %dma_start3A_2288 = arith.constant 0 : i32
      %dma_start3A_2289 = tpu.memref_slice %arg7[%dma_start3A_2280, %dma_start3A_2287, %dma_start3A_2288] : memref<8x64x128xf32, #tpu.memory_space<vmem>> -> memref<1x64x128xf32, #tpu.memory_space<vmem>>
      %dma_start3A_2290 = tpu.memref_squeeze %dma_start3A_2289 : memref<1x64x128xf32, #tpu.memory_space<vmem>> -> memref<64x128xf32, #tpu.memory_space<vmem>>
      %dma_start3A_2291 = arith.constant 0 : i32
      %dma_start3A_2292 = tpu.memref_slice %arg2[%dma_start3A_2291, %multiple_of3A_2279] : memref<64x1000000xf32, #tpu.memory_space<hbm>> -> memref<64x128xf32, #tpu.memory_space<hbm>>
      tpu.enqueue_dma source(%dma_start3A_2292 : memref<64x128xf32, #tpu.memory_space<hbm>>) target(%dma_start3A_2290 : memref<64x128xf32, #tpu.memory_space<vmem>>) target_semaphore(%arg14 : memref<!tpu.dma_semaphore, #tpu.memory_space<semaphore_mem>>)
      %dma_wait3A_2293 = arith.constant 7 : i32
      %dma_wait3A_2294 = arith.constant 0 : i32
      %dma_wait3A_2295 = arith.constant 0 : i32
      %dma_wait3A_2296 = tpu.memref_slice %arg7[%dma_wait3A_2293, %dma_wait3A_2294, %dma_wait3A_2295] : memref<8x64x128xf32, #tpu.memory_space<vmem>> -> memref<1x64x128xf32, #tpu.memory_space<vmem>>
      %dma_wait3A_2297 = tpu.memref_squeeze %dma_wait3A_2296 : memref<1x64x128xf32, #tpu.memory_space<vmem>> -> memref<64x128xf32, #tpu.memory_space<vmem>>
      %dma_wait3A_2298 = arith.constant 0 : i32
      %dma_wait3A_2299 = arith.constant 0 : i32
      %dma_wait3A_2300 = tpu.memref_slice %arg2[%dma_wait3A_2298, %dma_wait3A_2299] : memref<64x1000000xf32, #tpu.memory_space<hbm>> -> memref<64x128xf32, #tpu.memory_space<hbm>>
      %dma_wait3A_2301 = arith.constant 0 : i32
      %dma_wait3A_2302 = arith.constant 0 : i32
      %dma_wait3A_2303 = tpu.memref_slice %arg7[%dma_wait3A_2293, %dma_wait3A_2301, %dma_wait3A_2302] : memref<8x64x128xf32, #tpu.memory_space<vmem>> -> memref<1x64x128xf32, #tpu.memory_space<vmem>>
      %dma_wait3A_2304 = tpu.memref_squeeze %dma_wait3A_2303 : memref<1x64x128xf32, #tpu.memory_space<vmem>> -> memref<64x128xf32, #tpu.memory_space<vmem>>
      %dma_wait3A_2305 = arith.constant 0 : i32
      %dma_wait3A_2306 = arith.constant 0 : i32
      %dma_wait3A_2307 = tpu.memref_slice %arg2[%dma_wait3A_2305, %dma_wait3A_2306] : memref<64x1000000xf32, #tpu.memory_space<hbm>> -> memref<64x128xf32, #tpu.memory_space<hbm>>
      tpu.wait_dma2 semaphore(%arg15 : memref<!tpu.dma_semaphore, #tpu.memory_space<semaphore_mem>>) src(%dma_wait3A_2307 : memref<64x128xf32, #tpu.memory_space<hbm>>) dst(%dma_wait3A_2304 : memref<64x128xf32, #tpu.memory_space<vmem>>)
      %slice3A_2308 = vector.extract_strided_slice %get3A_455 {offsets = [15], sizes = [1], strides = [1]} : vector<16xi32> to vector<1xi32>
      %squeeze3A_2309 = vector.extract %slice3A_2308[0] : i32 from vector<1xi32>
      %jit3A_2310 = arith.constant 128 : i32
      %eq3A_2311 = arith.constant 0 : i32
      %eq3A_2312 = arith.cmpi eq, %jit3A_2310, %eq3A_2311 : i32
      %jit3A_2313 = arith.constant 1 : i32
      %select_n3A_2314 = arith.select %eq3A_2312, %jit3A_2313, %jit3A_2310 : i32
      %rem3A_2315 = arith.remsi %squeeze3A_2309, %select_n3A_2314 : i32
      %ne3A_2316 = arith.constant 0 : i32
      %ne3A_2317 = arith.cmpi ne, %rem3A_2315, %ne3A_2316 : i32
      %lt3A_2318 = arith.constant 0 : i32
      %lt3A_2319 = arith.cmpi slt, %rem3A_2315, %lt3A_2318 : i32
      %lt3A_2320 = arith.constant 0 : i32
      %lt3A_2321 = arith.cmpi slt, %select_n3A_2314, %lt3A_2320 : i32
      %ne3A_2322 = arith.xori %lt3A_2319, %lt3A_2321 : i1
      %and3A_2323 = arith.andi %ne3A_2322, %ne3A_2317 : i1
      %add3A_2324 = arith.addi %rem3A_2315, %select_n3A_2314 : i32
      %select_n3A_2325 = arith.select %and3A_2323, %add3A_2324, %rem3A_2315 : i32
      %add3A_2326 = arith.constant 15 : i32
      %add3A_2327 = arith.addi %mul3A_467, %add3A_2326 : i32
      %broadcast_in_dim3A_2328 = vector.broadcast %select_n3A_2325 : i32 to vector<16xi32>
      %iota3A_2329 = tpu.iota {dimensions = array<i32: 0>} : vector<16xi32>
      %add3A_2330 = arith.constant 0 : i32
      %add3A_2331 = vector.broadcast %add3A_2330 : i32 to vector<16xi32>
      %add3A_2332 = arith.addi %iota3A_2329, %add3A_2331 : vector<16xi32>
      %gather3A_2333 = arith.constant 7 : i32
      %gather3A_2334 = arith.constant 0 : i32
      %gather3A_2335 = arith.constant 0 : i32
      %gather3A_2336 = tpu.memref_slice %arg7[%gather3A_2333, %gather3A_2334, %gather3A_2335] : memref<8x64x128xf32, #tpu.memory_space<vmem>> -> memref<1x64x128xf32, #tpu.memory_space<vmem>>
      %gather3A_2337 = tpu.memref_squeeze %gather3A_2336 : memref<1x64x128xf32, #tpu.memory_space<vmem>> -> memref<64x128xf32, #tpu.memory_space<vmem>>
      %gather3A_2338 = tpu.vector_load_idx %gather3A_2337[%add3A_2332, %broadcast_in_dim3A_2328] : memref<64x128xf32, #tpu.memory_space<vmem>>[vector<16xi32>, vector<16xi32>], vector<16xf32>,
      %broadcast_in_dim3A_2339 = vector.broadcast %add3A_2327 : i32 to vector<16xi32>
      tpu.vector_store_idx %arg6[%broadcast_in_dim3A_2339, %add3A_2332], %gather3A_2338 : memref<128x64xf32, #tpu.memory_space<vmem>>[vector<16xi32>, vector<16xi32>], vector<16xf32>,
      %iota3A_2340 = tpu.iota {dimensions = array<i32: 0>} : vector<16xi32>
      %add3A_2341 = arith.constant 16 : i32
      %add3A_2342 = vector.broadcast %add3A_2341 : i32 to vector<16xi32>
      %add3A_2343 = arith.addi %iota3A_2340, %add3A_2342 : vector<16xi32>
      %gather3A_2344 = arith.constant 7 : i32
      %gather3A_2345 = arith.constant 0 : i32
      %gather3A_2346 = arith.constant 0 : i32
      %gather3A_2347 = tpu.memref_slice %arg7[%gather3A_2344, %gather3A_2345, %gather3A_2346] : memref<8x64x128xf32, #tpu.memory_space<vmem>> -> memref<1x64x128xf32, #tpu.memory_space<vmem>>
      %gather3A_2348 = tpu.memref_squeeze %gather3A_2347 : memref<1x64x128xf32, #tpu.memory_space<vmem>> -> memref<64x128xf32, #tpu.memory_space<vmem>>
      %gather3A_2349 = tpu.vector_load_idx %gather3A_2348[%add3A_2343, %broadcast_in_dim3A_2328] : memref<64x128xf32, #tpu.memory_space<vmem>>[vector<16xi32>, vector<16xi32>], vector<16xf32>,
      %broadcast_in_dim3A_2350 = vector.broadcast %add3A_2327 : i32 to vector<16xi32>
      tpu.vector_store_idx %arg6[%broadcast_in_dim3A_2350, %add3A_2343], %gather3A_2349 : memref<128x64xf32, #tpu.memory_space<vmem>>[vector<16xi32>, vector<16xi32>], vector<16xf32>,
      %iota3A_2351 = tpu.iota {dimensions = array<i32: 0>} : vector<16xi32>
      %add3A_2352 = arith.constant 32 : i32
      %add3A_2353 = vector.broadcast %add3A_2352 : i32 to vector<16xi32>
      %add3A_2354 = arith.addi %iota3A_2351, %add3A_2353 : vector<16xi32>
      %gather3A_2355 = arith.constant 7 : i32
      %gather3A_2356 = arith.constant 0 : i32
      %gather3A_2357 = arith.constant 0 : i32
      %gather3A_2358 = tpu.memref_slice %arg7[%gather3A_2355, %gather3A_2356, %gather3A_2357] : memref<8x64x128xf32, #tpu.memory_space<vmem>> -> memref<1x64x128xf32, #tpu.memory_space<vmem>>
      %gather3A_2359 = tpu.memref_squeeze %gather3A_2358 : memref<1x64x128xf32, #tpu.memory_space<vmem>> -> memref<64x128xf32, #tpu.memory_space<vmem>>
      %gather3A_2360 = tpu.vector_load_idx %gather3A_2359[%add3A_2354, %broadcast_in_dim3A_2328] : memref<64x128xf32, #tpu.memory_space<vmem>>[vector<16xi32>, vector<16xi32>], vector<16xf32>,
      %broadcast_in_dim3A_2361 = vector.broadcast %add3A_2327 : i32 to vector<16xi32>
      tpu.vector_store_idx %arg6[%broadcast_in_dim3A_2361, %add3A_2354], %gather3A_2360 : memref<128x64xf32, #tpu.memory_space<vmem>>[vector<16xi32>, vector<16xi32>], vector<16xf32>,
      %iota3A_2362 = tpu.iota {dimensions = array<i32: 0>} : vector<16xi32>
      %add3A_2363 = arith.constant 48 : i32
      %add3A_2364 = vector.broadcast %add3A_2363 : i32 to vector<16xi32>
      %add3A_2365 = arith.addi %iota3A_2362, %add3A_2364 : vector<16xi32>
      %gather3A_2366 = arith.constant 7 : i32
      %gather3A_2367 = arith.constant 0 : i32
      %gather3A_2368 = arith.constant 0 : i32
      %gather3A_2369 = tpu.memref_slice %arg7[%gather3A_2366, %gather3A_2367, %gather3A_2368] : memref<8x64x128xf32, #tpu.memory_space<vmem>> -> memref<1x64x128xf32, #tpu.memory_space<vmem>>
      %gather3A_2370 = tpu.memref_squeeze %gather3A_2369 : memref<1x64x128xf32, #tpu.memory_space<vmem>> -> memref<64x128xf32, #tpu.memory_space<vmem>>
      %gather3A_2371 = tpu.vector_load_idx %gather3A_2370[%add3A_2365, %broadcast_in_dim3A_2328] : memref<64x128xf32, #tpu.memory_space<vmem>>[vector<16xi32>, vector<16xi32>], vector<16xf32>,
      %broadcast_in_dim3A_2372 = vector.broadcast %add3A_2327 : i32 to vector<16xi32>
      tpu.vector_store_idx %arg6[%broadcast_in_dim3A_2372, %add3A_2365], %gather3A_2371 : memref<128x64xf32, #tpu.memory_space<vmem>>[vector<16xi32>, vector<16xi32>], vector<16xf32>,
      %slice3A_2373 = vector.extract_strided_slice %get3A_463 {offsets = [7], sizes = [1], strides = [1]} : vector<16xi32> to vector<1xi32>
      %squeeze3A_2374 = vector.extract %slice3A_2373[0] : i32 from vector<1xi32>
      %jit3A_2375 = arith.constant 128 : i32
      %div3A_2376 = arith.divsi %squeeze3A_2374, %jit3A_2375 : i32
      %sign3A_2377 = arith.constant 0 : i32
      %sign3A_2378 = arith.cmpi sgt, %squeeze3A_2374, %sign3A_2377 : i32
      %sign3A_2379 = arith.extui %sign3A_2378 : i1 to i32
      %sign3A_2380 = arith.constant 0 : i32
      %sign3A_2381 = arith.cmpi slt, %squeeze3A_2374, %sign3A_2380 : i32
      %sign3A_2382 = arith.extui %sign3A_2381 : i1 to i32
      %sign3A_2383 = arith.subi %sign3A_2379, %sign3A_2382 : i32
      %sign3A_2384 = arith.constant 0 : i32
      %sign3A_2385 = arith.cmpi sgt, %jit3A_2375, %sign3A_2384 : i32
      %sign3A_2386 = arith.extui %sign3A_2385 : i1 to i32
      %sign3A_2387 = arith.constant 0 : i32
      %sign3A_2388 = arith.cmpi slt, %jit3A_2375, %sign3A_2387 : i32
      %sign3A_2389 = arith.extui %sign3A_2388 : i1 to i32
      %sign3A_2390 = arith.subi %sign3A_2386, %sign3A_2389 : i32
      %ne3A_2391 = arith.cmpi ne, %sign3A_2383, %sign3A_2390 : i32
      %rem3A_2392 = arith.remsi %squeeze3A_2374, %jit3A_2375 : i32
      %ne3A_2393 = arith.constant 0 : i32
      %ne3A_2394 = arith.cmpi ne, %rem3A_2392, %ne3A_2393 : i32
      %and3A_2395 = arith.andi %ne3A_2391, %ne3A_2394 : i1
      %sub3A_2396 = arith.constant 1 : i32
      %sub3A_2397 = arith.subi %div3A_2376, %sub3A_2396 : i32
      %select_n3A_2398 = arith.select %and3A_2395, %sub3A_2397, %div3A_2376 : i32
      %mul3A_2399 = arith.constant 128 : i32
      %mul3A_2400 = arith.muli %select_n3A_2398, %mul3A_2399 : i32
      %multiple_of3A_2401 = tpu.assume_multiple %mul3A_2400, 128 : i32
      %dma_start3A_2402 = arith.constant 7 : i32
      %dma_start3A_2403 = arith.constant 0 : i32
      %dma_start3A_2404 = arith.constant 0 : i32
      %dma_start3A_2405 = tpu.memref_slice %arg7[%dma_start3A_2402, %dma_start3A_2403, %dma_start3A_2404] : memref<8x64x128xf32, #tpu.memory_space<vmem>> -> memref<1x64x128xf32, #tpu.memory_space<vmem>>
      %dma_start3A_2406 = tpu.memref_squeeze %dma_start3A_2405 : memref<1x64x128xf32, #tpu.memory_space<vmem>> -> memref<64x128xf32, #tpu.memory_space<vmem>>
      %dma_start3A_2407 = arith.constant 0 : i32
      %dma_start3A_2408 = tpu.memref_slice %arg2[%dma_start3A_2407, %multiple_of3A_2401] : memref<64x1000000xf32, #tpu.memory_space<hbm>> -> memref<64x128xf32, #tpu.memory_space<hbm>>
      %dma_start3A_2409 = arith.constant 0 : i32
      %dma_start3A_2410 = arith.constant 0 : i32
      %dma_start3A_2411 = tpu.memref_slice %arg7[%dma_start3A_2402, %dma_start3A_2409, %dma_start3A_2410] : memref<8x64x128xf32, #tpu.memory_space<vmem>> -> memref<1x64x128xf32, #tpu.memory_space<vmem>>
      %dma_start3A_2412 = tpu.memref_squeeze %dma_start3A_2411 : memref<1x64x128xf32, #tpu.memory_space<vmem>> -> memref<64x128xf32, #tpu.memory_space<vmem>>
      %dma_start3A_2413 = arith.constant 0 : i32
      %dma_start3A_2414 = tpu.memref_slice %arg2[%dma_start3A_2413, %multiple_of3A_2401] : memref<64x1000000xf32, #tpu.memory_space<hbm>> -> memref<64x128xf32, #tpu.memory_space<hbm>>
      tpu.enqueue_dma source(%dma_start3A_2414 : memref<64x128xf32, #tpu.memory_space<hbm>>) target(%dma_start3A_2412 : memref<64x128xf32, #tpu.memory_space<vmem>>) target_semaphore(%arg15 : memref<!tpu.dma_semaphore, #tpu.memory_space<semaphore_mem>>)
      %rem3A_2415 = arith.constant 8 : i32
      %rem3A_2416 = arith.remsi %scan3A_451, %rem3A_2415 : i32
      %eq3A_2417 = arith.constant 7 : i32
      %eq3A_2418 = arith.cmpi eq, %rem3A_2416, %eq3A_2417 : i32
      %convert_element_type3A = arith.extui %eq3A_2418 : i1 to i32
      %cond3A = arith.constant 0 : i32
      %cond3A_2419 = arith.cmpi ne, %convert_element_type3A, %cond3A : i32
      scf.if %cond3A_2419 {
        %sub3A_2420 = arith.constant 7 : i32
        %sub3A_2421 = arith.subi %scan3A_451, %sub3A_2420 : i32
        %mul3A_2422 = arith.constant 16 : i32
        %mul3A_2423 = arith.muli %sub3A_2421, %mul3A_2422 : i32
        %add3A_2424 = arith.addi %mul3A_2, %mul3A_2423 : i32
        "tpu.region"() ({
          %run_scoped3A = tpu.sem_alloc : memref<!tpu.dma_semaphore, #tpu.memory_space<semaphore_mem>>
          %dma_start3A_2425 = arith.constant 0 : i32
          %dma_start3A_2426 = tpu.memref_slice %arg4[%add3A_2424, %dma_start3A_2425] : memref<16384x64xf32, #tpu.memory_space<hbm>> -> memref<128x64xf32, #tpu.memory_space<hbm>>
          %dma_start3A_2427 = arith.constant 0 : i32
          %dma_start3A_2428 = tpu.memref_slice %arg4[%add3A_2424, %dma_start3A_2427] : memref<16384x64xf32, #tpu.memory_space<hbm>> -> memref<128x64xf32, #tpu.memory_space<hbm>>
          tpu.enqueue_dma source(%arg6 : memref<128x64xf32, #tpu.memory_space<vmem>>) target(%dma_start3A_2428 : memref<128x64xf32, #tpu.memory_space<hbm>>) target_semaphore(%run_scoped3A : memref<!tpu.dma_semaphore, #tpu.memory_space<semaphore_mem>>)
          %dma_wait3A_2429 = arith.constant 0 : i32
          %dma_wait3A_2430 = tpu.memref_slice %arg4[%add3A_2424, %dma_wait3A_2429] : memref<16384x64xf32, #tpu.memory_space<hbm>> -> memref<128x64xf32, #tpu.memory_space<hbm>>
          %dma_wait3A_2431 = arith.constant 0 : i32
          %dma_wait3A_2432 = tpu.memref_slice %arg4[%add3A_2424, %dma_wait3A_2431] : memref<16384x64xf32, #tpu.memory_space<hbm>> -> memref<128x64xf32, #tpu.memory_space<hbm>>
          tpu.wait_dma2 semaphore(%run_scoped3A : memref<!tpu.dma_semaphore, #tpu.memory_space<semaphore_mem>>) src(%arg6 : memref<128x64xf32, #tpu.memory_space<vmem>>) dst(%dma_wait3A_2432 : memref<128x64xf32, #tpu.memory_space<hbm>>)
          tpu.yield
        }) : () -> ()
      } else {
      }
    }
    %scan3A_331 = arith.constant 32 : i32
    %dma_wait3A = arith.constant 0 : i32
    %dma_wait3A_332 = arith.constant 0 : i32
    %dma_wait3A_333 = arith.constant 0 : i32
    %dma_wait3A_334 = tpu.memref_slice %arg7[%dma_wait3A, %dma_wait3A_332, %dma_wait3A_333] : memref<8x64x128xf32, #tpu.memory_space<vmem>> -> memref<1x64x128xf32, #tpu.memory_space<vmem>>
    %dma_wait3A_335 = tpu.memref_squeeze %dma_wait3A_334 : memref<1x64x128xf32, #tpu.memory_space<vmem>> -> memref<64x128xf32, #tpu.memory_space<vmem>>
    %dma_wait3A_336 = arith.constant 0 : i32
    %dma_wait3A_337 = arith.constant 0 : i32
    %dma_wait3A_338 = tpu.memref_slice %arg2[%dma_wait3A_336, %dma_wait3A_337] : memref<64x1000000xf32, #tpu.memory_space<hbm>> -> memref<64x128xf32, #tpu.memory_space<hbm>>
    %dma_wait3A_339 = arith.constant 0 : i32
    %dma_wait3A_340 = arith.constant 0 : i32
    %dma_wait3A_341 = tpu.memref_slice %arg7[%dma_wait3A, %dma_wait3A_339, %dma_wait3A_340] : memref<8x64x128xf32, #tpu.memory_space<vmem>> -> memref<1x64x128xf32, #tpu.memory_space<vmem>>
    %dma_wait3A_342 = tpu.memref_squeeze %dma_wait3A_341 : memref<1x64x128xf32, #tpu.memory_space<vmem>> -> memref<64x128xf32, #tpu.memory_space<vmem>>
    %dma_wait3A_343 = arith.constant 0 : i32
    %dma_wait3A_344 = arith.constant 0 : i32
    %dma_wait3A_345 = tpu.memref_slice %arg2[%dma_wait3A_343, %dma_wait3A_344] : memref<64x1000000xf32, #tpu.memory_space<hbm>> -> memref<64x128xf32, #tpu.memory_space<hbm>>
    tpu.wait_dma2 semaphore(%arg8 : memref<!tpu.dma_semaphore, #tpu.memory_space<semaphore_mem>>) src(%dma_wait3A_345 : memref<64x128xf32, #tpu.memory_space<hbm>>) dst(%dma_wait3A_342 : memref<64x128xf32, #tpu.memory_space<vmem>>)
    %dma_wait3A_346 = arith.constant 1 : i32
    %dma_wait3A_347 = arith.constant 0 : i32
    %dma_wait3A_348 = arith.constant 0 : i32
    %dma_wait3A_349 = tpu.memref_slice %arg7[%dma_wait3A_346, %dma_wait3A_347, %dma_wait3A_348] : memref<8x64x128xf32, #tpu.memory_space<vmem>> -> memref<1x64x128xf32, #tpu.memory_space<vmem>>
    %dma_wait3A_350 = tpu.memref_squeeze %dma_wait3A_349 : memref<1x64x128xf32, #tpu.memory_space<vmem>> -> memref<64x128xf32, #tpu.memory_space<vmem>>
    %dma_wait3A_351 = arith.constant 0 : i32
    %dma_wait3A_352 = arith.constant 0 : i32
    %dma_wait3A_353 = tpu.memref_slice %arg2[%dma_wait3A_351, %dma_wait3A_352] : memref<64x1000000xf32, #tpu.memory_space<hbm>> -> memref<64x128xf32, #tpu.memory_space<hbm>>
    %dma_wait3A_354 = arith.constant 0 : i32
    %dma_wait3A_355 = arith.constant 0 : i32
    %dma_wait3A_356 = tpu.memref_slice %arg7[%dma_wait3A_346, %dma_wait3A_354, %dma_wait3A_355] : memref<8x64x128xf32, #tpu.memory_space<vmem>> -> memref<1x64x128xf32, #tpu.memory_space<vmem>>
    %dma_wait3A_357 = tpu.memref_squeeze %dma_wait3A_356 : memref<1x64x128xf32, #tpu.memory_space<vmem>> -> memref<64x128xf32, #tpu.memory_space<vmem>>
    %dma_wait3A_358 = arith.constant 0 : i32
    %dma_wait3A_359 = arith.constant 0 : i32
    %dma_wait3A_360 = tpu.memref_slice %arg2[%dma_wait3A_358, %dma_wait3A_359] : memref<64x1000000xf32, #tpu.memory_space<hbm>> -> memref<64x128xf32, #tpu.memory_space<hbm>>
    tpu.wait_dma2 semaphore(%arg9 : memref<!tpu.dma_semaphore, #tpu.memory_space<semaphore_mem>>) src(%dma_wait3A_360 : memref<64x128xf32, #tpu.memory_space<hbm>>) dst(%dma_wait3A_357 : memref<64x128xf32, #tpu.memory_space<vmem>>)
    %dma_wait3A_361 = arith.constant 2 : i32
    %dma_wait3A_362 = arith.constant 0 : i32
    %dma_wait3A_363 = arith.constant 0 : i32
    %dma_wait3A_364 = tpu.memref_slice %arg7[%dma_wait3A_361, %dma_wait3A_362, %dma_wait3A_363] : memref<8x64x128xf32, #tpu.memory_space<vmem>> -> memref<1x64x128xf32, #tpu.memory_space<vmem>>
    %dma_wait3A_365 = tpu.memref_squeeze %dma_wait3A_364 : memref<1x64x128xf32, #tpu.memory_space<vmem>> -> memref<64x128xf32, #tpu.memory_space<vmem>>
    %dma_wait3A_366 = arith.constant 0 : i32
    %dma_wait3A_367 = arith.constant 0 : i32
    %dma_wait3A_368 = tpu.memref_slice %arg2[%dma_wait3A_366, %dma_wait3A_367] : memref<64x1000000xf32, #tpu.memory_space<hbm>> -> memref<64x128xf32, #tpu.memory_space<hbm>>
    %dma_wait3A_369 = arith.constant 0 : i32
    %dma_wait3A_370 = arith.constant 0 : i32
    %dma_wait3A_371 = tpu.memref_slice %arg7[%dma_wait3A_361, %dma_wait3A_369, %dma_wait3A_370] : memref<8x64x128xf32, #tpu.memory_space<vmem>> -> memref<1x64x128xf32, #tpu.memory_space<vmem>>
    %dma_wait3A_372 = tpu.memref_squeeze %dma_wait3A_371 : memref<1x64x128xf32, #tpu.memory_space<vmem>> -> memref<64x128xf32, #tpu.memory_space<vmem>>
    %dma_wait3A_373 = arith.constant 0 : i32
    %dma_wait3A_374 = arith.constant 0 : i32
    %dma_wait3A_375 = tpu.memref_slice %arg2[%dma_wait3A_373, %dma_wait3A_374] : memref<64x1000000xf32, #tpu.memory_space<hbm>> -> memref<64x128xf32, #tpu.memory_space<hbm>>
    tpu.wait_dma2 semaphore(%arg10 : memref<!tpu.dma_semaphore, #tpu.memory_space<semaphore_mem>>) src(%dma_wait3A_375 : memref<64x128xf32, #tpu.memory_space<hbm>>) dst(%dma_wait3A_372 : memref<64x128xf32, #tpu.memory_space<vmem>>)
    %dma_wait3A_376 = arith.constant 3 : i32
    %dma_wait3A_377 = arith.constant 0 : i32
    %dma_wait3A_378 = arith.constant 0 : i32
    %dma_wait3A_379 = tpu.memref_slice %arg7[%dma_wait3A_376, %dma_wait3A_377, %dma_wait3A_378] : memref<8x64x128xf32, #tpu.memory_space<vmem>> -> memref<1x64x128xf32, #tpu.memory_space<vmem>>
    %dma_wait3A_380 = tpu.memref_squeeze %dma_wait3A_379 : memref<1x64x128xf32, #tpu.memory_space<vmem>> -> memref<64x128xf32, #tpu.memory_space<vmem>>
    %dma_wait3A_381 = arith.constant 0 : i32
    %dma_wait3A_382 = arith.constant 0 : i32
    %dma_wait3A_383 = tpu.memref_slice %arg2[%dma_wait3A_381, %dma_wait3A_382] : memref<64x1000000xf32, #tpu.memory_space<hbm>> -> memref<64x128xf32, #tpu.memory_space<hbm>>
    %dma_wait3A_384 = arith.constant 0 : i32
    %dma_wait3A_385 = arith.constant 0 : i32
    %dma_wait3A_386 = tpu.memref_slice %arg7[%dma_wait3A_376, %dma_wait3A_384, %dma_wait3A_385] : memref<8x64x128xf32, #tpu.memory_space<vmem>> -> memref<1x64x128xf32, #tpu.memory_space<vmem>>
    %dma_wait3A_387 = tpu.memref_squeeze %dma_wait3A_386 : memref<1x64x128xf32, #tpu.memory_space<vmem>> -> memref<64x128xf32, #tpu.memory_space<vmem>>
    %dma_wait3A_388 = arith.constant 0 : i32
    %dma_wait3A_389 = arith.constant 0 : i32
    %dma_wait3A_390 = tpu.memref_slice %arg2[%dma_wait3A_388, %dma_wait3A_389] : memref<64x1000000xf32, #tpu.memory_space<hbm>> -> memref<64x128xf32, #tpu.memory_space<hbm>>
    tpu.wait_dma2 semaphore(%arg11 : memref<!tpu.dma_semaphore, #tpu.memory_space<semaphore_mem>>) src(%dma_wait3A_390 : memref<64x128xf32, #tpu.memory_space<hbm>>) dst(%dma_wait3A_387 : memref<64x128xf32, #tpu.memory_space<vmem>>)
    %dma_wait3A_391 = arith.constant 4 : i32
    %dma_wait3A_392 = arith.constant 0 : i32
    %dma_wait3A_393 = arith.constant 0 : i32
    %dma_wait3A_394 = tpu.memref_slice %arg7[%dma_wait3A_391, %dma_wait3A_392, %dma_wait3A_393] : memref<8x64x128xf32, #tpu.memory_space<vmem>> -> memref<1x64x128xf32, #tpu.memory_space<vmem>>
    %dma_wait3A_395 = tpu.memref_squeeze %dma_wait3A_394 : memref<1x64x128xf32, #tpu.memory_space<vmem>> -> memref<64x128xf32, #tpu.memory_space<vmem>>
    %dma_wait3A_396 = arith.constant 0 : i32
    %dma_wait3A_397 = arith.constant 0 : i32
    %dma_wait3A_398 = tpu.memref_slice %arg2[%dma_wait3A_396, %dma_wait3A_397] : memref<64x1000000xf32, #tpu.memory_space<hbm>> -> memref<64x128xf32, #tpu.memory_space<hbm>>
    %dma_wait3A_399 = arith.constant 0 : i32
    %dma_wait3A_400 = arith.constant 0 : i32
    %dma_wait3A_401 = tpu.memref_slice %arg7[%dma_wait3A_391, %dma_wait3A_399, %dma_wait3A_400] : memref<8x64x128xf32, #tpu.memory_space<vmem>> -> memref<1x64x128xf32, #tpu.memory_space<vmem>>
    %dma_wait3A_402 = tpu.memref_squeeze %dma_wait3A_401 : memref<1x64x128xf32, #tpu.memory_space<vmem>> -> memref<64x128xf32, #tpu.memory_space<vmem>>
    %dma_wait3A_403 = arith.constant 0 : i32
    %dma_wait3A_404 = arith.constant 0 : i32
    %dma_wait3A_405 = tpu.memref_slice %arg2[%dma_wait3A_403, %dma_wait3A_404] : memref<64x1000000xf32, #tpu.memory_space<hbm>> -> memref<64x128xf32, #tpu.memory_space<hbm>>
    tpu.wait_dma2 semaphore(%arg12 : memref<!tpu.dma_semaphore, #tpu.memory_space<semaphore_mem>>) src(%dma_wait3A_405 : memref<64x128xf32, #tpu.memory_space<hbm>>) dst(%dma_wait3A_402 : memref<64x128xf32, #tpu.memory_space<vmem>>)
    %dma_wait3A_406 = arith.constant 5 : i32
    %dma_wait3A_407 = arith.constant 0 : i32
    %dma_wait3A_408 = arith.constant 0 : i32
    %dma_wait3A_409 = tpu.memref_slice %arg7[%dma_wait3A_406, %dma_wait3A_407, %dma_wait3A_408] : memref<8x64x128xf32, #tpu.memory_space<vmem>> -> memref<1x64x128xf32, #tpu.memory_space<vmem>>
    %dma_wait3A_410 = tpu.memref_squeeze %dma_wait3A_409 : memref<1x64x128xf32, #tpu.memory_space<vmem>> -> memref<64x128xf32, #tpu.memory_space<vmem>>
    %dma_wait3A_411 = arith.constant 0 : i32
    %dma_wait3A_412 = arith.constant 0 : i32
    %dma_wait3A_413 = tpu.memref_slice %arg2[%dma_wait3A_411, %dma_wait3A_412] : memref<64x1000000xf32, #tpu.memory_space<hbm>> -> memref<64x128xf32, #tpu.memory_space<hbm>>
    %dma_wait3A_414 = arith.constant 0 : i32
    %dma_wait3A_415 = arith.constant 0 : i32
    %dma_wait3A_416 = tpu.memref_slice %arg7[%dma_wait3A_406, %dma_wait3A_414, %dma_wait3A_415] : memref<8x64x128xf32, #tpu.memory_space<vmem>> -> memref<1x64x128xf32, #tpu.memory_space<vmem>>
    %dma_wait3A_417 = tpu.memref_squeeze %dma_wait3A_416 : memref<1x64x128xf32, #tpu.memory_space<vmem>> -> memref<64x128xf32, #tpu.memory_space<vmem>>
    %dma_wait3A_418 = arith.constant 0 : i32
    %dma_wait3A_419 = arith.constant 0 : i32
    %dma_wait3A_420 = tpu.memref_slice %arg2[%dma_wait3A_418, %dma_wait3A_419] : memref<64x1000000xf32, #tpu.memory_space<hbm>> -> memref<64x128xf32, #tpu.memory_space<hbm>>
    tpu.wait_dma2 semaphore(%arg13 : memref<!tpu.dma_semaphore, #tpu.memory_space<semaphore_mem>>) src(%dma_wait3A_420 : memref<64x128xf32, #tpu.memory_space<hbm>>) dst(%dma_wait3A_417 : memref<64x128xf32, #tpu.memory_space<vmem>>)
    %dma_wait3A_421 = arith.constant 6 : i32
    %dma_wait3A_422 = arith.constant 0 : i32
    %dma_wait3A_423 = arith.constant 0 : i32
    %dma_wait3A_424 = tpu.memref_slice %arg7[%dma_wait3A_421, %dma_wait3A_422, %dma_wait3A_423] : memref<8x64x128xf32, #tpu.memory_space<vmem>> -> memref<1x64x128xf32, #tpu.memory_space<vmem>>
    %dma_wait3A_425 = tpu.memref_squeeze %dma_wait3A_424 : memref<1x64x128xf32, #tpu.memory_space<vmem>> -> memref<64x128xf32, #tpu.memory_space<vmem>>
    %dma_wait3A_426 = arith.constant 0 : i32
    %dma_wait3A_427 = arith.constant 0 : i32
    %dma_wait3A_428 = tpu.memref_slice %arg2[%dma_wait3A_426, %dma_wait3A_427] : memref<64x1000000xf32, #tpu.memory_space<hbm>> -> memref<64x128xf32, #tpu.memory_space<hbm>>
    %dma_wait3A_429 = arith.constant 0 : i32
    %dma_wait3A_430 = arith.constant 0 : i32
    %dma_wait3A_431 = tpu.memref_slice %arg7[%dma_wait3A_421, %dma_wait3A_429, %dma_wait3A_430] : memref<8x64x128xf32, #tpu.memory_space<vmem>> -> memref<1x64x128xf32, #tpu.memory_space<vmem>>
    %dma_wait3A_432 = tpu.memref_squeeze %dma_wait3A_431 : memref<1x64x128xf32, #tpu.memory_space<vmem>> -> memref<64x128xf32, #tpu.memory_space<vmem>>
    %dma_wait3A_433 = arith.constant 0 : i32
    %dma_wait3A_434 = arith.constant 0 : i32
    %dma_wait3A_435 = tpu.memref_slice %arg2[%dma_wait3A_433, %dma_wait3A_434] : memref<64x1000000xf32, #tpu.memory_space<hbm>> -> memref<64x128xf32, #tpu.memory_space<hbm>>
    tpu.wait_dma2 semaphore(%arg14 : memref<!tpu.dma_semaphore, #tpu.memory_space<semaphore_mem>>) src(%dma_wait3A_435 : memref<64x128xf32, #tpu.memory_space<hbm>>) dst(%dma_wait3A_432 : memref<64x128xf32, #tpu.memory_space<vmem>>)
    %dma_wait3A_436 = arith.constant 7 : i32
    %dma_wait3A_437 = arith.constant 0 : i32
    %dma_wait3A_438 = arith.constant 0 : i32
    %dma_wait3A_439 = tpu.memref_slice %arg7[%dma_wait3A_436, %dma_wait3A_437, %dma_wait3A_438] : memref<8x64x128xf32, #tpu.memory_space<vmem>> -> memref<1x64x128xf32, #tpu.memory_space<vmem>>
    %dma_wait3A_440 = tpu.memref_squeeze %dma_wait3A_439 : memref<1x64x128xf32, #tpu.memory_space<vmem>> -> memref<64x128xf32, #tpu.memory_space<vmem>>
    %dma_wait3A_441 = arith.constant 0 : i32
    %dma_wait3A_442 = arith.constant 0 : i32
    %dma_wait3A_443 = tpu.memref_slice %arg2[%dma_wait3A_441, %dma_wait3A_442] : memref<64x1000000xf32, #tpu.memory_space<hbm>> -> memref<64x128xf32, #tpu.memory_space<hbm>>
    %dma_wait3A_444 = arith.constant 0 : i32
    %dma_wait3A_445 = arith.constant 0 : i32
    %dma_wait3A_446 = tpu.memref_slice %arg7[%dma_wait3A_436, %dma_wait3A_444, %dma_wait3A_445] : memref<8x64x128xf32, #tpu.memory_space<vmem>> -> memref<1x64x128xf32, #tpu.memory_space<vmem>>
    %dma_wait3A_447 = tpu.memref_squeeze %dma_wait3A_446 : memref<1x64x128xf32, #tpu.memory_space<vmem>> -> memref<64x128xf32, #tpu.memory_space<vmem>>
    %dma_wait3A_448 = arith.constant 0 : i32
    %dma_wait3A_449 = arith.constant 0 : i32
    %dma_wait3A_450 = tpu.memref_slice %arg2[%dma_wait3A_448, %dma_wait3A_449] : memref<64x1000000xf32, #tpu.memory_space<hbm>> -> memref<64x128xf32, #tpu.memory_space<hbm>>
    tpu.wait_dma2 semaphore(%arg15 : memref<!tpu.dma_semaphore, #tpu.memory_space<semaphore_mem>>) src(%dma_wait3A_450 : memref<64x128xf32, #tpu.memory_space<hbm>>) dst(%dma_wait3A_447 : memref<64x128xf32, #tpu.memory_space<vmem>>)
    return
  }
}

</mosaic_0001>

<sc_bundles>
// kernel: kernel.3.cloned.1.call-start
scs
__scs_entry_jumppad:
0x0: {  	(pc) =	sbr.rel $0x88, $3  }
0x1: {  	(tag) =	ssettag $0x0;
	lr =	simm.s32 $0x1  }
0x2: {  	[smem:$0x3F9F] =	sst lr;
	_ =	strace $0xD0000000  }
0x3: {  	_ = 	snop  }
0x4: {  	_ = 	snop  }
0x5: {  	_ = 	snop  }
0x6: {  	_ = 	snop  }
0x7: {  	_ = 	snop  }
__scs_overlays_trampoline_lowered:
0x8: {  	[smem:$0x3FAE] =	sst s0  }
0x9: {  	[smem:$0x3FAF] =	sst s1  }
0xa: {  	[smem:$0x3FB0] =	sst s2  }
0xb: {  	[smem:$0x3FB1] =	sst s3  }
0xc: {  	[smem:$0x3FB2] =	sst s4  }
0xd: {  	[smem:$0x3FB3] =	sst s5  }
0xe: {  	[smem:$0x3FB4] =	sst s6  }
0xf: {  	[smem:$0x3FB5] =	sst s7  }
0x10: {  	[smem:$0x3FB6] =	sst s8  }
0x11: {  	[smem:$0x3FB7] =	sst s9;
	s0 =	simm.s32 @!p0 $0x0  }
0x12: {  	s1 =	sld [smem:$0x3F9D];
	s0 =	simm.s32 @p0 $0x1  }
0x13: {  	[smem:$0x3FB8] =	sst s0;
	s0 =	simm.s32 @!p1 $0x0  }
0x14: {  	s2 =	sld [smem:$0x3F9C];
	s0 =	simm.s32 @p1 $0x1  }
0x15: {  	[smem:$0x3FB9] =	sst s0;
	s0 =	simm.s32 @!p2 $0x0  }
0x16: {  	s3 =	sld [smem:$0x3FDB];
	s0 =	simm.s32 @p2 $0x1  }
0x17: {  	s4 =	simm.s32 $0x1BF5;
	[smem:$0x3FBB] =	sst s0  }
0x18: {  	s0 =	sld [smem:$0x3F9E];
	_ =	swait.ge [sflag:s4], $0x0  }
0x19: {  	s7 =	sld [smem:$0x3F9F]  }
0x1a: {  	s8 =	sadd.s32 $0xFFFFE003, lr  }
0x1b: {  	s9 =	sadd.s32 $0xFFFFFEF7, lr;
	s5 =	simm.s32 $0xFFFFFFFF;
	p2 =	slt.u32 s8, $0xFFFFF086  }
0x1c: {  	p1 =	slt.u32 s9, $0xF7A;
	s5 =	simm.s32 @!p2 $0x0  }
0x1d: {  	s5 =	simm.s32 @p1 $0x1;
	p0 =	seq.s32 s7, s2  }
0x1e: {  	s7 =	smul.u32 @!p0 $0xF7A, s2;
	p2 =	seq.s32 @!p0 s5, $0x0  }
0x1f: {  	s9 =	smul.u32 $0xF7A, s1;
	s8 =	simm.s32 @!p0 $0x1BF5;
	p2 =	por !p2, p0  }
0x20: {  	[sflag:s8] =	ssyncset.s32 @!p0 $0xFFFFF086;
	s6 =	sadd.s32 @!p0 s3, s7;
	s7 =	simm.s32 @!p0 $0x108  }
0x21: {  	s3 =	sadd.s32 s3, s9;
	s6 =	sadd.s32 @!p0 $0x88, s6;
	s7 =	simm.s32 @p2 $0x1082  }
0x22: {  	[simem:s7], [sflag:s8] =	dma.local @!p0 [hbm:s6], $0xF7A  }
0x23: {  	s9 =	sor.u32 $0xD0000000, s2;
	s6 =	simm.s32 $0x108;
	_ =	swait.ge @!p0 [sflag:s8], $0x0  }
0x24: {  	s3 =	sadd.s32 $0x88, s3;
	s6 =	simm.s32 @!p1 $0x1082;
	[sflag:s4] =	ssyncset.s32 $0xFFFFF086  }
0x25: {  	[simem:s6], [sflag:s4] =	dma.local [hbm:s3], $0xF7A  }
0x26: {  	[smem:$0x3F9F] =	sst s1;
	(tag) =	ssettag s2;
	_ =	strace s9  }
0x27: {  	s1 =	sld [smem:$0x3FAF]  }
0x28: {  	s2 =	sld [smem:$0x3FB0]  }
0x29: {  	s4 =	sld [smem:$0x3FB2]  }
0x2a: {  	p0 =	seq.s32 s5, $0x0;
	s5 =	sld [smem:$0x3FB3]  }
0x2b: {  	s6 =	sld [smem:$0x3FB4]  }
0x2c: {  	s7 =	sld [smem:$0x3FB5]  }
0x2d: {  	s3 =	simm.s32 $0x108;
	s8 =	sld [smem:$0x3FB6]  }
0x2e: {  	s3 =	simm.s32 @!p0 $0x1082;
	s9 =	sld [smem:$0x3FB7]  }
0x2f: {  	lr =	sadd.s32 s0, s3;
	s0 =	sld [smem:$0x3FAE]  }
0x30: {  	s3 =	sld [smem:$0x3FB1]  }
0x31: {  	[smem:$0x3FBA] =	sst s10  }
0x32: {  	s10 =	sld [smem:$0x3FB8];
	_ =	sdelay $0x3  }
0x33: {  	p0 =	seq.s32 s10, $0x1;
	s10 =	sld [smem:$0x3FBA];
	_ =	sdelay $0x3  }
0x34: {  	[smem:$0x3FBA] =	sst s10  }
0x35: {  	s10 =	sld [smem:$0x3FB9];
	_ =	sdelay $0x3  }
0x36: {  	p1 =	seq.s32 s10, $0x1;
	s10 =	sld [smem:$0x3FBA];
	_ =	sdelay $0x3  }
0x37: {  	[smem:$0x3FBA] =	sst s10  }
0x38: {  	s10 =	sld [smem:$0x3FBB]  }
0x39: {  	_ = 	snop;
	(pc) =	sbr.ind lr, $3  }
0x3a: {  	_ = 	snop  }
0x3b: {  	_ = 	snop  }
0x3c: {  	p2 =	seq.s32 s10, $0x1;
	s10 =	sld [smem:$0x3FBA]  }
0x3d: {  	_ =	shalt  }
0x3e: {  	_ =	shalt  }
0x3f: {  	_ =	shalt  }
0x40: {  	_ =	shalt  }
0x41: {  	_ =	shalt  }
0x42: {  	_ =	shalt  }
0x43: {  	_ =	shalt  }
0x44: {  	_ =	shalt  }
0x45: {  	_ =	shalt  }
0x46: {  	_ =	shalt  }
0x47: {  	_ =	shalt  }
0x48: {  	_ =	shalt  }
0x49: {  	_ =	shalt  }
0x4a: {  	_ =	shalt  }
0x4b: {  	_ =	shalt  }
0x4c: {  	_ =	shalt  }
0x4d: {  	_ =	shalt  }
0x4e: {  	_ =	shalt  }
0x4f: {  	_ =	shalt  }
0x50: {  	_ =	shalt  }
0x51: {  	_ =	shalt  }
0x52: {  	_ =	shalt  }
0x53: {  	_ =	shalt  }
0x54: {  	_ =	shalt  }
0x55: {  	_ =	shalt  }
0x56: {  	_ =	shalt  }
0x57: {  	_ =	shalt  }
0x58: {  	_ =	shalt  }
0x59: {  	_ =	shalt  }
0x5a: {  	_ =	shalt  }
0x5b: {  	_ =	shalt  }
0x5c: {  	_ =	shalt  }
0x5d: {  	_ =	shalt  }
0x5e: {  	_ =	shalt  }
0x5f: {  	_ =	shalt  }
0x60: {  	_ =	shalt  }
0x61: {  	_ =	shalt  }
0x62: {  	_ =	shalt  }
0x63: {  	_ =	shalt  }
0x64: {  	_ =	shalt  }
0x65: {  	_ =	shalt  }
0x66: {  	_ =	shalt  }
0x67: {  	_ =	shalt  }
0x68: {  	_ =	shalt  }
0x69: {  	_ =	shalt  }
0x6a: {  	_ =	shalt  }
0x6b: {  	_ =	shalt  }
0x6c: {  	_ =	shalt  }
0x6d: {  	_ =	shalt  }
0x6e: {  	_ =	shalt  }
0x6f: {  	_ =	shalt  }
0x70: {  	_ =	shalt  }
0x71: {  	_ =	shalt  }
0x72: {  	_ =	shalt  }
0x73: {  	_ =	shalt  }
0x74: {  	_ =	shalt  }
0x75: {  	_ =	shalt  }
0x76: {  	_ =	shalt  }
0x77: {  	_ =	shalt  }
0x78: {  	_ =	shalt  }
0x79: {  	_ =	shalt  }
0x7a: {  	_ =	shalt  }
0x7b: {  	_ =	shalt  }
0x7c: {  	_ =	shalt  }
0x7d: {  	_ =	shalt  }
0x7e: {  	_ =	shalt  }
0x7f: {  	_ =	shalt  }
0x80: {  	_ =	shalt  }
0x81: {  	_ =	shalt  }
0x82: {  	_ =	shalt  }
0x83: {  	_ =	shalt  }
0x84: {  	_ =	shalt  }
0x85: {  	_ =	shalt  }
0x86: {  	_ =	shalt  }
0x87: {  	_ =	shalt  }
.Lfunc_end0:
.L_simem_size_0:
called_computation_lowered:
.L_overlay_start_0:
0x88: {  	s2 =	sld [smem:$0x3FD9]  }
0x89: {  	s3 =	sld [smem:$0x3FFE];
	_ =	sdelay $0x1  }
0x8a: {  	s1 =	srdreg.scid  }
0x8b: {  	s0 =	sand.u32 $0x1, s1  }
0x8c: {  	s17 =	sshll.u32 s0, $0xA;
	s2 =	sadd.s32 s3, s2  }
0x8d: {  	s2 =	sadd.s32 s2, s17  }
0x8e: {  	[smem:$0x3FC6] =	sst s2  }
0x8f: {  	_ = 	snop  }
0x90: {  	s2 =	sld [smem:$0x3FC9]  }
0x91: {  	s18 =	sld [smem:$0x3FC8];
	(tm) =	ssettm $0x1  }
0x92: {  	s4 =	sld [smem:$0x3FFB];
	_ =	sdelay $0x3  }
0x93: {  	_ =	strace s4  }
0x94: {  	s4 =	sld [smem:$0x3FFC];
	_ =	sdelay $0x3  }
0x95: {  	_ =	strace s4  }
0x96: {  	s4 =	sld [smem:$0x3FFD];
	_ =	sdelay $0x3  }
0x97: {  	_ =	strace s4  }
0x98: {  	_ =	strace $0x8FFFFFFF  }
0x99: {  	s19 =	sld [smem:$0x3FDB];
	_ =	sdelay $0x1  }
0x9a: {  	s5 =	simm.s32 $_scs_section_size  }
0x9b: {  	s6 =	simm.s32 $_size__tile_overlayer_lowered;
	s7 =	simm.s32 $_tile_overlayer_lowered  }
0x9c: {  	s22 =	simm.s32 $0x1BFF;
	s21 =	sshll.u32 s7, $0x1;
	s4 =	sadd.s32 s5, s19  }
0x9d: {  	s8 =	simm.s32 $0x0;
	s20 =	sshll.u32 s6, $0x1;
	s6 =	sadd.s32 s21, s4  }
0x9e: {  	[timem:s8], [sflag:s22] =	dma.local [hbm:s6], s20  }
0x9f: {  	_ =	swait.ge [sflag:s22], s20  }
0xa0: {  	s5 =	ssub.s32 $0x0, s20;
	[sflag:s22] =	ssyncset.done $0x0  }
0xa1: {  	[sflag:s22] =	ssyncadd.s32 s5;
	_ =	sdelay $0x1  }
0xa2: {  	s23 =	simm.s32 $0x1B8B  }
0xa3: {  	_ =	swait.ge [sflag:s23], $0x1  }
0xa4: {  	[sflag:s23] =	ssyncset.done $0x0  }
0xa5: {  	s25 =	simm.s32 $0x1B8E;
	s24 =	sld [smem:$0x3FFE];
	[sflag:s23] =	ssyncadd.s32 $0xFFFFFFFF  }
0xa6: {  	s26 =	simm.s32 $execute0_lowered;
	[smem:$0x3FD2] =	sst s25  }
0xa7: {  	s6 =	sshll.u32 s26, $0x1;
	_ =	strace $0x80000046;
	[dreg:$0x1] =	wrdreg $0xFFFFFFFF  }
0xa8: {  	s28 =	simm.s32 $_size_execute0_lowered;
	s4 =	sadd.s32 s4, s6;
	[dreg:$0x0] =	wrdreg $0x0  }
0xa9: {  	s6 =	sshll.u32 s28, $0x1;
	[dreg:$0x2] =	wrdreg s4  }
0xaa: {  	[dreg:$0x3] =	wrdreg s6  }
0xab: {  	[dreg:$0x4] =	wrdreg $0xC0  }
0xac: {  	_ =	task [dreg:s8], $0x5FFFF  }
0xad: {  	[dreg:$0x1] =	wrdreg $0xFFFFFFFF  }
0xae: {  	[dreg:$0x0] =	wrdreg $0x60  }
0xaf: {  	[dreg:$0x2] =	wrdreg s18  }
0xb0: {  	[dreg:$0x3] =	wrdreg s2  }
0xb1: {  	[dreg:$0x4] =	wrdreg s24  }
0xb2: {  	[dreg:$0x5] =	wrdreg $0x9  }
0xb3: {  	_ =	task.clear_ibuf [dreg:s8], $0x6FFFF;
	_ =	strace $0x90000046  }
0xb4: {  	s29 =	simm.s32 $0x9;
	_ =	strace $0x80000048  }
0xb5: {  	_ =	swait.ge [sflag:s29], $0x1  }
0xb6: {  	[sflag:s29] =	ssyncadd.s32 $0xFFFFFFFF  }
0xb7: {  	_ =	strace $0x90000048  }
0xb8: {  	_ =	sfence  }
0xb9: {  	s30 =	sld [smem:$0x0];
	_ =	sdelay $0x2  }
0xba: {  	s31 =	sshll.u32 s1, $0xD;
	s1 =	sshrl.u32 s1, $0x2  }
0xbb: {  	s3 =	sand.u32 $0x4000, s31;
	s1 =	sadd.s32 s1, s30  }
0xbc: {  	s0 =	sor.u32 s3, s0;
	s1 =	sshll.u32 s1, $0x11  }
0xbd: {  	s0 =	sor.u32 s1, s0  }
0xbe: {  	s0 =	sadd.s32 $0x8F2B, s0  }
0xbf: {  	[sflag:s0] =	ssyncadd.remote.s32 $0x1  }
0xc0: {  	_ =	sfence.sel $0xFFFF  }
0xc1: {  	[dreg:$0x0] =	wrdreg $0xFFFFFFFF;
	(pc) =	sbr.abs _section_cstart, $3  }
0xc2: {  	[dreg:$0x1] =	wrdreg $0xFFFFFFFF  }
0xc3: {  	_ =	task.clear_ibuf [dreg:s8], $0x2FFFF;
	_ =	strace $0x9FFFFFFF  }
0xc4: {  	(tm) =	ssettm $0x7FFFFFFF  }
0xc5: {  	_ =	shalt  }
tec
execute0_lowered:
.L_overlay_start_1:
0x0: {  	(tag) =	ssettag $0x1  }
0x1: {  	s1 =	rddreg [dreg:$0x0]  }
0x2: {  	s0 =	rddreg [dreg:$0x1]  }
0x3: {  	s2 =	rddreg [dreg:$0x2];
	s3 =	simm.s32 $0x0;
	s5 =	stileid.u32  }
0x4: {  	s4 =	srdreg.scid;
	s23 =	simm.s32 $0x1;
	s9 =	simm.s32 $0x400  }
0x5: {  	s10 =	simm.s32 $0x7A1400;
	s28 =	simm.s32 $0xC200;
	s8 =	simm.s32 $0xE200  }
0x6: {  	s11 =	simm.s32 $0x10200;
	s12 =	simm.s32 $0x12200;
	s19 =	simm.s32 $0x200  }
0x7: {  	s22 =	simm.s32 $0x2;
	s21 =	simm.s32 $0x3;
	s13 =	simm.s32 $0x4200  }
0x8: {  	s18 =	simm.s32 $0x6200;
	s15 =	simm.s32 $0x8200;
	s16 =	simm.s32 $0x4  }
0x9: {  	s24 =	simm.s32 $0x6;
	s25 =	simm.s32 $0x7;
	s17 =	simm.s32 $0x10200  }
0xa: {  	s14 =	simm.s32 $0x12200;
	[smem:$0x7FF] =	sst s3;
	s26 =	sshll.u32 s5, $0xE  }
0xb: {  	s29 =	sand.u32 $0x1, s4;
	s5 =	sshll.u32 s5, $0xA;
	_ =	strace $0x80000047  }
0xc: {  	s2 =	sadd.s32 s26, s2;
	s4 =	ssub.s32 $0x2, s29;
	s6 =	sshll.u32 s29, $0x9  }
0xd: {  	s3 =	sshll.u32 s29, $0xD;
	s26 =	simm.s32 $0x8;
	s7 =	sshrl.u32 s4, $0x1  }
0xe: {  	s5 =	sor.u32 s6, s5;
	s2 =	sadd.s32 s3, s2;
	s6 =	simm.s32 $0x8200  }
0xf: {  	v0 =	vlaneseq.u32;
	s4 =	ssub.s32 s4, s7;
	s5 =	sshrl.u32 s5, $0x3;
	s31 =	sadd.s32 $0xFFFFFD00, s2  }
0x10: {  	v1 =	vmul.u32 $0x80, v0;
	s7 =	simm.s32 $0xA200;
	s0 =	sadd.s32 s0, s5;
	[dreg:$0x6] =	wrdreg s31  }
0x11: {  	v3 =	vor.u32 $0x10, v0;
	v5 =	vor.u32 $0x20, v0;
	v7 =	vor.u32 $0x30, v0;
	s2 =	simm.s32 $0x0;
	s30 =	smax.u32 s4, $0x1;
	[dreg:$0x4] =	wrdreg s0  }
0x12: {  	v2 =	vor.u32 $0x800, v1;
	v4 =	vor.u32 $0x1000, v1;
	v6 =	vor.u32 $0x1800, v1;
	s4 =	simm.s32 $0x4200;
	s5 =	simm.s32 $0x6200;
	[dreg:$0x5] =	wrdreg s30  }
.LBB2_1:
0x13: {  	[dreg:$0x7] =	wrdreg s2  }
0x14: {  	s0 =	simm.s32 $0x0;
	s20 =	rddreg [dreg:$0x4];
	s3 =	simm.s32 $0x9  }
0x15: {  	[tilespmem:s0], [sflag:$0x9] =	stream.linear.gather [hbm4b:s20+s0], $0x200, $0x38;
	[tilespmem:$0x14200] =	vst v63  }
0x16: {  	_ =	swait.ge [sflag:s3], $0x200  }
0x17: {  	[sflag:s3] =	ssyncset.done $0x0  }
0x18: {  	[sflag:s3] =	ssyncadd.s32 $0xFFFFFE00  }
0x19: {  	v8 =	vld [tilespmem:$0x0];
	_ =	sdelay $0x4  }
0x1a: {  	(v2sf) =	vpush v8, $0x0;
	_ =	sdelay $0xa  }
0x1b: {  	(v2sf) =	vpush v8, $0x1;
	_ =	sdelay $0x3  }
0x1c: {  	s0 =	spop (v2sf)  }
0x1d: {  	s20 =	sand.u32 $0x7F, s0  }
0x1e: {  	s3 =	sshra.s32 s0, $0x1F;
	p0 =	slt.s32 s0, $0x1;
	p1 =	sne.s32 s20, $0x0  }
0x1f: {  	(v2sf) =	vpush v8, $0x2;
	s3 =	sshrl.u32 s3, $0x19;
	p0 =	por !p0, !p1  }
0x20: {  	s2 =	simm.s32 $0x1;
	s0 =	sadd.s32 s3, s0;
	p0 =	por !p0, !p0  }
0x21: {  	s0 =	sshrl.u32 s0, $0x7;
	s2 =	simm.s32 @!p0 $0x0  }
0x22: {  	s0 =	ssub.s32 s0, s2  }
0x23: {  	s0 =	sshll.u32 s0, $0x7  }
0x24: {  	s0 =	sand.u32 $0x1FFFFF80, s0  }
0x25: {  	s0 =	sadd.s32 s1, s0  }
0x26: {  	[tilespmem:s4], [sflag:$0x1] =	stream.strided.gather [hbm4b:s0+s9], $0x2000, s10, s9, $0x38;
	[tilespmem:$0x14200] =	vst v63  }
0x27: {  	s0 =	spop (v2sf)  }
0x28: {  	(v2sf) =	vpush v8, $0x3;
	s4 =	sand.u32 $0x7F, s0  }
0x29: {  	s20 =	sshra.s32 s0, $0x1F;
	p5 =	slt.s32 s0, $0x1;
	p6 =	sne.s32 s4, $0x0  }
0x2a: {  	s4 =	sshrl.u32 s20, $0x19;
	p0 =	por !p5, !p6  }
0x2b: {  	s2 =	simm.s32 $0x1;
	s0 =	sadd.s32 s4, s0;
	p0 =	por !p0, !p0  }
0x2c: {  	s0 =	sshrl.u32 s0, $0x7;
	s2 =	simm.s32 @!p0 $0x0  }
0x2d: {  	s0 =	ssub.s32 s0, s2  }
0x2e: {  	s20 =	spop (v2sf);
	s0 =	sshll.u32 s0, $0x7  }
0x2f: {  	s3 =	sand.u32 $0x7F, s20;
	s4 =	sshra.s32 s20, $0x1F;
	s0 =	sand.u32 $0x1FFFFF80, s0  }
0x30: {  	p1 =	slt.s32 s20, $0x1;
	p2 =	sne.s32 s3, $0x0;
	s0 =	sadd.s32 s1, s0  }
0x31: {  	(v2sf) =	vpush v8, $0x4;
	[tilespmem:s5], [sflag:$0x2] =	stream.strided.gather [hbm4b:s0+s9], $0x2000, s10, s9, $0x38;
	[tilespmem:$0x14200] =	vst v63  }
0x32: {  	p0 =	por !p1, !p2;
	s5 =	sshrl.u32 s4, $0x19  }
0x33: {  	s2 =	simm.s32 $0x1;
	p0 =	por !p0, !p0;
	s0 =	sadd.s32 s5, s20  }
0x34: {  	s2 =	simm.s32 @!p0 $0x0;
	s0 =	sshrl.u32 s0, $0x7  }
0x35: {  	s0 =	ssub.s32 s0, s2  }
0x36: {  	s0 =	sshll.u32 s0, $0x7  }
0x37: {  	s0 =	sand.u32 $0x1FFFFF80, s0;
	s20 =	spop (v2sf)  }
0x38: {  	s0 =	sadd.s32 s1, s0;
	s3 =	sand.u32 $0x7F, s20  }
0x39: {  	(v2sf) =	vpush v8, $0x5;
	[tilespmem:s6], [sflag:$0x3] =	stream.strided.gather [hbm4b:s0+s9], $0x2000, s10, s9, $0x38;
	[tilespmem:$0x14200] =	vst v63  }
0x3a: {  	s4 =	sshra.s32 s20, $0x1F;
	p3 =	slt.s32 s20, $0x1;
	p4 =	sne.s32 s3, $0x0  }
0x3b: {  	s5 =	sshrl.u32 s4, $0x19;
	p0 =	por !p3, !p4  }
0x3c: {  	s2 =	simm.s32 $0x1;
	s0 =	sadd.s32 s5, s20;
	p0 =	por !p0, !p0  }
0x3d: {  	s0 =	sshrl.u32 s0, $0x7;
	s2 =	simm.s32 @!p0 $0x0  }
0x3e: {  	s0 =	ssub.s32 s0, s2  }
0x3f: {  	s0 =	sshll.u32 s0, $0x7  }
0x40: {  	s6 =	spop (v2sf);
	(v2sf) =	vpush v8, $0x6;
	s0 =	sand.u32 $0x1FFFFF80, s0  }
0x41: {  	s0 =	sadd.s32 s1, s0  }
0x42: {  	[tilespmem:s7], [sflag:$0x4] =	stream.strided.gather [hbm4b:s0+s9], $0x2000, s10, s9, $0x38;
	[tilespmem:$0x14200] =	vst v63  }
0x43: {  	s7 =	sand.u32 $0x7F, s6  }
0x44: {  	s20 =	sshra.s32 s6, $0x1F;
	p5 =	slt.s32 s6, $0x1;
	p6 =	sne.s32 s7, $0x0  }
0x45: {  	s3 =	sshrl.u32 s20, $0x19;
	p0 =	por !p5, !p6  }
0x46: {  	s2 =	simm.s32 $0x1;
	s0 =	sadd.s32 s3, s6;
	p0 =	por !p0, !p0  }
0x47: {  	s0 =	sshrl.u32 s0, $0x7;
	s2 =	simm.s32 @!p0 $0x0  }
0x48: {  	s0 =	ssub.s32 s0, s2;
	s4 =	spop (v2sf)  }
0x49: {  	s0 =	sshll.u32 s0, $0x7;
	s5 =	sand.u32 $0x7F, s4;
	s6 =	sshra.s32 s4, $0x1F  }
0x4a: {  	(v2sf) =	vpush v8, $0x7;
	p1 =	slt.s32 s4, $0x1;
	s0 =	sand.u32 $0x1FFFFF80, s0;
	p2 =	sne.s32 s5, $0x0  }
0x4b: {  	s7 =	sshrl.u32 s6, $0x19;
	s0 =	sadd.s32 s1, s0;
	p0 =	por !p1, !p2  }
0x4c: {  	[tilespmem:s28], [sflag:$0x5] =	stream.strided.gather [hbm4b:s0+s9], $0x2000, s10, s9, $0x38;
	[tilespmem:$0x14200] =	vst v63  }
0x4d: {  	s2 =	simm.s32 $0x1;
	s0 =	sadd.s32 s7, s4;
	p0 =	por !p0, !p0  }
0x4e: {  	s0 =	sshrl.u32 s0, $0x7;
	s2 =	simm.s32 @!p0 $0x0  }
0x4f: {  	s20 =	spop (v2sf);
	s0 =	ssub.s32 s0, s2  }
0x50: {  	s4 =	sand.u32 $0x7F, s20;
	s5 =	sshra.s32 s20, $0x1F;
	s0 =	sshll.u32 s0, $0x7  }
0x51: {  	p3 =	slt.s32 s20, $0x1;
	p4 =	sne.s32 s4, $0x0;
	s0 =	sand.u32 $0x1FFFFF80, s0  }
0x52: {  	s6 =	sshrl.u32 s5, $0x19;
	p0 =	por !p3, !p4;
	s0 =	sadd.s32 s1, s0  }
0x53: {  	[tilespmem:s8], [sflag:$0x6] =	stream.strided.gather [hbm4b:s0+s9], $0x2000, s10, s9, $0x38;
	[tilespmem:$0x14200] =	vst v63  }
0x54: {  	s2 =	simm.s32 $0x1;
	p0 =	por !p0, !p0;
	s0 =	sadd.s32 s6, s20  }
0x55: {  	s2 =	simm.s32 @!p0 $0x0;
	s0 =	sshrl.u32 s0, $0x7  }
0x56: {  	s0 =	ssub.s32 s0, s2  }
0x57: {  	s0 =	sshll.u32 s0, $0x7  }
0x58: {  	s0 =	sand.u32 $0x1FFFFF80, s0  }
0x59: {  	s0 =	sadd.s32 s1, s0;
	s7 =	spop (v2sf)  }
0x5a: {  	[tilespmem:s11], [sflag:$0x7] =	stream.strided.gather [hbm4b:s0+s9], $0x2000, s10, s9, $0x38;
	[tilespmem:$0x14200] =	vst v63  }
0x5b: {  	s8 =	sand.u32 $0x7F, s7  }
0x5c: {  	s11 =	sshra.s32 s7, $0x1F;
	p5 =	slt.s32 s7, $0x1;
	p6 =	sne.s32 s8, $0x0  }
0x5d: {  	s20 =	sshrl.u32 s11, $0x19;
	p0 =	por !p5, !p6  }
0x5e: {  	s2 =	simm.s32 $0x1;
	s0 =	sadd.s32 s20, s7;
	p0 =	por !p0, !p0  }
0x5f: {  	s0 =	sshrl.u32 s0, $0x7;
	s2 =	simm.s32 @!p0 $0x0  }
0x60: {  	s0 =	ssub.s32 s0, s2  }
0x61: {  	s0 =	sshll.u32 s0, $0x7  }
0x62: {  	s29 =	simm.s32 $0x0;
	s0 =	sand.u32 $0x1FFFFF80, s0  }
0x63: {  	s31 =	simm.s32 $0x0;
	s30 =	rddreg [dreg:$0x6];
	s0 =	sadd.s32 s1, s0  }
0x64: {  	[tilespmem:s12], [sflag:$0x8] =	stream.strided.gather [hbm4b:s0+s9], $0x2000, s10, s9, $0x38;
	[tilespmem:$0x14200] =	vst v63  }
.LBB2_2:
0x65: {  	s0 =	sshra.s32 s29, $0x2  }
0x66: {  	v9 =	vld [tilespmem:s0+$0x0]  }
0x67: {  	s29 =	sadd.s32 $0x40, s29  }
0x68: {  	s7 =	sand.u32 $0x7C0, s29  }
0x69: {  	[dreg:$0x9] =	wrdreg s31;
	s0 =	sshrl.u32 s7, $0x2  }
0x6a: {  	v8 =	vld [tilespmem:s0+$0x0];
	_ =	swait.ge [sflag:s23], $0x2000  }
0x6b: {  	(v2sf) =	vpush v9, $0x0;
	_ =	sdelay $0xe  }
0x6c: {  	s8 =	spop (v2sf)  }
0x6d: {  	s4 =	sand.u32 $0x7F, s8  }
0x6e: {  	v10 =	vor.u32 s4, v1  }
0x6f: {  	(v2sf) =	vpush v9, $0x8;
	_ =	sdelay $0x1  }
0x70: {  	s11 =	sand.u32 $0x7, s31;
	[sflag:s23] =	ssyncset.done $0x0  }
0x71: {  	s2 =	sshll.u32 s11, $0xB;
	[sflag:s23] =	ssyncadd.s32 $0xFFFFE000  }
0x72: {  	v11 =	vor.u32 s2, v0;
	v10 =	vld.idx.msk [tilespmem:v10+s13+$0x0], $0xffff  }
0x73: {  	v12 =	vor.u32 s4, v2;
	_ =	sdelay $0x3  }
0x74: {  	[tilespmem:v11+s19+$0x0] =	vst.idx.msk $0xffff, v10  }
0x75: {  	v39 =	vor.u32 s2, v3;
	v10 =	vld.idx.msk [tilespmem:v12+s13+$0x0], $0xffff  }
0x76: {  	v40 =	vor.u32 s4, v4;
	_ =	sdelay $0x3  }
0x77: {  	s3 =	spop (v2sf);
	[tilespmem:v39+s19+$0x0] =	vst.idx.msk $0xffff, v10  }
0x78: {  	v41 =	vor.u32 s2, v5;
	s5 =	sshra.s32 s3, $0x1F;
	v10 =	vld.idx.msk [tilespmem:v40+s13+$0x0], $0xffff  }
0x79: {  	v42 =	vor.u32 s4, v6;
	s12 =	sshrl.u32 s5, $0x19  }
0x7a: {  	s4 =	sadd.s32 s12, s3  }
0x7b: {  	s20 =	sand.u32 $0xFFFFFF80, s4  }
0x7c: {  	p0 =	slt.s32 s3, $0x1;
	p1 =	sne.s32 s3, s20  }
0x7d: {  	p0 =	por !p0, !p1;
	[tilespmem:v41+s19+$0x0] =	vst.idx.msk $0xffff, v10  }
0x7e: {  	v43 =	vor.u32 s2, v7;
	s5 =	simm.s32 $0x1;
	p0 =	por !p0, !p0;
	v10 =	vld.idx.msk [tilespmem:v42+s13+$0x0], $0xffff  }
0x7f: {  	s4 =	sshrl.u32 s4, $0x7;
	s5 =	simm.s32 @!p0 $0x0  }
0x80: {  	s4 =	ssub.s32 s4, s5  }
0x81: {  	s4 =	sshll.u32 s4, $0x7  }
0x82: {  	s4 =	sand.u32 $0x1FFFFF80, s4  }
0x83: {  	[dreg:$0x8] =	wrdreg s11;
	s4 =	sadd.s32 s1, s4;
	[tilespmem:v43+s19+$0x0] =	vst.idx.msk $0xffff, v10  }
0x84: {  	[tilespmem:s13], [sflag:$0x1] =	stream.strided.gather [hbm4b:s4+s9], $0x2000, s10, s9, $0x38;
	[tilespmem:$0x14200] =	vst v63  }
0x85: {  	_ =	swait.ge [sflag:s22], $0x2000  }
0x86: {  	(v2sf) =	vpush v9, $0x1;
	_ =	sdelay $0xe  }
0x87: {  	s23 =	spop (v2sf)  }
0x88: {  	s0 =	sand.u32 $0x7F, s23  }
0x89: {  	v44 =	vor.u32 s0, v1  }
0x8a: {  	(v2sf) =	vpush v9, $0x9;
	_ =	sdelay $0x1  }
0x8b: {  	[sflag:s22] =	ssyncset.done $0x0  }
0x8c: {  	s6 =	sor.u32 $0x80, s2;
	[sflag:s22] =	ssyncadd.s32 $0xFFFFE000  }
0x8d: {  	v45 =	vor.u32 s6, v0;
	v10 =	vld.idx.msk [tilespmem:v44+s18+$0x0], $0xffff  }
0x8e: {  	v46 =	vor.u32 s0, v2;
	_ =	sdelay $0x3  }
0x8f: {  	[tilespmem:v45+s19+$0x0] =	vst.idx.msk $0xffff, v10  }
0x90: {  	v47 =	vor.u32 s6, v3;
	v10 =	vld.idx.msk [tilespmem:v46+s18+$0x0], $0xffff  }
0x91: {  	v48 =	vor.u32 s0, v4;
	_ =	sdelay $0x3  }
0x92: {  	s4 =	spop (v2sf);
	[tilespmem:v47+s19+$0x0] =	vst.idx.msk $0xffff, v10  }
0x93: {  	v49 =	vor.u32 s6, v5;
	s7 =	sshra.s32 s4, $0x1F;
	v10 =	vld.idx.msk [tilespmem:v48+s18+$0x0], $0xffff  }
0x94: {  	v50 =	vor.u32 s0, v6;
	s8 =	sshrl.u32 s7, $0x19  }
0x95: {  	s5 =	sadd.s32 s8, s4  }
0x96: {  	s11 =	sand.u32 $0xFFFFFF80, s5  }
0x97: {  	p1 =	slt.s32 s4, $0x1;
	p2 =	sne.s32 s4, s11  }
0x98: {  	p0 =	por !p1, !p2;
	[tilespmem:v49+s19+$0x0] =	vst.idx.msk $0xffff, v10  }
0x99: {  	v51 =	vor.u32 s6, v7;
	s6 =	simm.s32 $0x1;
	p0 =	por !p0, !p0;
	v10 =	vld.idx.msk [tilespmem:v50+s18+$0x0], $0xffff  }
0x9a: {  	s5 =	sshrl.u32 s5, $0x7;
	s6 =	simm.s32 @!p0 $0x0  }
0x9b: {  	s5 =	ssub.s32 s5, s6  }
0x9c: {  	s5 =	sshll.u32 s5, $0x7  }
0x9d: {  	s5 =	sand.u32 $0x1FFFFF80, s5  }
0x9e: {  	s5 =	sadd.s32 s1, s5;
	[tilespmem:v51+s19+$0x0] =	vst.idx.msk $0xffff, v10  }
0x9f: {  	[tilespmem:s18], [sflag:$0x2] =	stream.strided.gather [hbm4b:s5+s9], $0x2000, s10, s9, $0x38;
	[tilespmem:$0x14200] =	vst v63  }
0xa0: {  	_ =	swait.ge [sflag:s21], $0x2000  }
0xa1: {  	(v2sf) =	vpush v9, $0x2;
	_ =	sdelay $0xe  }
0xa2: {  	s12 =	spop (v2sf)  }
0xa3: {  	s20 =	sand.u32 $0x7F, s12  }
0xa4: {  	v52 =	vor.u32 s20, v1  }
0xa5: {  	(v2sf) =	vpush v9, $0xA;
	_ =	sdelay $0x1  }
0xa6: {  	[sflag:s21] =	ssyncset.done $0x0  }
0xa7: {  	s22 =	sor.u32 $0x100, s2;
	[sflag:s21] =	ssyncadd.s32 $0xFFFFE000  }
0xa8: {  	v53 =	vor.u32 s22, v0;
	v10 =	vld.idx.msk [tilespmem:v52+s15+$0x0], $0xffff  }
0xa9: {  	v54 =	vor.u32 s20, v2;
	_ =	sdelay $0x3  }
0xaa: {  	[tilespmem:v53+s19+$0x0] =	vst.idx.msk $0xffff, v10  }
0xab: {  	v55 =	vor.u32 s22, v3;
	v10 =	vld.idx.msk [tilespmem:v54+s15+$0x0], $0xffff  }
0xac: {  	v56 =	vor.u32 s20, v4;
	_ =	sdelay $0x3  }
0xad: {  	s5 =	spop (v2sf);
	[tilespmem:v55+s19+$0x0] =	vst.idx.msk $0xffff, v10  }
0xae: {  	v57 =	vor.u32 s22, v5;
	s8 =	sshra.s32 s5, $0x1F;
	v10 =	vld.idx.msk [tilespmem:v56+s15+$0x0], $0xffff  }
0xaf: {  	v58 =	vor.u32 s20, v6;
	s23 =	sshrl.u32 s8, $0x19  }
0xb0: {  	s6 =	sadd.s32 s23, s5  }
0xb1: {  	s0 =	sand.u32 $0xFFFFFF80, s6  }
0xb2: {  	p3 =	slt.s32 s5, $0x1;
	p4 =	sne.s32 s5, s0  }
0xb3: {  	p0 =	por !p3, !p4;
	[tilespmem:v57+s19+$0x0] =	vst.idx.msk $0xffff, v10  }
0xb4: {  	v59 =	vor.u32 s22, v7;
	s7 =	simm.s32 $0x1;
	p0 =	por !p0, !p0;
	v10 =	vld.idx.msk [tilespmem:v58+s15+$0x0], $0xffff  }
0xb5: {  	s6 =	sshrl.u32 s6, $0x7;
	s7 =	simm.s32 @!p0 $0x0  }
0xb6: {  	s6 =	ssub.s32 s6, s7  }
0xb7: {  	s6 =	sshll.u32 s6, $0x7  }
0xb8: {  	s6 =	sand.u32 $0x1FFFFF80, s6  }
0xb9: {  	s6 =	sadd.s32 s1, s6;
	[tilespmem:v59+s19+$0x0] =	vst.idx.msk $0xffff, v10  }
0xba: {  	[tilespmem:s15], [sflag:$0x3] =	stream.strided.gather [hbm4b:s6+s9], $0x2000, s10, s9, $0x38;
	[tilespmem:$0x14200] =	vst v63  }
0xbb: {  	_ =	swait.ge [sflag:s16], $0x2000  }
0xbc: {  	(v2sf) =	vpush v9, $0x3;
	_ =	sdelay $0xe  }
0xbd: {  	s10 =	spop (v2sf)  }
0xbe: {  	s11 =	sand.u32 $0x7F, s10  }
0xbf: {  	v60 =	vor.u32 s11, v1  }
0xc0: {  	(v2sf) =	vpush v9, $0xB;
	_ =	sdelay $0x1  }
0xc1: {  	[sflag:s16] =	ssyncset.done $0x0  }
0xc2: {  	s12 =	sor.u32 $0x180, s2;
	s9 =	simm.s32 $0xA200;
	[sflag:s16] =	ssyncadd.s32 $0xFFFFE000  }
0xc3: {  	v61 =	vor.u32 s12, v0;
	v10 =	vld.idx.msk [tilespmem:v60+s9+$0x0], $0xffff  }
0xc4: {  	v62 =	vor.u32 s11, v2;
	_ =	sdelay $0x3  }
0xc5: {  	[tilespmem:v61+s19+$0x0] =	vst.idx.msk $0xffff, v10  }
0xc6: {  	v63 =	vor.u32 s12, v3;
	v10 =	vld.idx.msk [tilespmem:v62+s9+$0x0], $0xffff  }
0xc7: {  	v16 =	vor.u32 s11, v4;
	_ =	sdelay $0x3  }
0xc8: {  	s6 =	spop (v2sf);
	[tilespmem:v63+s19+$0x0] =	vst.idx.msk $0xffff, v10  }
0xc9: {  	v17 =	vor.u32 s12, v5;
	s20 =	sshra.s32 s6, $0x1F;
	v10 =	vld.idx.msk [tilespmem:v16+s9+$0x0], $0xffff  }
0xca: {  	v18 =	vor.u32 s11, v6;
	s20 =	sshrl.u32 s20, $0x19  }
0xcb: {  	s7 =	sadd.s32 s20, s6  }
0xcc: {  	s21 =	sand.u32 $0xFFFFFF80, s7  }
0xcd: {  	p5 =	slt.s32 s6, $0x1;
	p6 =	sne.s32 s6, s21  }
0xce: {  	p0 =	por !p5, !p6;
	[tilespmem:v17+s19+$0x0] =	vst.idx.msk $0xffff, v10  }
0xcf: {  	v19 =	vor.u32 s12, v7;
	s8 =	simm.s32 $0x1;
	p0 =	por !p0, !p0;
	v10 =	vld.idx.msk [tilespmem:v18+s9+$0x0], $0xffff  }
0xd0: {  	s7 =	sshrl.u32 s7, $0x7;
	s8 =	simm.s32 @!p0 $0x0  }
0xd1: {  	s7 =	ssub.s32 s7, s8  }
0xd2: {  	s7 =	sshll.u32 s7, $0x7  }
0xd3: {  	s0 =	simm.s32 $0x7A1400;
	s7 =	sand.u32 $0x1FFFFF80, s7  }
0xd4: {  	s10 =	simm.s32 $0x400;
	s11 =	simm.s32 $0x5;
	s7 =	sadd.s32 s1, s7;
	[tilespmem:v19+s19+$0x0] =	vst.idx.msk $0xffff, v10  }
0xd5: {  	[tilespmem:s9], [sflag:$0x4] =	stream.strided.gather [hbm4b:s7+s10], $0x2000, s0, s10, $0x38;
	[tilespmem:$0x14200] =	vst v63  }
0xd6: {  	_ =	swait.ge [sflag:s11], $0x2000  }
0xd7: {  	(v2sf) =	vpush v9, $0x4;
	_ =	sdelay $0xe  }
0xd8: {  	s22 =	spop (v2sf)  }
0xd9: {  	s23 =	sand.u32 $0x7F, s22  }
0xda: {  	v20 =	vor.u32 s23, v1  }
0xdb: {  	(v2sf) =	vpush v9, $0xC;
	_ =	sdelay $0x1  }
0xdc: {  	[sflag:s11] =	ssyncset.done $0x0  }
0xdd: {  	s12 =	sor.u32 $0x200, s2;
	[sflag:s11] =	ssyncadd.s32 $0xFFFFE000  }
0xde: {  	v21 =	vor.u32 s12, v0;
	v10 =	vld.idx.msk [tilespmem:v20+s28+$0x0], $0xffff  }
0xdf: {  	v22 =	vor.u32 s23, v2;
	_ =	sdelay $0x3  }
0xe0: {  	[tilespmem:v21+s19+$0x0] =	vst.idx.msk $0xffff, v10  }
0xe1: {  	v23 =	vor.u32 s12, v3;
	v10 =	vld.idx.msk [tilespmem:v22+s28+$0x0], $0xffff  }
0xe2: {  	v24 =	vor.u32 s23, v4;
	_ =	sdelay $0x3  }
0xe3: {  	s7 =	spop (v2sf);
	[tilespmem:v23+s19+$0x0] =	vst.idx.msk $0xffff, v10  }
0xe4: {  	v25 =	vor.u32 s12, v5;
	v10 =	vld.idx.msk [tilespmem:v24+s28+$0x0], $0xffff;
	s28 =	sshra.s32 s7, $0x1F  }
0xe5: {  	v26 =	vor.u32 s23, v6;
	s21 =	sshrl.u32 s28, $0x19  }
0xe6: {  	s8 =	sadd.s32 s21, s7  }
0xe7: {  	s28 =	sand.u32 $0xFFFFFF80, s8  }
0xe8: {  	p1 =	slt.s32 s7, $0x1;
	p2 =	sne.s32 s7, s28  }
0xe9: {  	s31 =	simm.s32 $0xC200;
	[tilespmem:v25+s19+$0x0] =	vst.idx.msk $0xffff, v10;
	p0 =	por !p1, !p2  }
0xea: {  	v27 =	vor.u32 s12, v7;
	s20 =	simm.s32 $0x1;
	v10 =	vld.idx.msk [tilespmem:v26+s31+$0x0], $0xffff;
	p0 =	por !p0, !p0  }
0xeb: {  	s8 =	sshrl.u32 s8, $0x7;
	s20 =	simm.s32 @!p0 $0x0  }
0xec: {  	s8 =	ssub.s32 s8, s20  }
0xed: {  	s8 =	sshll.u32 s8, $0x7  }
0xee: {  	s8 =	sand.u32 $0x1FFFFF80, s8  }
0xef: {  	[tilespmem:v27+s19+$0x0] =	vst.idx.msk $0xffff, v10;
	s8 =	sadd.s32 s1, s8  }
0xf0: {  	[tilespmem:s31], [sflag:$0x5] =	stream.strided.gather [hbm4b:s8+s10], $0x2000, s0, s10, $0x38;
	[tilespmem:$0x14200] =	vst v63  }
0xf1: {  	_ =	swait.ge [sflag:s24], $0x2000  }
0xf2: {  	(v2sf) =	vpush v9, $0x5;
	_ =	sdelay $0xe  }
0xf3: {  	s22 =	spop (v2sf)  }
0xf4: {  	s8 =	sand.u32 $0x7F, s22  }
0xf5: {  	v28 =	vor.u32 s8, v1  }
0xf6: {  	(v2sf) =	vpush v9, $0xD;
	_ =	sdelay $0x1  }
0xf7: {  	[sflag:s24] =	ssyncset.done $0x0  }
0xf8: {  	s12 =	simm.s32 $0xE200;
	s20 =	sor.u32 $0x280, s2;
	[sflag:s24] =	ssyncadd.s32 $0xFFFFE000  }
0xf9: {  	v29 =	vor.u32 s20, v0;
	v10 =	vld.idx.msk [tilespmem:v28+s12+$0x0], $0xffff  }
0xfa: {  	v30 =	vor.u32 s8, v2;
	_ =	sdelay $0x3  }
0xfb: {  	[tilespmem:v29+s19+$0x0] =	vst.idx.msk $0xffff, v10  }
0xfc: {  	v31 =	vor.u32 s20, v3;
	v10 =	vld.idx.msk [tilespmem:v30+s12+$0x0], $0xffff  }
0xfd: {  	v32 =	vor.u32 s8, v4;
	_ =	sdelay $0x3  }
0xfe: {  	s28 =	spop (v2sf);
	[tilespmem:v31+s19+$0x0] =	vst.idx.msk $0xffff, v10  }
0xff: {  	v33 =	vor.u32 s20, v5;
	s23 =	sshra.s32 s28, $0x1F;
	v10 =	vld.idx.msk [tilespmem:v32+s12+$0x0], $0xffff  }
0x100: {  	v34 =	vor.u32 s8, v6;
	s22 =	sshrl.u32 s23, $0x19  }
0x101: {  	s8 =	sadd.s32 s22, s28  }
0x102: {  	s23 =	sand.u32 $0xFFFFFF80, s8  }
0x103: {  	p3 =	slt.s32 s28, $0x1;
	p4 =	sne.s32 s28, s23  }
0x104: {  	p0 =	por !p3, !p4;
	[tilespmem:v33+s19+$0x0] =	vst.idx.msk $0xffff, v10  }
0x105: {  	v35 =	vor.u32 s20, v7;
	s20 =	simm.s32 $0x1;
	p0 =	por !p0, !p0;
	v10 =	vld.idx.msk [tilespmem:v34+s12+$0x0], $0xffff  }
0x106: {  	s8 =	sshrl.u32 s8, $0x7;
	s20 =	simm.s32 @!p0 $0x0  }
0x107: {  	s8 =	ssub.s32 s8, s20  }
0x108: {  	s8 =	sshll.u32 s8, $0x7  }
0x109: {  	s8 =	sand.u32 $0x1FFFFF80, s8  }
0x10a: {  	s8 =	sadd.s32 s1, s8;
	[tilespmem:v35+s19+$0x0] =	vst.idx.msk $0xffff, v10  }
0x10b: {  	[tilespmem:s12], [sflag:$0x6] =	stream.strided.gather [hbm4b:s8+s10], $0x2000, s0, s10, $0x38;
	[tilespmem:$0x14200] =	vst v63  }
0x10c: {  	_ =	swait.ge [sflag:s25], $0x2000  }
0x10d: {  	(v2sf) =	vpush v9, $0x6;
	_ =	sdelay $0xe  }
0x10e: {  	s21 =	spop (v2sf)  }
0x10f: {  	s22 =	sand.u32 $0x7F, s21  }
0x110: {  	v36 =	vor.u32 s22, v1  }
0x111: {  	(v2sf) =	vpush v9, $0xE;
	_ =	sdelay $0x1  }
0x112: {  	[sflag:s25] =	ssyncset.done $0x0  }
0x113: {  	[sflag:s25] =	ssyncadd.s32 $0xFFFFE000;
	s21 =	sor.u32 $0x300, s2  }
0x114: {  	v37 =	vor.u32 s21, v0;
	v10 =	vld.idx.msk [tilespmem:v36+s17+$0x0], $0xffff  }
0x115: {  	v38 =	vor.u32 s22, v2;
	_ =	sdelay $0x3  }
0x116: {  	[tilespmem:v37+s19+$0x0] =	vst.idx.msk $0xffff, v10  }
0x117: {  	v39 =	vor.u32 s21, v3;
	v10 =	vld.idx.msk [tilespmem:v38+s17+$0x0], $0xffff  }
0x118: {  	v40 =	vor.u32 s22, v4;
	_ =	sdelay $0x3  }
0x119: {  	s8 =	spop (v2sf);
	[tilespmem:v39+s19+$0x0] =	vst.idx.msk $0xffff, v10  }
0x11a: {  	v41 =	vor.u32 s21, v5;
	s23 =	sshra.s32 s8, $0x1F;
	v10 =	vld.idx.msk [tilespmem:v40+s17+$0x0], $0xffff  }
0x11b: {  	v42 =	vor.u32 s22, v6;
	s22 =	sshrl.u32 s23, $0x19  }
0x11c: {  	s20 =	sadd.s32 s22, s8  }
0x11d: {  	s23 =	sand.u32 $0xFFFFFF80, s20  }
0x11e: {  	p5 =	slt.s32 s8, $0x1;
	p6 =	sne.s32 s8, s23  }
0x11f: {  	p0 =	por !p5, !p6;
	[tilespmem:v41+s19+$0x0] =	vst.idx.msk $0xffff, v10  }
0x120: {  	v43 =	vor.u32 s21, v7;
	s21 =	simm.s32 $0x1;
	p0 =	por !p0, !p0;
	v10 =	vld.idx.msk [tilespmem:v42+s17+$0x0], $0xffff  }
0x121: {  	s20 =	sshrl.u32 s20, $0x7;
	s21 =	simm.s32 @!p0 $0x0  }
0x122: {  	s20 =	ssub.s32 s20, s21  }
0x123: {  	s20 =	sshll.u32 s20, $0x7  }
0x124: {  	s20 =	sand.u32 $0x1FFFFF80, s20  }
0x125: {  	s20 =	sadd.s32 s1, s20;
	[tilespmem:v43+s19+$0x0] =	vst.idx.msk $0xffff, v10  }
0x126: {  	[tilespmem:s17], [sflag:$0x7] =	stream.strided.gather [hbm4b:s20+s10], $0x2000, s0, s10, $0x38;
	[tilespmem:$0x14200] =	vst v63  }
0x127: {  	_ =	swait.ge [sflag:s26], $0x2000  }
0x128: {  	(v2sf) =	vpush v9, $0x7;
	_ =	sdelay $0xe  }
0x129: {  	s22 =	spop (v2sf)  }
0x12a: {  	s21 =	sand.u32 $0x7F, s22  }
0x12b: {  	v44 =	vor.u32 s21, v1  }
0x12c: {  	(v2sf) =	vpush v9, $0xF;
	_ =	sdelay $0x1  }
0x12d: {  	[sflag:s26] =	ssyncset.done $0x0  }
0x12e: {  	[sflag:s26] =	ssyncadd.s32 $0xFFFFE000;
	s22 =	sor.u32 $0x380, s2  }
0x12f: {  	v46 =	vor.u32 s22, v0;
	v45 =	vld.idx.msk [tilespmem:v44+s14+$0x0], $0xffff  }
0x130: {  	v47 =	vor.u32 s21, v2;
	_ =	sdelay $0x3  }
0x131: {  	[tilespmem:v46+s19+$0x0] =	vst.idx.msk $0xffff, v45  }
0x132: {  	v48 =	vor.u32 s22, v3;
	v9 =	vld.idx.msk [tilespmem:v47+s14+$0x0], $0xffff  }
0x133: {  	v49 =	vor.u32 s21, v4;
	_ =	sdelay $0x3  }
0x134: {  	s20 =	spop (v2sf);
	[tilespmem:v48+s19+$0x0] =	vst.idx.msk $0xffff, v9  }
0x135: {  	v50 =	vor.u32 s22, v5;
	s23 =	sshra.s32 s20, $0x1F;
	v9 =	vld.idx.msk [tilespmem:v49+s14+$0x0], $0xffff  }
0x136: {  	v51 =	vor.u32 s21, v6;
	s23 =	sshrl.u32 s23, $0x19  }
0x137: {  	s21 =	sadd.s32 s23, s20  }
0x138: {  	s23 =	sand.u32 $0xFFFFFF80, s21  }
0x139: {  	p2 =	slt.s32 s20, $0x1;
	p1 =	sne.s32 s20, s23  }
0x13a: {  	p0 =	por !p2, !p1;
	[tilespmem:v50+s19+$0x0] =	vst.idx.msk $0xffff, v9  }
0x13b: {  	v52 =	vor.u32 s22, v7;
	s22 =	simm.s32 $0x1;
	p0 =	por !p0, !p0;
	v9 =	vld.idx.msk [tilespmem:v51+s14+$0x0], $0xffff  }
0x13c: {  	s21 =	sshrl.u32 s21, $0x7;
	s22 =	simm.s32 @!p0 $0x0  }
0x13d: {  	s21 =	ssub.s32 s21, s22  }
0x13e: {  	s21 =	sshll.u32 s21, $0x7  }
0x13f: {  	s3 =	sand.u32 $0x7F, s3;
	s21 =	sand.u32 $0x1FFFFF80, s21  }
0x140: {  	v53 =	vor.u32 s3, v1;
	s23 =	simm.s32 $0x1;
	s21 =	sadd.s32 s1, s21;
	[tilespmem:v52+s19+$0x0] =	vst.idx.msk $0xffff, v9  }
0x141: {  	[tilespmem:s14], [sflag:$0x8] =	stream.strided.gather [hbm4b:s21+s10], $0x2000, s0, s10, $0x38;
	[tilespmem:$0x14200] =	vst v63  }
0x142: {  	_ =	swait.ge [sflag:s23], $0x2000  }
0x143: {  	[sflag:s23] =	ssyncset.done $0x0  }
0x144: {  	s21 =	sor.u32 $0x400, s2;
	(v2sf) =	vpush v8, $0x0;
	[sflag:s23] =	ssyncadd.s32 $0xFFFFE000  }
0x145: {  	v54 =	vor.u32 s21, v0;
	v9 =	vld.idx.msk [tilespmem:v53+s13+$0x0], $0xffff  }
0x146: {  	v55 =	vor.u32 s3, v2;
	_ =	sdelay $0x3  }
0x147: {  	[tilespmem:v54+s19+$0x0] =	vst.idx.msk $0xffff, v9  }
0x148: {  	v56 =	vor.u32 s21, v3;
	v9 =	vld.idx.msk [tilespmem:v55+s13+$0x0], $0xffff  }
0x149: {  	v57 =	vor.u32 s3, v4;
	_ =	sdelay $0x3  }
0x14a: {  	[tilespmem:v56+s19+$0x0] =	vst.idx.msk $0xffff, v9  }
0x14b: {  	v58 =	vor.u32 s21, v5;
	v9 =	vld.idx.msk [tilespmem:v57+s13+$0x0], $0xffff  }
0x14c: {  	v59 =	vor.u32 s3, v6  }
0x14d: {  	s3 =	spop (v2sf)  }
0x14e: {  	s22 =	sand.u32 $0x7F, s3  }
0x14f: {  	p4 =	slt.s32 s3, $0x1;
	p3 =	sne.s32 s22, $0x0;
	s22 =	sshra.s32 s3, $0x1F  }
0x150: {  	s22 =	sshrl.u32 s22, $0x19;
	p0 =	por !p4, !p3;
	[tilespmem:v58+s19+$0x0] =	vst.idx.msk $0xffff, v9  }
0x151: {  	v60 =	vor.u32 s21, v7;
	s21 =	simm.s32 $0x1;
	s3 =	sadd.s32 s22, s3;
	p0 =	por !p0, !p0;
	v10 =	vld.idx.msk [tilespmem:v59+s13+$0x0], $0xffff  }
0x152: {  	s3 =	sshrl.u32 s3, $0x7;
	s21 =	simm.s32 @!p0 $0x0  }
0x153: {  	s3 =	ssub.s32 s3, s21  }
0x154: {  	s3 =	sshll.u32 s3, $0x7  }
0x155: {  	s4 =	sand.u32 $0x7F, s4;
	s3 =	sand.u32 $0x1FFFFF80, s3  }
0x156: {  	v61 =	vor.u32 s4, v1;
	s22 =	simm.s32 $0x2;
	s3 =	sadd.s32 s1, s3;
	[tilespmem:v60+s19+$0x0] =	vst.idx.msk $0xffff, v10  }
0x157: {  	[tilespmem:s13], [sflag:$0x1] =	stream.strided.gather [hbm4b:s3+s10], $0x2000, s0, s10, $0x38;
	[tilespmem:$0x14200] =	vst v63  }
0x158: {  	_ =	swait.ge [sflag:s22], $0x2000  }
0x159: {  	[sflag:s22] =	ssyncset.done $0x0  }
0x15a: {  	s3 =	sor.u32 $0x480, s2;
	(v2sf) =	vpush v8, $0x1;
	[sflag:s22] =	ssyncadd.s32 $0xFFFFE000  }
0x15b: {  	v62 =	vor.u32 s3, v0;
	v9 =	vld.idx.msk [tilespmem:v61+s18+$0x0], $0xffff  }
0x15c: {  	v63 =	vor.u32 s4, v2;
	_ =	sdelay $0x3  }
0x15d: {  	[tilespmem:v62+s19+$0x0] =	vst.idx.msk $0xffff, v9  }
0x15e: {  	v12 =	vor.u32 s3, v3;
	v9 =	vld.idx.msk [tilespmem:v63+s18+$0x0], $0xffff  }
0x15f: {  	v13 =	vor.u32 s4, v4;
	_ =	sdelay $0x3  }
0x160: {  	[tilespmem:v12+s19+$0x0] =	vst.idx.msk $0xffff, v9  }
0x161: {  	v14 =	vor.u32 s3, v5;
	v9 =	vld.idx.msk [tilespmem:v13+s18+$0x0], $0xffff  }
0x162: {  	v15 =	vor.u32 s4, v6  }
0x163: {  	s4 =	spop (v2sf)  }
0x164: {  	s21 =	sand.u32 $0x7F, s4  }
0x165: {  	p6 =	slt.s32 s4, $0x1;
	p5 =	sne.s32 s21, $0x0;
	s21 =	sshra.s32 s4, $0x1F  }
0x166: {  	s21 =	sshrl.u32 s21, $0x19;
	p0 =	por !p6, !p5;
	[tilespmem:v14+s19+$0x0] =	vst.idx.msk $0xffff, v9  }
0x167: {  	v16 =	vor.u32 s3, v7;
	s3 =	sadd.s32 s21, s4;
	p0 =	por !p0, !p0;
	s4 =	simm.s32 $0x1;
	v10 =	vld.idx.msk [tilespmem:v15+s18+$0x0], $0xffff  }
0x168: {  	s3 =	sshrl.u32 s3, $0x7;
	s4 =	simm.s32 @!p0 $0x0  }
0x169: {  	s3 =	ssub.s32 s3, s4  }
0x16a: {  	s3 =	sshll.u32 s3, $0x7  }
0x16b: {  	s5 =	sand.u32 $0x7F, s5;
	s3 =	sand.u32 $0x1FFFFF80, s3  }
0x16c: {  	v17 =	vor.u32 s5, v1;
	s21 =	simm.s32 $0x3;
	s3 =	sadd.s32 s1, s3;
	[tilespmem:v16+s19+$0x0] =	vst.idx.msk $0xffff, v10  }
0x16d: {  	[tilespmem:s18], [sflag:$0x2] =	stream.strided.gather [hbm4b:s3+s10], $0x2000, s0, s10, $0x38;
	[tilespmem:$0x14200] =	vst v63  }
0x16e: {  	_ =	swait.ge [sflag:s21], $0x2000  }
0x16f: {  	[sflag:s21] =	ssyncset.done $0x0  }
0x170: {  	s3 =	sor.u32 $0x500, s2;
	(v2sf) =	vpush v8, $0x2;
	[sflag:s21] =	ssyncadd.s32 $0xFFFFE000  }
0x171: {  	v18 =	vor.u32 s3, v0;
	v9 =	vld.idx.msk [tilespmem:v17+s15+$0x0], $0xffff  }
0x172: {  	v19 =	vor.u32 s5, v2;
	_ =	sdelay $0x3  }
0x173: {  	[tilespmem:v18+s19+$0x0] =	vst.idx.msk $0xffff, v9  }
0x174: {  	v20 =	vor.u32 s3, v3;
	v9 =	vld.idx.msk [tilespmem:v19+s15+$0x0], $0xffff  }
0x175: {  	v21 =	vor.u32 s5, v4;
	_ =	sdelay $0x3  }
0x176: {  	[tilespmem:v20+s19+$0x0] =	vst.idx.msk $0xffff, v9  }
0x177: {  	v22 =	vor.u32 s3, v5;
	v9 =	vld.idx.msk [tilespmem:v21+s15+$0x0], $0xffff  }
0x178: {  	v23 =	vor.u32 s5, v6  }
0x179: {  	s4 =	spop (v2sf)  }
0x17a: {  	s5 =	sand.u32 $0x7F, s4  }
0x17b: {  	p2 =	slt.s32 s4, $0x1;
	p1 =	sne.s32 s5, $0x0;
	s5 =	sshra.s32 s4, $0x1F  }
0x17c: {  	s5 =	sshrl.u32 s5, $0x19;
	p0 =	por !p2, !p1;
	[tilespmem:v22+s19+$0x0] =	vst.idx.msk $0xffff, v9  }
0x17d: {  	v24 =	vor.u32 s3, v7;
	s5 =	sadd.s32 s5, s4;
	p0 =	por !p0, !p0;
	s4 =	simm.s32 $0x1;
	v10 =	vld.idx.msk [tilespmem:v23+s15+$0x0], $0xffff  }
0x17e: {  	s3 =	sshrl.u32 s5, $0x7;
	s4 =	simm.s32 @!p0 $0x0  }
0x17f: {  	s3 =	ssub.s32 s3, s4  }
0x180: {  	s3 =	sshll.u32 s3, $0x7  }
0x181: {  	s5 =	sand.u32 $0x7F, s6;
	s3 =	sand.u32 $0x1FFFFF80, s3  }
0x182: {  	v25 =	vor.u32 s5, v1;
	s3 =	sadd.s32 s1, s3;
	[tilespmem:v24+s19+$0x0] =	vst.idx.msk $0xffff, v10  }
0x183: {  	[tilespmem:s15], [sflag:$0x3] =	stream.strided.gather [hbm4b:s3+s10], $0x2000, s0, s10, $0x38;
	[tilespmem:$0x14200] =	vst v63  }
0x184: {  	_ =	swait.ge [sflag:s16], $0x2000  }
0x185: {  	[sflag:s16] =	ssyncset.done $0x0  }
0x186: {  	s3 =	sor.u32 $0x580, s2;
	(v2sf) =	vpush v8, $0x3;
	[sflag:s16] =	ssyncadd.s32 $0xFFFFE000  }
0x187: {  	v26 =	vor.u32 s3, v0;
	v9 =	vld.idx.msk [tilespmem:v25+s9+$0x0], $0xffff  }
0x188: {  	v27 =	vor.u32 s5, v2;
	_ =	sdelay $0x3  }
0x189: {  	[tilespmem:v26+s19+$0x0] =	vst.idx.msk $0xffff, v9  }
0x18a: {  	v28 =	vor.u32 s3, v3;
	v9 =	vld.idx.msk [tilespmem:v27+s9+$0x0], $0xffff  }
0x18b: {  	v29 =	vor.u32 s5, v4;
	_ =	sdelay $0x3  }
0x18c: {  	[tilespmem:v28+s19+$0x0] =	vst.idx.msk $0xffff, v9  }
0x18d: {  	v30 =	vor.u32 s3, v5;
	v9 =	vld.idx.msk [tilespmem:v29+s9+$0x0], $0xffff  }
0x18e: {  	v31 =	vor.u32 s5, v6  }
0x18f: {  	s4 =	spop (v2sf)  }
0x190: {  	s6 =	sand.u32 $0x7F, s4  }
0x191: {  	p4 =	slt.s32 s4, $0x1;
	p3 =	sne.s32 s6, $0x0;
	s6 =	sshra.s32 s4, $0x1F  }
0x192: {  	s5 =	sshrl.u32 s6, $0x19;
	p0 =	por !p4, !p3;
	[tilespmem:v30+s19+$0x0] =	vst.idx.msk $0xffff, v9  }
0x193: {  	v32 =	vor.u32 s3, v7;
	s6 =	sadd.s32 s5, s4;
	p0 =	por !p0, !p0;
	s4 =	simm.s32 $0x1;
	v10 =	vld.idx.msk [tilespmem:v31+s9+$0x0], $0xffff  }
0x194: {  	s3 =	sshrl.u32 s6, $0x7;
	s4 =	simm.s32 @!p0 $0x0  }
0x195: {  	s3 =	ssub.s32 s3, s4  }
0x196: {  	s3 =	sshll.u32 s3, $0x7  }
0x197: {  	s7 =	sand.u32 $0x7F, s7;
	s3 =	sand.u32 $0x1FFFFF80, s3  }
0x198: {  	v33 =	vor.u32 s7, v1;
	s3 =	sadd.s32 s1, s3;
	[tilespmem:v32+s19+$0x0] =	vst.idx.msk $0xffff, v10  }
0x199: {  	[tilespmem:s9], [sflag:$0x4] =	stream.strided.gather [hbm4b:s3+s10], $0x2000, s0, s10, $0x38;
	[tilespmem:$0x14200] =	vst v63  }
0x19a: {  	_ =	swait.ge [sflag:s11], $0x2000  }
0x19b: {  	[sflag:s11] =	ssyncset.done $0x0  }
0x19c: {  	s0 =	sor.u32 $0x600, s2;
	(v2sf) =	vpush v8, $0x4;
	[sflag:s11] =	ssyncadd.s32 $0xFFFFE000  }
0x19d: {  	v34 =	vor.u32 s0, v0;
	v9 =	vld.idx.msk [tilespmem:v33+s31+$0x0], $0xffff  }
0x19e: {  	v35 =	vor.u32 s7, v2;
	_ =	sdelay $0x3  }
0x19f: {  	[tilespmem:v34+s19+$0x0] =	vst.idx.msk $0xffff, v9  }
0x1a0: {  	v36 =	vor.u32 s0, v3;
	v9 =	vld.idx.msk [tilespmem:v35+s31+$0x0], $0xffff  }
0x1a1: {  	v37 =	vor.u32 s7, v4;
	_ =	sdelay $0x3  }
0x1a2: {  	[tilespmem:v36+s19+$0x0] =	vst.idx.msk $0xffff, v9  }
0x1a3: {  	v38 =	vor.u32 s0, v5;
	v9 =	vld.idx.msk [tilespmem:v37+s31+$0x0], $0xffff  }
0x1a4: {  	v39 =	vor.u32 s7, v6  }
0x1a5: {  	s6 =	spop (v2sf)  }
0x1a6: {  	s7 =	sand.u32 $0x7F, s6  }
0x1a7: {  	s11 =	sshra.s32 s6, $0x1F;
	p6 =	slt.s32 s6, $0x1;
	p5 =	sne.s32 s7, $0x0  }
0x1a8: {  	s5 =	sshrl.u32 s11, $0x19;
	p0 =	por !p6, !p5;
	[tilespmem:v38+s19+$0x0] =	vst.idx.msk $0xffff, v9  }
0x1a9: {  	s4 =	simm.s32 $0x1;
	v40 =	vor.u32 s0, v7;
	s0 =	sadd.s32 s5, s6;
	p0 =	por !p0, !p0;
	v10 =	vld.idx.msk [tilespmem:v39+s31+$0x0], $0xffff  }
0x1aa: {  	s3 =	sshrl.u32 s0, $0x7;
	s4 =	simm.s32 @!p0 $0x0  }
0x1ab: {  	s3 =	ssub.s32 s3, s4  }
0x1ac: {  	s10 =	simm.s32 $0x7A1400;
	s3 =	sshll.u32 s3, $0x7  }
0x1ad: {  	s5 =	sand.u32 $0x7F, s28;
	s3 =	sand.u32 $0x1FFFFF80, s3  }
0x1ae: {  	s9 =	simm.s32 $0x400;
	s28 =	simm.s32 $0xC200;
	v41 =	vor.u32 s5, v1;
	s3 =	sadd.s32 s1, s3;
	[tilespmem:v40+s19+$0x0] =	vst.idx.msk $0xffff, v10  }
0x1af: {  	[tilespmem:s28], [sflag:$0x5] =	stream.strided.gather [hbm4b:s3+s9], $0x2000, s10, s9, $0x38;
	[tilespmem:$0x14200] =	vst v63  }
0x1b0: {  	_ =	swait.ge [sflag:s24], $0x2000  }
0x1b1: {  	[sflag:s24] =	ssyncset.done $0x0  }
0x1b2: {  	s6 =	sor.u32 $0x680, s2;
	(v2sf) =	vpush v8, $0x5;
	[sflag:s24] =	ssyncadd.s32 $0xFFFFE000  }
0x1b3: {  	v42 =	vor.u32 s6, v0;
	v9 =	vld.idx.msk [tilespmem:v41+s12+$0x0], $0xffff  }
0x1b4: {  	v43 =	vor.u32 s5, v2;
	_ =	sdelay $0x3  }
0x1b5: {  	[tilespmem:v42+s19+$0x0] =	vst.idx.msk $0xffff, v9  }
0x1b6: {  	v44 =	vor.u32 s6, v3;
	v9 =	vld.idx.msk [tilespmem:v43+s12+$0x0], $0xffff  }
0x1b7: {  	v45 =	vor.u32 s5, v4;
	_ =	sdelay $0x3  }
0x1b8: {  	[tilespmem:v44+s19+$0x0] =	vst.idx.msk $0xffff, v9  }
0x1b9: {  	v46 =	vor.u32 s6, v5;
	v9 =	vld.idx.msk [tilespmem:v45+s12+$0x0], $0xffff  }
0x1ba: {  	v47 =	vor.u32 s5, v6  }
0x1bb: {  	s7 =	spop (v2sf)  }
0x1bc: {  	s11 =	sand.u32 $0x7F, s7  }
0x1bd: {  	s0 =	sshra.s32 s7, $0x1F;
	p2 =	slt.s32 s7, $0x1;
	p1 =	sne.s32 s11, $0x0  }
0x1be: {  	s5 =	sshrl.u32 s0, $0x19;
	p0 =	por !p2, !p1;
	[tilespmem:v46+s19+$0x0] =	vst.idx.msk $0xffff, v9  }
0x1bf: {  	v48 =	vor.u32 s6, v7;
	s4 =	simm.s32 $0x1;
	s5 =	sadd.s32 s5, s7;
	p0 =	por !p0, !p0;
	v10 =	vld.idx.msk [tilespmem:v47+s12+$0x0], $0xffff  }
0x1c0: {  	s3 =	sshrl.u32 s5, $0x7;
	s4 =	simm.s32 @!p0 $0x0  }
0x1c1: {  	s3 =	ssub.s32 s3, s4  }
0x1c2: {  	s3 =	sshll.u32 s3, $0x7  }
0x1c3: {  	s6 =	sand.u32 $0x7F, s8;
	s3 =	sand.u32 $0x1FFFFF80, s3  }
0x1c4: {  	v49 =	vor.u32 s6, v1;
	s3 =	sadd.s32 s1, s3;
	[tilespmem:v48+s19+$0x0] =	vst.idx.msk $0xffff, v10  }
0x1c5: {  	[tilespmem:s12], [sflag:$0x6] =	stream.strided.gather [hbm4b:s3+s9], $0x2000, s10, s9, $0x38;
	[tilespmem:$0x14200] =	vst v63  }
0x1c6: {  	_ =	swait.ge [sflag:s25], $0x2000  }
0x1c7: {  	[sflag:s25] =	ssyncset.done $0x0  }
0x1c8: {  	s7 =	sor.u32 $0x700, s2;
	(v2sf) =	vpush v8, $0x6;
	[sflag:s25] =	ssyncadd.s32 $0xFFFFE000  }
0x1c9: {  	v50 =	vor.u32 s7, v0;
	v9 =	vld.idx.msk [tilespmem:v49+s17+$0x0], $0xffff  }
0x1ca: {  	v51 =	vor.u32 s6, v2;
	_ =	sdelay $0x3  }
0x1cb: {  	[tilespmem:v50+s19+$0x0] =	vst.idx.msk $0xffff, v9  }
0x1cc: {  	v52 =	vor.u32 s7, v3;
	v9 =	vld.idx.msk [tilespmem:v51+s17+$0x0], $0xffff  }
0x1cd: {  	v53 =	vor.u32 s6, v4;
	_ =	sdelay $0x3  }
0x1ce: {  	[tilespmem:v52+s19+$0x0] =	vst.idx.msk $0xffff, v9  }
0x1cf: {  	v54 =	vor.u32 s7, v5;
	v9 =	vld.idx.msk [tilespmem:v53+s17+$0x0], $0xffff  }
0x1d0: {  	v55 =	vor.u32 s6, v6  }
0x1d1: {  	s8 =	spop (v2sf)  }
0x1d2: {  	s11 =	sand.u32 $0x7F, s8  }
0x1d3: {  	s12 =	sshra.s32 s8, $0x1F;
	p4 =	slt.s32 s8, $0x1;
	p3 =	sne.s32 s11, $0x0  }
0x1d4: {  	s5 =	sshrl.u32 s12, $0x19;
	p0 =	por !p4, !p3;
	[tilespmem:v54+s19+$0x0] =	vst.idx.msk $0xffff, v9  }
0x1d5: {  	v56 =	vor.u32 s7, v7;
	s4 =	simm.s32 $0x1;
	s0 =	sadd.s32 s5, s8;
	p0 =	por !p0, !p0;
	v10 =	vld.idx.msk [tilespmem:v55+s17+$0x0], $0xffff  }
0x1d6: {  	s3 =	sshrl.u32 s0, $0x7;
	s4 =	simm.s32 @!p0 $0x0  }
0x1d7: {  	s3 =	ssub.s32 s3, s4  }
0x1d8: {  	s3 =	sshll.u32 s3, $0x7  }
0x1d9: {  	s5 =	sand.u32 $0x7F, s20;
	s3 =	sand.u32 $0x1FFFFF80, s3  }
0x1da: {  	v57 =	vor.u32 s5, v1;
	s3 =	sadd.s32 s1, s3;
	[tilespmem:v56+s19+$0x0] =	vst.idx.msk $0xffff, v10  }
0x1db: {  	[tilespmem:s17], [sflag:$0x7] =	stream.strided.gather [hbm4b:s3+s9], $0x2000, s10, s9, $0x38;
	[tilespmem:$0x14200] =	vst v63  }
0x1dc: {  	_ =	swait.ge [sflag:s26], $0x2000  }
0x1dd: {  	[sflag:s26] =	ssyncset.done $0x0  }
0x1de: {  	s2 =	sor.u32 $0x780, s2;
	(v2sf) =	vpush v8, $0x7;
	[sflag:s26] =	ssyncadd.s32 $0xFFFFE000  }
0x1df: {  	v58 =	vor.u32 s2, v0;
	v8 =	vld.idx.msk [tilespmem:v57+s14+$0x0], $0xffff  }
0x1e0: {  	v59 =	vor.u32 s5, v2;
	_ =	sdelay $0x3  }
0x1e1: {  	[tilespmem:v58+s19+$0x0] =	vst.idx.msk $0xffff, v8  }
0x1e2: {  	v60 =	vor.u32 s2, v3;
	v8 =	vld.idx.msk [tilespmem:v59+s14+$0x0], $0xffff  }
0x1e3: {  	v61 =	vor.u32 s5, v4;
	_ =	sdelay $0x3  }
0x1e4: {  	[tilespmem:v60+s19+$0x0] =	vst.idx.msk $0xffff, v8  }
0x1e5: {  	v62 =	vor.u32 s2, v5;
	v8 =	vld.idx.msk [tilespmem:v61+s14+$0x0], $0xffff  }
0x1e6: {  	v63 =	vor.u32 s5, v6  }
0x1e7: {  	s6 =	spop (v2sf)  }
0x1e8: {  	s7 =	sand.u32 $0x7F, s6  }
0x1e9: {  	s8 =	sshra.s32 s6, $0x1F;
	p6 =	slt.s32 s6, $0x1;
	p5 =	sne.s32 s7, $0x0  }
0x1ea: {  	s4 =	sshrl.u32 s8, $0x19;
	p0 =	por !p6, !p5;
	[tilespmem:v62+s19+$0x0] =	vst.idx.msk $0xffff, v8  }
0x1eb: {  	s3 =	simm.s32 $0x1;
	s11 =	sadd.s32 s4, s6;
	v8 =	vor.u32 s2, v7;
	p0 =	por !p0, !p0;
	v9 =	vld.idx.msk [tilespmem:v63+s14+$0x0], $0xffff  }
0x1ec: {  	s2 =	sshrl.u32 s11, $0x7;
	s3 =	simm.s32 @!p0 $0x0  }
0x1ed: {  	s2 =	ssub.s32 s2, s3  }
0x1ee: {  	s12 =	rddreg [dreg:$0x8];
	s2 =	sshll.u32 s2, $0x7  }
0x1ef: {  	s20 =	rddreg [dreg:$0x9];
	s2 =	sand.u32 $0x1FFFFF80, s2  }
0x1f0: {  	s31 =	sadd.s32 $0x1, s20;
	p0 =	sne.s32 s12, $0x7;
	s2 =	sadd.s32 s1, s2;
	[tilespmem:v8+s19+$0x0] =	vst.idx.msk $0xffff, v9  }
0x1f1: {  	[tilespmem:s14], [sflag:$0x8] =	stream.strided.gather [hbm4b:s2+s9], $0x2000, s10, s9, $0x38;
	[tilespmem:$0x14200] =	vst v63  }
0x1f2: {  	p1 =	sne.s32 s31, $0x20;
	s0 =	simm.s32 @!p0 $0x0;
	s2 =	simm.s32 @!p0 $0x200  }
0x1f3: {  	[hbm4b:s30+s0] =	stream.linear.scatter @!p0 [tilespmem:s2], [sflag:$0x9], $0x4000, $0x38;
	[tilespmem:$0x14200] =	vst v63  }
.Ltmp0:
0x1f4: {  	_ = 	snop;
	(pc) =	sbr.rel @p1 .LBB2_2-.Ltmp0, $4  }
0x1f5: {  	s0 =	simm.s32 @!p0 $0x9  }
0x1f6: {  	_ =	swait.ge @!p0 [sflag:s0], $0x4000  }
0x1f7: {  	[sflag:s0] =	ssyncset.done @!p0 $0x0  }
0x1f8: {  	s30 =	sadd.s32 $0x100, s30;
	[sflag:s0] =	ssyncadd.s32 @!p0 $0xFFFFC000  }
0x1f9: {  	_ =	swait.ge [sflag:s23], $0x2000  }
0x1fa: {  	[sflag:s23] =	ssyncset.done $0x0  }
0x1fb: {  	[sflag:s23] =	ssyncadd.s32 $0xFFFFE000  }
0x1fc: {  	_ =	swait.ge [sflag:s22], $0x2000  }
0x1fd: {  	[sflag:s22] =	ssyncset.done $0x0  }
0x1fe: {  	[sflag:s22] =	ssyncadd.s32 $0xFFFFE000  }
0x1ff: {  	_ =	swait.ge [sflag:s21], $0x2000  }
0x200: {  	[sflag:s21] =	ssyncset.done $0x0  }
0x201: {  	s0 =	simm.s32 $0x4;
	[sflag:s21] =	ssyncadd.s32 $0xFFFFE000  }
0x202: {  	_ =	swait.ge [sflag:s0], $0x2000  }
0x203: {  	[sflag:s0] =	ssyncset.done $0x0  }
0x204: {  	s20 =	simm.s32 $0x5;
	[sflag:s0] =	ssyncadd.s32 $0xFFFFE000  }
0x205: {  	_ =	swait.ge [sflag:s20], $0x2000  }
0x206: {  	[sflag:s20] =	ssyncset.done $0x0  }
0x207: {  	s29 =	simm.s32 $0x6;
	[sflag:s20] =	ssyncadd.s32 $0xFFFFE000  }
0x208: {  	_ =	swait.ge [sflag:s29], $0x2000  }
0x209: {  	[sflag:s29] =	ssyncset.done $0x0  }
0x20a: {  	s30 =	simm.s32 $0x7;
	[sflag:s29] =	ssyncadd.s32 $0xFFFFE000  }
0x20b: {  	_ =	swait.ge [sflag:s30], $0x2000  }
0x20c: {  	[sflag:s30] =	ssyncset.done $0x0  }
0x20d: {  	s3 =	simm.s32 $0x8;
	[sflag:s30] =	ssyncadd.s32 $0xFFFFE000  }
0x20e: {  	_ =	swait.ge [sflag:s3], $0x2000  }
0x20f: {  	s2 =	rddreg [dreg:$0x7]  }
0x210: {  	s31 =	rddreg [dreg:$0x5];
	s2 =	sadd.s32 $0x1, s2  }
0x211: {  	p0 =	sne.s32 s2, s31  }
.Ltmp1:
0x212: {  	_ = 	snop;
	(pc) =	sbr.rel @p0 .LBB2_1-.Ltmp1, $4  }
0x213: {  	_ = 	snop  }
0x214: {  	s4 =	simm.s32 $0x4200;
	s5 =	simm.s32 $0x6200;
	s6 =	simm.s32 $0x8200  }
0x215: {  	s7 =	simm.s32 $0xA200;
	s8 =	simm.s32 $0xE200;
	[sflag:s3] =	ssyncset.done $0x0  }
0x216: {  	s11 =	simm.s32 $0x10200;
	s12 =	simm.s32 $0x12200;
	[sflag:s3] =	ssyncadd.s32 $0xFFFFE000  }
0x217: {  	_ =	sfence.sel $0x180000  }
0x218: {  	[bflag:$0x0] =	sbarrier.arrive $0xFFFF  }
0x219: {  	_ =	strace $0x90000047  }
0x21a: {  	s0 =	stileid.u32;
	[bflag:$0x2] =	sbarrier.arrive $0xFFFF  }
0x21b: {  	p0 =	sne.s32 s0, $0x0;
	s0 =	rddreg [dreg:$0x3]  }
0x21c: {  	s0 =	sadd.s32 @!p0 $0x100000, s0  }
0x21d: {  	[sflag:s0] =	ssyncadd.tile.s32 @!p0 $0x1;
	_ =	shalt  }
.Lfunc_end2:
_tile_overlayer_lowered:
.L_overlay_start_2:
0x21e: {  	(tag) =	ssettag $0x2  }
0x21f: {  	s0 =	rddreg [dreg:$0x0];
	s2 =	stileid.u32  }
0x220: {  	s1 =	rddreg [dreg:$0x1];
	p0 =	sne.s32 s2, $0x0  }
0x221: {  	s3 =	rddreg [dreg:$0x2];
	[bflag:$0x3] =	sbarrier.arrive $0xFFFF;
	s2 =	simm.s32 @!p0 $0x1C09  }
0x222: {  	[timem:s3], [sflag:s2] =	dma.local @!p0 [hbm:s0], s1  }
0x223: {  	s0 =	simm.s32 @!p0 $0x9  }
0x224: {  	_ =	swait.ge @!p0 [sflag:s0], s1  }
0x225: {  	s1 =	ssub.s32 @!p0 $0x0, s1;
	[sflag:s0] =	ssyncset.done @!p0 $0x0  }
0x226: {  	[sflag:s0] =	ssyncadd.s32 @!p0 s1  }
0x227: {  	[bflag:$0x3] =	sbarrier.arrive $0xFFFF  }
0x228: {  	_ =	shalt  }

</sc_bundles>
